<compile_context>
chip_gen: v7x
topology: tpu7x:2x2x1
jax: 0.10.2.dev20260603
libtpu: 0.0.44.dev20260713+nightly
codegen_flags: <defaults>
</compile_context>

<pallas_src>
import functools

import jax
import jax.numpy as jnp
from jax import lax
from jax.experimental import pallas as pl
from jax.experimental.pallas import tpu as pltpu
from jax.experimental.pallas import tpu_sc as plsc

LEN_FULL_EDGE = 1600000
MAX_TS = 1.0e6
GTAU = 1.0
SPREAD_MASK = 524287

NC = 2
NS = 16
NW = NC * NS
STREAM = 128
CHUNK = 640


def _sc_row_gather_body(feat_hbm, rowid_hbm, out_hbm, rv, buf0, buf1,
                        sem0, sem1, *, n_per_w):
    wid = lax.axis_index("s") * NC + lax.axis_index("c")
    base = wid * n_per_w

    pltpu.sync_copy(rowid_hbm.at[pl.ds(base, n_per_w)], rv)

    n_groups = n_per_w // CHUNK
    spg = CHUNK // STREAM
    bufs = (buf0, buf1)
    sems = (sem0, sem1)

    def fire(g, b):
        for j in range(spg):
            off = g * CHUNK + j * STREAM
            pltpu.async_copy(feat_hbm.at[rv.at[pl.ds(off, STREAM)]],
                             bufs[b].at[pl.ds(j * STREAM, STREAM)], sems[b])

    def drain(b):
        pltpu.make_async_copy(
            feat_hbm.at[pl.ds(0, CHUNK)], bufs[b], sems[b]).wait()

    def write(g, b):
        pltpu.sync_copy(bufs[b], out_hbm.at[pl.ds(base + g * CHUNK, CHUNK)])

    fire(0, 0)

    def pair(g2, _):
        g = g2 * 2
        fire(g + 1, 1)
        drain(0)
        write(g, 0)

        @pl.when(g + 2 < n_groups)
        def _():
            fire(g + 2, 0)

        drain(1)
        write(g + 1, 1)
        return 0

    lax.fori_loop(0, n_groups // 2, pair, 0)


def _run_sc_gather(feat, rowids):
    N = rowids.shape[0]
    H = feat.shape[1]
    n_per_w = N // NW
    mesh = plsc.VectorSubcoreMesh(core_axis_name="c", subcore_axis_name="s")
    body = functools.partial(_sc_row_gather_body, n_per_w=n_per_w)
    f = pl.kernel(
        body,
        mesh=mesh,
        compiler_params=pltpu.CompilerParams(use_tc_tiling_on_sc=False),
        out_type=jax.ShapeDtypeStruct((N, H), jnp.float32),
        scratch_types=[
            pltpu.VMEM((n_per_w,), jnp.int32),
            pltpu.VMEM((CHUNK, H), jnp.float32),
            pltpu.VMEM((CHUNK, H), jnp.float32),
            pltpu.SemaphoreType.DMA,
            pltpu.SemaphoreType.DMA,
        ],
    )
    return f(feat, rowids)


def _lstm_tc(x_ref, wx_ref, wh_ref, b_ref, out_ref):
    T = x_ref.shape[0]
    TB = x_ref.shape[1]
    H = x_ref.shape[2]

    def step(t, carry):
        h, c = carry
        x = x_ref[t]

        def gate(g):
            return (jnp.dot(x, wx_ref[g], preferred_element_type=jnp.float32)
                    + jnp.dot(h, wh_ref[g], preferred_element_type=jnp.float32)
                    + b_ref[g])

        zi = jax.nn.sigmoid(gate(0))
        zf = jax.nn.sigmoid(gate(1))
        zg = jnp.tanh(gate(2))
        zo = jax.nn.sigmoid(gate(3))
        c = zf * c + zi * zg
        h = zo * jnp.tanh(c)
        return (h, c)

    init = (jnp.zeros((TB, H), jnp.float32), jnp.zeros((TB, H), jnp.float32))
    h, _ = jax.lax.fori_loop(0, T, step, init)
    out_ref[...] = h


def _run_lstm(nef, W_ih, W_hh, b_lstm):
    T, B, H = nef.shape
    TB = 256
    wx = jnp.transpose(W_ih.reshape(4, H, H), (0, 2, 1))
    wh = jnp.transpose(W_hh.reshape(4, H, H), (0, 2, 1))
    b4 = b_lstm.reshape(4, H)
    return pl.pallas_call(
        _lstm_tc,
        grid=(B // TB,),
        in_specs=[
            pl.BlockSpec((T, TB, H), lambda i: (0, i, 0)),
            pl.BlockSpec((4, H, H), lambda i: (0, 0, 0)),
            pl.BlockSpec((4, H, H), lambda i: (0, 0, 0)),
            pl.BlockSpec((4, H), lambda i: (0, 0)),
        ],
        out_specs=pl.BlockSpec((TB, H), lambda i: (i, 0)),
        out_shape=jax.ShapeDtypeStruct((B, H), jnp.float32),
    )(nef, wx, wh, b4)


def _logits_gate_tc(cef_ref, vm4_ref, t_ref, ctx_ref, eps_ref,
                    exp_ref, red_ref, out_ref):
    TBB = cef_ref.shape[0]
    exp_m = exp_ref[...]
    red_m = red_ref[...]
    for i in range(TBB):
        vm = jnp.dot(vm4_ref[i], exp_m, preferred_element_type=jnp.float32)
        prod = (ctx_ref[i] * t_ref[i]) * cef_ref[i] * vm
        logits4 = jnp.dot(prod, red_m, preferred_element_type=jnp.float32)
        bias = 0.0001
        eps = eps_ref[i]
        eps_s = (bias - (1.0 - bias)) * eps + (1.0 - bias)
        gate_in = jnp.log(eps_s) - jnp.log(1.0 - eps_s)
        out_ref[i] = jax.nn.sigmoid((gate_in + logits4) / GTAU)


def _run_logits_gate(cef128, vm4, t128, ctx128, eps4):
    B = cef128.shape[0]
    Q = cef128.shape[1]
    H = 32
    TBB = 8
    lane = jnp.arange(128, dtype=jnp.int32)
    exp_m = (lane[None, :] // H == jnp.arange(4, dtype=jnp.int32)[:, None])
    exp_m = exp_m.astype(jnp.float32)
    red_m = jnp.transpose(exp_m)
    return pl.pallas_call(
        _logits_gate_tc,
        grid=(B // TBB,),
        in_specs=[
            pl.BlockSpec((TBB, Q, 128), lambda i: (i, 0, 0)),
            pl.BlockSpec((TBB, Q, 4), lambda i: (i, 0, 0)),
            pl.BlockSpec((TBB, Q, 128), lambda i: (i, 0, 0)),
            pl.BlockSpec((TBB, 128), lambda i: (i, 0)),
            pl.BlockSpec((TBB, Q, 4), lambda i: (i, 0, 0)),
            pl.BlockSpec((4, 128), lambda i: (0, 0)),
            pl.BlockSpec((128, 4), lambda i: (0, 0)),
        ],
        out_specs=pl.BlockSpec((TBB, Q, 4), lambda i: (i, 0, 0)),
        out_shape=jax.ShapeDtypeStruct((B, Q, 4), jnp.float32),
    )(cef128, vm4, t128, ctx128, eps4, exp_m, red_m)


def kernel(train_edge_feat, candidate_ts, ts_aug, eps, W_ih, W_hh, b_lstm,
           w_t, b_t, train_e_idx_l, neighbor_edge_idx, candidate_edge_idx):
    E = train_edge_feat.shape[0]
    H = train_edge_feat.shape[1]
    B, RNN_NN = neighbor_edge_idx.shape
    CAN = candidate_edge_idx.shape[1]

    pos = jnp.full((LEN_FULL_EDGE + 1,), -1, dtype=jnp.int32)
    pos = pos.at[train_e_idx_l].max(jnp.arange(E, dtype=jnp.int32))

    npos = jnp.take(pos, neighbor_edge_idx.reshape(-1), axis=0)
    nspread = jnp.arange(npos.shape[0], dtype=jnp.int32) & SPREAD_MASK
    nrow = jnp.where(npos >= 0, npos, nspread)
    nef_raw = _run_sc_gather(train_edge_feat, nrow)
    nmask = (npos >= 0).astype(jnp.float32)
    nef = (nef_raw * nmask[:, None]).reshape(B, RNN_NN, H).transpose(1, 0, 2)

    context_vec = _run_lstm(nef, W_ih, W_hh, b_lstm)

    cpos = jnp.take(pos, candidate_edge_idx.reshape(-1), axis=0)
    cspread = jnp.arange(cpos.shape[0], dtype=jnp.int32) & SPREAD_MASK
    crow = jnp.where(cpos >= 0, cpos, cspread)
    cef_raw = _run_sc_gather(train_edge_feat, crow)
    vm4 = (cpos >= 0).astype(jnp.float32).reshape(B, CAN // 4, 4)

    c_ts = candidate_ts * MAX_TS
    a_ts = ts_aug * MAX_TS
    delta_ts_sample = a_ts - c_ts
    delta_ts_sample_context = a_ts - MAX_TS
    te_sample = jnp.cos(delta_ts_sample[..., None] * w_t + b_t)
    te_context = jnp.cos(delta_ts_sample_context[..., None] * w_t + b_t)
    t_all = te_context * te_sample

    eps4 = eps.reshape(B, CAN // 4, 4)
    cef128 = cef_raw.reshape(B, CAN // 4, 4 * H)
    t128 = t_all.reshape(B, CAN // 4, 4 * H)
    ctx128 = jnp.tile(context_vec, (1, 4))

    gate4 = _run_logits_gate(cef128, vm4, t128, ctx128, eps4)
    return gate4.reshape(B, CAN)

# --- scband reference (transcript-rebuilt; emitter-appended) ---
"""Pipeline reference for scband-mtl-87917980549276 (READ-ONLY COPY).

The authoritative reference and input builder live on the scoring server;
editing this copy changes nothing except your own understanding.
"""

import jax, jax.numpy as jnp
import numpy as np

LEN_FULL_EDGE = 1600000
D_EDGE = 32
MAX_TS = 1.0e6
GTAU = 1.0


def setup_inputs(seed: int = 0) -> dict:
    key = jax.random.key(seed)
    ks = jax.random.split(key, 12)
    B = 2048
    RNN_NN = 20
    CAN = 400
    E_TRAIN = 800000
    H = D_EDGE
    return {
        "train_edge_feat": jax.random.normal(ks[0], (E_TRAIN, D_EDGE), dtype=jnp.float32),
        "candidate_ts": jax.random.uniform(ks[1], (B, CAN), dtype=jnp.float32),
        "ts_aug": jax.random.uniform(ks[2], (B, CAN), dtype=jnp.float32),
        "eps": jax.random.uniform(ks[3], (B, CAN), dtype=jnp.float32),
        "W_ih": jax.random.normal(ks[4], (4 * H, D_EDGE), dtype=jnp.float32) * 0.05,
        "W_hh": jax.random.normal(ks[5], (4 * H, H), dtype=jnp.float32) * 0.05,
        "b_lstm": jnp.zeros((4 * H,), dtype=jnp.float32),
        "w_t": jax.random.normal(ks[6], (H,), dtype=jnp.float32) * 0.05,
        "b_t": jnp.zeros((H,), dtype=jnp.float32),
        "train_e_idx_l": jax.random.randint(ks[7], (E_TRAIN,), 0, LEN_FULL_EDGE + 1),
        "neighbor_edge_idx": jax.random.randint(ks[8], (B, RNN_NN), 0, LEN_FULL_EDGE + 1),
        "candidate_edge_idx": jax.random.randint(ks[9], (B, CAN), 0, LEN_FULL_EDGE + 1),
    }


def _lstm_last_h(x_seq, W_ih, W_hh, b):
    # x_seq: [T, B, D]; single-layer LSTM, returns final hidden state h_n [B, H]
    H = W_hh.shape[1]
    B = x_seq.shape[1]

    def step(carry, x):
        h, c = carry
        z = x @ W_ih.T + h @ W_hh.T + b
        i, f, g, o = jnp.split(z, 4, axis=-1)
        i = jax.nn.sigmoid(i)
        f = jax.nn.sigmoid(f)
        g = jnp.tanh(g)
        o = jax.nn.sigmoid(o)
        c = f * c + i * g
        h = o * jnp.tanh(c)
        return (h, c), None

    init = (jnp.zeros((B, H), dtype=x_seq.dtype), jnp.zeros((B, H), dtype=x_seq.dtype))
    (h, c), _ = jax.lax.scan(step, init, x_seq)
    return h


def reference(train_edge_feat, candidate_ts, ts_aug, eps, W_ih, W_hh, b_lstm, w_t, b_t,
              train_e_idx_l, neighbor_edge_idx, candidate_edge_idx):
    # scatter learned per-train-edge features into the full edge table (memory-bound scatter)
    full_edge_feat = jnp.zeros((LEN_FULL_EDGE + 1, train_edge_feat.shape[1]), dtype=train_edge_feat.dtype)
    full_edge_feat = full_edge_feat.at[train_e_idx_l].set(train_edge_feat)

    # gather temporal-neighbor edge features, run edge RNN (LSTM) for context vectors
    B, RNN_NN = neighbor_edge_idx.shape
    nef = jnp.take(full_edge_feat, neighbor_edge_idx.reshape(-1), axis=0)
    nef = nef.reshape(B, RNN_NN, -1)
    nef = jnp.transpose(nef, (1, 0, 2))  # [T, B, D]
    context_vec = _lstm_last_h(nef, W_ih, W_hh, b_lstm)  # h_n[-1]: [B, H]

    # gather candidate (3rd-hop) edge features (dominant memory-bound gather)
    CAN = candidate_edge_idx.shape[1]
    cef = jnp.take(full_edge_feat, candidate_edge_idx.reshape(-1), axis=0)
    cef = cef.reshape(B, CAN, -1)

    # time deltas and harmonic time encoding (TGAT-style sample_time_encoder)
    c_ts = candidate_ts * MAX_TS
    a_ts = ts_aug * MAX_TS
    delta_ts_sample = a_ts - c_ts
    delta_ts_sample_context = a_ts - MAX_TS
    te_sample = jnp.cos(delta_ts_sample[..., None] * w_t + b_t)
    te_context = jnp.cos(delta_ts_sample_context[..., None] * w_t + b_t)

    ctx = context_vec[:, None, :] * te_context
    cand = cef * te_sample
    aug_edge_logits = jnp.sum(ctx * cand, axis=-1)

    # gumbel-sigmoid gating
    bias = 0.0 + 0.0001
    eps_s = (bias - (1.0 - bias)) * eps + (1.0 - bias)
    gate_inputs = jnp.log(eps_s) - jnp.log(1.0 - eps_s)
    gate = jax.nn.sigmoid((gate_inputs + aug_edge_logits) / GTAU)
    return gate

if __name__ == "__main__":
    import jax
    _d = setup_inputs()
    print(jax.jit(kernel)(*tuple(_d.values())))

</pallas_src>

<mosaic_0001>
#map = affine_map<(d0, d1) -> (0, 0)>
#map1 = affine_map<(d0, d1) -> (0)>
module attributes {stable_mosaic.version = 14 : i64} {
  func.func @_sc_row_gather_body(%arg0: i32, %arg1: i32, %arg2: memref<800000x32xf32, #tpu.memory_space<hbm>>, %arg3: memref<40960xi32, #tpu.memory_space<hbm>>, %arg4: memref<40960x32xf32, #tpu.memory_space<hbm>>, %arg5: memref<1280xi32, #tpu.memory_space<vmem>>, %arg6: memref<640x32xf32, #tpu.memory_space<vmem>>, %arg7: memref<640x32xf32, #tpu.memory_space<vmem>>, %arg8: memref<!tpu.dma_semaphore, #tpu.memory_space<semaphore_mem>>, %arg9: memref<!tpu.dma_semaphore, #tpu.memory_space<semaphore_mem>>) attributes {dimension_semantics = [#tpu.dimension_semantics<core_parallel>, #tpu.dimension_semantics<subcore_parallel>], iteration_bounds = array<i64: 2, 16>, scalar_prefetch = 0 : i64, scratch_operands = 5 : i64, tpu.core_type = #tpu.core_type<sc_vector_subcore>, window_params = [{transform_indices = #map}, {transform_indices = #map1}, {transform_indices = #map}]} {
    %mul3A = arith.constant 2 : i32
    %mul3A_0 = arith.muli %arg1, %mul3A : i32
    %add3A = arith.addi %mul3A_0, %arg0 : i32
    %mul3A_1 = arith.constant 1280 : i32
    %mul3A_2 = arith.muli %add3A, %mul3A_1 : i32
    "tpu.region"() ({
      %run_scoped3A = tpu.sem_alloc : memref<!tpu.dma_semaphore, #tpu.memory_space<semaphore_mem>>
      %dma_start3A_127 = tpu.memref_slice %arg3[%mul3A_2] : memref<40960xi32, #tpu.memory_space<hbm>> -> memref<1280xi32, #tpu.memory_space<hbm>>
      %dma_start3A_128 = tpu.memref_slice %arg3[%mul3A_2] : memref<40960xi32, #tpu.memory_space<hbm>> -> memref<1280xi32, #tpu.memory_space<hbm>>
      tpu.enqueue_dma source(%dma_start3A_128 : memref<1280xi32, #tpu.memory_space<hbm>>) target(%arg5 : memref<1280xi32, #tpu.memory_space<vmem>>) target_semaphore(%run_scoped3A : memref<!tpu.dma_semaphore, #tpu.memory_space<semaphore_mem>>)
      %dma_wait3A_129 = tpu.memref_slice %arg3[%mul3A_2] : memref<40960xi32, #tpu.memory_space<hbm>> -> memref<1280xi32, #tpu.memory_space<hbm>>
      %dma_wait3A_130 = tpu.memref_slice %arg3[%mul3A_2] : memref<40960xi32, #tpu.memory_space<hbm>> -> memref<1280xi32, #tpu.memory_space<hbm>>
      tpu.wait_dma2 semaphore(%run_scoped3A : memref<!tpu.dma_semaphore, #tpu.memory_space<semaphore_mem>>) src(%dma_wait3A_130 : memref<1280xi32, #tpu.memory_space<hbm>>) dst(%arg5 : memref<1280xi32, #tpu.memory_space<vmem>>)
      tpu.yield
    }) : () -> ()
    %dma_start3A = arith.constant 0 : i32
    %dma_start3A_3 = arith.constant 0 : i32
    %dma_start3A_4 = tpu.memref_slice %arg6[%dma_start3A, %dma_start3A_3] : memref<640x32xf32, #tpu.memory_space<vmem>> -> memref<128x32xf32, #tpu.memory_space<vmem>>
    %dma_start3A_5 = arith.constant 0 : i32
    %dma_start3A_6 = tpu.memref_slice %arg5[%dma_start3A_5] : memref<1280xi32, #tpu.memory_space<vmem>> -> memref<128xi32, #tpu.memory_space<vmem>>
    %dma_start3A_7 = arith.constant 0 : i32
    %dma_start3A_8 = arith.constant 0 : i32
    %dma_start3A_9 = tpu.memref_slice %arg2[%dma_start3A_7, %dma_start3A_8] : memref<800000x32xf32, #tpu.memory_space<hbm>> -> memref<800000x32xf32, #tpu.memory_space<hbm>>
    tpu.enqueue_indirect_dma source(%dma_start3A_9 : memref<800000x32xf32, #tpu.memory_space<hbm>>) target(%dma_start3A_4 : memref<128x32xf32, #tpu.memory_space<vmem>>) offsets(%dma_start3A_6 : memref<128xi32, #tpu.memory_space<vmem>>) semaphore(%arg8 : memref<!tpu.dma_semaphore, #tpu.memory_space<semaphore_mem>>)
    %dma_start3A_10 = arith.constant 128 : i32
    %dma_start3A_11 = arith.constant 0 : i32
    %dma_start3A_12 = tpu.memref_slice %arg6[%dma_start3A_10, %dma_start3A_11] : memref<640x32xf32, #tpu.memory_space<vmem>> -> memref<128x32xf32, #tpu.memory_space<vmem>>
    %dma_start3A_13 = arith.constant 128 : i32
    %dma_start3A_14 = tpu.memref_slice %arg5[%dma_start3A_13] : memref<1280xi32, #tpu.memory_space<vmem>> -> memref<128xi32, #tpu.memory_space<vmem>>
    %dma_start3A_15 = arith.constant 0 : i32
    %dma_start3A_16 = arith.constant 0 : i32
    %dma_start3A_17 = tpu.memref_slice %arg2[%dma_start3A_15, %dma_start3A_16] : memref<800000x32xf32, #tpu.memory_space<hbm>> -> memref<800000x32xf32, #tpu.memory_space<hbm>>
    tpu.enqueue_indirect_dma source(%dma_start3A_17 : memref<800000x32xf32, #tpu.memory_space<hbm>>) target(%dma_start3A_12 : memref<128x32xf32, #tpu.memory_space<vmem>>) offsets(%dma_start3A_14 : memref<128xi32, #tpu.memory_space<vmem>>) semaphore(%arg8 : memref<!tpu.dma_semaphore, #tpu.memory_space<semaphore_mem>>)
    %dma_start3A_18 = arith.constant 256 : i32
    %dma_start3A_19 = arith.constant 0 : i32
    %dma_start3A_20 = tpu.memref_slice %arg6[%dma_start3A_18, %dma_start3A_19] : memref<640x32xf32, #tpu.memory_space<vmem>> -> memref<128x32xf32, #tpu.memory_space<vmem>>
    %dma_start3A_21 = arith.constant 256 : i32
    %dma_start3A_22 = tpu.memref_slice %arg5[%dma_start3A_21] : memref<1280xi32, #tpu.memory_space<vmem>> -> memref<128xi32, #tpu.memory_space<vmem>>
    %dma_start3A_23 = arith.constant 0 : i32
    %dma_start3A_24 = arith.constant 0 : i32
    %dma_start3A_25 = tpu.memref_slice %arg2[%dma_start3A_23, %dma_start3A_24] : memref<800000x32xf32, #tpu.memory_space<hbm>> -> memref<800000x32xf32, #tpu.memory_space<hbm>>
    tpu.enqueue_indirect_dma source(%dma_start3A_25 : memref<800000x32xf32, #tpu.memory_space<hbm>>) target(%dma_start3A_20 : memref<128x32xf32, #tpu.memory_space<vmem>>) offsets(%dma_start3A_22 : memref<128xi32, #tpu.memory_space<vmem>>) semaphore(%arg8 : memref<!tpu.dma_semaphore, #tpu.memory_space<semaphore_mem>>)
    %dma_start3A_26 = arith.constant 384 : i32
    %dma_start3A_27 = arith.constant 0 : i32
    %dma_start3A_28 = tpu.memref_slice %arg6[%dma_start3A_26, %dma_start3A_27] : memref<640x32xf32, #tpu.memory_space<vmem>> -> memref<128x32xf32, #tpu.memory_space<vmem>>
    %dma_start3A_29 = arith.constant 384 : i32
    %dma_start3A_30 = tpu.memref_slice %arg5[%dma_start3A_29] : memref<1280xi32, #tpu.memory_space<vmem>> -> memref<128xi32, #tpu.memory_space<vmem>>
    %dma_start3A_31 = arith.constant 0 : i32
    %dma_start3A_32 = arith.constant 0 : i32
    %dma_start3A_33 = tpu.memref_slice %arg2[%dma_start3A_31, %dma_start3A_32] : memref<800000x32xf32, #tpu.memory_space<hbm>> -> memref<800000x32xf32, #tpu.memory_space<hbm>>
    tpu.enqueue_indirect_dma source(%dma_start3A_33 : memref<800000x32xf32, #tpu.memory_space<hbm>>) target(%dma_start3A_28 : memref<128x32xf32, #tpu.memory_space<vmem>>) offsets(%dma_start3A_30 : memref<128xi32, #tpu.memory_space<vmem>>) semaphore(%arg8 : memref<!tpu.dma_semaphore, #tpu.memory_space<semaphore_mem>>)
    %dma_start3A_34 = arith.constant 512 : i32
    %dma_start3A_35 = arith.constant 0 : i32
    %dma_start3A_36 = tpu.memref_slice %arg6[%dma_start3A_34, %dma_start3A_35] : memref<640x32xf32, #tpu.memory_space<vmem>> -> memref<128x32xf32, #tpu.memory_space<vmem>>
    %dma_start3A_37 = arith.constant 512 : i32
    %dma_start3A_38 = tpu.memref_slice %arg5[%dma_start3A_37] : memref<1280xi32, #tpu.memory_space<vmem>> -> memref<128xi32, #tpu.memory_space<vmem>>
    %dma_start3A_39 = arith.constant 0 : i32
    %dma_start3A_40 = arith.constant 0 : i32
    %dma_start3A_41 = tpu.memref_slice %arg2[%dma_start3A_39, %dma_start3A_40] : memref<800000x32xf32, #tpu.memory_space<hbm>> -> memref<800000x32xf32, #tpu.memory_space<hbm>>
    tpu.enqueue_indirect_dma source(%dma_start3A_41 : memref<800000x32xf32, #tpu.memory_space<hbm>>) target(%dma_start3A_36 : memref<128x32xf32, #tpu.memory_space<vmem>>) offsets(%dma_start3A_38 : memref<128xi32, #tpu.memory_space<vmem>>) semaphore(%arg8 : memref<!tpu.dma_semaphore, #tpu.memory_space<semaphore_mem>>)
    %scan3A = arith.constant 0 : i32
    %scan3A_42 = arith.constant 0 : i32
    %mul3A_43 = arith.constant 2 : i32
    %mul3A_44 = arith.muli %scan3A_42, %mul3A_43 : i32
    %add3A_45 = arith.constant 1 : i32
    %add3A_46 = arith.addi %mul3A_44, %add3A_45 : i32
    %mul3A_47 = arith.constant 640 : i32
    %mul3A_48 = arith.muli %add3A_46, %mul3A_47 : i32
    %add3A_49 = arith.constant 0 : i32
    %add3A_50 = arith.addi %mul3A_48, %add3A_49 : i32
    %dma_start3A_51 = arith.constant 0 : i32
    %dma_start3A_52 = arith.constant 0 : i32
    %dma_start3A_53 = tpu.memref_slice %arg7[%dma_start3A_51, %dma_start3A_52] : memref<640x32xf32, #tpu.memory_space<vmem>> -> memref<128x32xf32, #tpu.memory_space<vmem>>
    %dma_start3A_54 = tpu.memref_slice %arg5[%add3A_50] : memref<1280xi32, #tpu.memory_space<vmem>> -> memref<128xi32, #tpu.memory_space<vmem>>
    %dma_start3A_55 = arith.constant 0 : i32
    %dma_start3A_56 = arith.constant 0 : i32
    %dma_start3A_57 = tpu.memref_slice %arg2[%dma_start3A_55, %dma_start3A_56] : memref<800000x32xf32, #tpu.memory_space<hbm>> -> memref<800000x32xf32, #tpu.memory_space<hbm>>
    tpu.enqueue_indirect_dma source(%dma_start3A_57 : memref<800000x32xf32, #tpu.memory_space<hbm>>) target(%dma_start3A_53 : memref<128x32xf32, #tpu.memory_space<vmem>>) offsets(%dma_start3A_54 : memref<128xi32, #tpu.memory_space<vmem>>) semaphore(%arg9 : memref<!tpu.dma_semaphore, #tpu.memory_space<semaphore_mem>>)
    %mul3A_58 = arith.constant 640 : i32
    %mul3A_59 = arith.muli %add3A_46, %mul3A_58 : i32
    %add3A_60 = arith.constant 128 : i32
    %add3A_61 = arith.addi %mul3A_59, %add3A_60 : i32
    %dma_start3A_62 = arith.constant 128 : i32
    %dma_start3A_63 = arith.constant 0 : i32
    %dma_start3A_64 = tpu.memref_slice %arg7[%dma_start3A_62, %dma_start3A_63] : memref<640x32xf32, #tpu.memory_space<vmem>> -> memref<128x32xf32, #tpu.memory_space<vmem>>
    %dma_start3A_65 = tpu.memref_slice %arg5[%add3A_61] : memref<1280xi32, #tpu.memory_space<vmem>> -> memref<128xi32, #tpu.memory_space<vmem>>
    %dma_start3A_66 = arith.constant 0 : i32
    %dma_start3A_67 = arith.constant 0 : i32
    %dma_start3A_68 = tpu.memref_slice %arg2[%dma_start3A_66, %dma_start3A_67] : memref<800000x32xf32, #tpu.memory_space<hbm>> -> memref<800000x32xf32, #tpu.memory_space<hbm>>
    tpu.enqueue_indirect_dma source(%dma_start3A_68 : memref<800000x32xf32, #tpu.memory_space<hbm>>) target(%dma_start3A_64 : memref<128x32xf32, #tpu.memory_space<vmem>>) offsets(%dma_start3A_65 : memref<128xi32, #tpu.memory_space<vmem>>) semaphore(%arg9 : memref<!tpu.dma_semaphore, #tpu.memory_space<semaphore_mem>>)
    %mul3A_69 = arith.constant 640 : i32
    %mul3A_70 = arith.muli %add3A_46, %mul3A_69 : i32
    %add3A_71 = arith.constant 256 : i32
    %add3A_72 = arith.addi %mul3A_70, %add3A_71 : i32
    %dma_start3A_73 = arith.constant 256 : i32
    %dma_start3A_74 = arith.constant 0 : i32
    %dma_start3A_75 = tpu.memref_slice %arg7[%dma_start3A_73, %dma_start3A_74] : memref<640x32xf32, #tpu.memory_space<vmem>> -> memref<128x32xf32, #tpu.memory_space<vmem>>
    %dma_start3A_76 = tpu.memref_slice %arg5[%add3A_72] : memref<1280xi32, #tpu.memory_space<vmem>> -> memref<128xi32, #tpu.memory_space<vmem>>
    %dma_start3A_77 = arith.constant 0 : i32
    %dma_start3A_78 = arith.constant 0 : i32
    %dma_start3A_79 = tpu.memref_slice %arg2[%dma_start3A_77, %dma_start3A_78] : memref<800000x32xf32, #tpu.memory_space<hbm>> -> memref<800000x32xf32, #tpu.memory_space<hbm>>
    tpu.enqueue_indirect_dma source(%dma_start3A_79 : memref<800000x32xf32, #tpu.memory_space<hbm>>) target(%dma_start3A_75 : memref<128x32xf32, #tpu.memory_space<vmem>>) offsets(%dma_start3A_76 : memref<128xi32, #tpu.memory_space<vmem>>) semaphore(%arg9 : memref<!tpu.dma_semaphore, #tpu.memory_space<semaphore_mem>>)
    %mul3A_80 = arith.constant 640 : i32
    %mul3A_81 = arith.muli %add3A_46, %mul3A_80 : i32
    %add3A_82 = arith.constant 384 : i32
    %add3A_83 = arith.addi %mul3A_81, %add3A_82 : i32
    %dma_start3A_84 = arith.constant 384 : i32
    %dma_start3A_85 = arith.constant 0 : i32
    %dma_start3A_86 = tpu.memref_slice %arg7[%dma_start3A_84, %dma_start3A_85] : memref<640x32xf32, #tpu.memory_space<vmem>> -> memref<128x32xf32, #tpu.memory_space<vmem>>
    %dma_start3A_87 = tpu.memref_slice %arg5[%add3A_83] : memref<1280xi32, #tpu.memory_space<vmem>> -> memref<128xi32, #tpu.memory_space<vmem>>
    %dma_start3A_88 = arith.constant 0 : i32
    %dma_start3A_89 = arith.constant 0 : i32
    %dma_start3A_90 = tpu.memref_slice %arg2[%dma_start3A_88, %dma_start3A_89] : memref<800000x32xf32, #tpu.memory_space<hbm>> -> memref<800000x32xf32, #tpu.memory_space<hbm>>
    tpu.enqueue_indirect_dma source(%dma_start3A_90 : memref<800000x32xf32, #tpu.memory_space<hbm>>) target(%dma_start3A_86 : memref<128x32xf32, #tpu.memory_space<vmem>>) offsets(%dma_start3A_87 : memref<128xi32, #tpu.memory_space<vmem>>) semaphore(%arg9 : memref<!tpu.dma_semaphore, #tpu.memory_space<semaphore_mem>>)
    %mul3A_91 = arith.constant 640 : i32
    %mul3A_92 = arith.muli %add3A_46, %mul3A_91 : i32
    %add3A_93 = arith.constant 512 : i32
    %add3A_94 = arith.addi %mul3A_92, %add3A_93 : i32
    %dma_start3A_95 = arith.constant 512 : i32
    %dma_start3A_96 = arith.constant 0 : i32
    %dma_start3A_97 = tpu.memref_slice %arg7[%dma_start3A_95, %dma_start3A_96] : memref<640x32xf32, #tpu.memory_space<vmem>> -> memref<128x32xf32, #tpu.memory_space<vmem>>
    %dma_start3A_98 = tpu.memref_slice %arg5[%add3A_94] : memref<1280xi32, #tpu.memory_space<vmem>> -> memref<128xi32, #tpu.memory_space<vmem>>
    %dma_start3A_99 = arith.constant 0 : i32
    %dma_start3A_100 = arith.constant 0 : i32
    %dma_start3A_101 = tpu.memref_slice %arg2[%dma_start3A_99, %dma_start3A_100] : memref<800000x32xf32, #tpu.memory_space<hbm>> -> memref<800000x32xf32, #tpu.memory_space<hbm>>
    tpu.enqueue_indirect_dma source(%dma_start3A_101 : memref<800000x32xf32, #tpu.memory_space<hbm>>) target(%dma_start3A_97 : memref<128x32xf32, #tpu.memory_space<vmem>>) offsets(%dma_start3A_98 : memref<128xi32, #tpu.memory_space<vmem>>) semaphore(%arg9 : memref<!tpu.dma_semaphore, #tpu.memory_space<semaphore_mem>>)
    %dma_wait3A = arith.constant 0 : i32
    %dma_wait3A_102 = arith.constant 0 : i32
    %dma_wait3A_103 = tpu.memref_slice %arg2[%dma_wait3A, %dma_wait3A_102] : memref<800000x32xf32, #tpu.memory_space<hbm>> -> memref<640x32xf32, #tpu.memory_space<hbm>>
    %dma_wait3A_104 = arith.constant 0 : i32
    %dma_wait3A_105 = arith.constant 0 : i32
    %dma_wait3A_106 = tpu.memref_slice %arg2[%dma_wait3A_104, %dma_wait3A_105] : memref<800000x32xf32, #tpu.memory_space<hbm>> -> memref<640x32xf32, #tpu.memory_space<hbm>>
    tpu.wait_dma2 semaphore(%arg8 : memref<!tpu.dma_semaphore, #tpu.memory_space<semaphore_mem>>) src(%dma_wait3A_106 : memref<640x32xf32, #tpu.memory_space<hbm>>) dst(%arg6 : memref<640x32xf32, #tpu.memory_space<vmem>>)
    %mul3A_107 = arith.constant 640 : i32
    %mul3A_108 = arith.muli %mul3A_44, %mul3A_107 : i32
    %add3A_109 = arith.addi %mul3A_2, %mul3A_108 : i32
    "tpu.region"() ({
      %run_scoped3A = tpu.sem_alloc : memref<!tpu.dma_semaphore, #tpu.memory_space<semaphore_mem>>
      %dma_start3A_127 = arith.constant 0 : i32
      %dma_start3A_128 = tpu.memref_slice %arg4[%add3A_109, %dma_start3A_127] : memref<40960x32xf32, #tpu.memory_space<hbm>> -> memref<640x32xf32, #tpu.memory_space<hbm>>
      %dma_start3A_129 = arith.constant 0 : i32
      %dma_start3A_130 = tpu.memref_slice %arg4[%add3A_109, %dma_start3A_129] : memref<40960x32xf32, #tpu.memory_space<hbm>> -> memref<640x32xf32, #tpu.memory_space<hbm>>
      tpu.enqueue_dma source(%arg6 : memref<640x32xf32, #tpu.memory_space<vmem>>) target(%dma_start3A_130 : memref<640x32xf32, #tpu.memory_space<hbm>>) target_semaphore(%run_scoped3A : memref<!tpu.dma_semaphore, #tpu.memory_space<semaphore_mem>>)
      %dma_wait3A_131 = arith.constant 0 : i32
      %dma_wait3A_132 = tpu.memref_slice %arg4[%add3A_109, %dma_wait3A_131] : memref<40960x32xf32, #tpu.memory_space<hbm>> -> memref<640x32xf32, #tpu.memory_space<hbm>>
      %dma_wait3A_133 = arith.constant 0 : i32
      %dma_wait3A_134 = tpu.memref_slice %arg4[%add3A_109, %dma_wait3A_133] : memref<40960x32xf32, #tpu.memory_space<hbm>> -> memref<640x32xf32, #tpu.memory_space<hbm>>
      tpu.wait_dma2 semaphore(%run_scoped3A : memref<!tpu.dma_semaphore, #tpu.memory_space<semaphore_mem>>) src(%arg6 : memref<640x32xf32, #tpu.memory_space<vmem>>) dst(%dma_wait3A_134 : memref<640x32xf32, #tpu.memory_space<hbm>>)
      tpu.yield
    }) : () -> ()
    %add3A_110 = arith.constant 2 : i32
    %add3A_111 = arith.addi %mul3A_44, %add3A_110 : i32
    %lt3A = arith.constant 2 : i32
    %lt3A_112 = arith.cmpi slt, %add3A_111, %lt3A : i32
    %convert_element_type3A = arith.extui %lt3A_112 : i1 to i32
    %cond3A = arith.constant 0 : i32
    %cond3A_113 = arith.cmpi ne, %convert_element_type3A, %cond3A : i32
    scf.if %cond3A_113 {
      %add3A_127 = arith.constant 2 : i32
      %add3A_128 = arith.addi %mul3A_44, %add3A_127 : i32
      %mul3A_129 = arith.constant 640 : i32
      %mul3A_130 = arith.muli %add3A_128, %mul3A_129 : i32
      %add3A_131 = arith.constant 0 : i32
      %add3A_132 = arith.addi %mul3A_130, %add3A_131 : i32
      %dma_start3A_133 = arith.constant 0 : i32
      %dma_start3A_134 = arith.constant 0 : i32
      %dma_start3A_135 = tpu.memref_slice %arg6[%dma_start3A_133, %dma_start3A_134] : memref<640x32xf32, #tpu.memory_space<vmem>> -> memref<128x32xf32, #tpu.memory_space<vmem>>
      %dma_start3A_136 = tpu.memref_slice %arg5[%add3A_132] : memref<1280xi32, #tpu.memory_space<vmem>> -> memref<128xi32, #tpu.memory_space<vmem>>
      %dma_start3A_137 = arith.constant 0 : i32
      %dma_start3A_138 = arith.constant 0 : i32
      %dma_start3A_139 = tpu.memref_slice %arg2[%dma_start3A_137, %dma_start3A_138] : memref<800000x32xf32, #tpu.memory_space<hbm>> -> memref<800000x32xf32, #tpu.memory_space<hbm>>
      tpu.enqueue_indirect_dma source(%dma_start3A_139 : memref<800000x32xf32, #tpu.memory_space<hbm>>) target(%dma_start3A_135 : memref<128x32xf32, #tpu.memory_space<vmem>>) offsets(%dma_start3A_136 : memref<128xi32, #tpu.memory_space<vmem>>) semaphore(%arg8 : memref<!tpu.dma_semaphore, #tpu.memory_space<semaphore_mem>>)
      %mul3A_140 = arith.constant 640 : i32
      %mul3A_141 = arith.muli %add3A_128, %mul3A_140 : i32
      %add3A_142 = arith.constant 128 : i32
      %add3A_143 = arith.addi %mul3A_141, %add3A_142 : i32
      %dma_start3A_144 = arith.constant 128 : i32
      %dma_start3A_145 = arith.constant 0 : i32
      %dma_start3A_146 = tpu.memref_slice %arg6[%dma_start3A_144, %dma_start3A_145] : memref<640x32xf32, #tpu.memory_space<vmem>> -> memref<128x32xf32, #tpu.memory_space<vmem>>
      %dma_start3A_147 = tpu.memref_slice %arg5[%add3A_143] : memref<1280xi32, #tpu.memory_space<vmem>> -> memref<128xi32, #tpu.memory_space<vmem>>
      %dma_start3A_148 = arith.constant 0 : i32
      %dma_start3A_149 = arith.constant 0 : i32
      %dma_start3A_150 = tpu.memref_slice %arg2[%dma_start3A_148, %dma_start3A_149] : memref<800000x32xf32, #tpu.memory_space<hbm>> -> memref<800000x32xf32, #tpu.memory_space<hbm>>
      tpu.enqueue_indirect_dma source(%dma_start3A_150 : memref<800000x32xf32, #tpu.memory_space<hbm>>) target(%dma_start3A_146 : memref<128x32xf32, #tpu.memory_space<vmem>>) offsets(%dma_start3A_147 : memref<128xi32, #tpu.memory_space<vmem>>) semaphore(%arg8 : memref<!tpu.dma_semaphore, #tpu.memory_space<semaphore_mem>>)
      %mul3A_151 = arith.constant 640 : i32
      %mul3A_152 = arith.muli %add3A_128, %mul3A_151 : i32
      %add3A_153 = arith.constant 256 : i32
      %add3A_154 = arith.addi %mul3A_152, %add3A_153 : i32
      %dma_start3A_155 = arith.constant 256 : i32
      %dma_start3A_156 = arith.constant 0 : i32
      %dma_start3A_157 = tpu.memref_slice %arg6[%dma_start3A_155, %dma_start3A_156] : memref<640x32xf32, #tpu.memory_space<vmem>> -> memref<128x32xf32, #tpu.memory_space<vmem>>
      %dma_start3A_158 = tpu.memref_slice %arg5[%add3A_154] : memref<1280xi32, #tpu.memory_space<vmem>> -> memref<128xi32, #tpu.memory_space<vmem>>
      %dma_start3A_159 = arith.constant 0 : i32
      %dma_start3A_160 = arith.constant 0 : i32
      %dma_start3A_161 = tpu.memref_slice %arg2[%dma_start3A_159, %dma_start3A_160] : memref<800000x32xf32, #tpu.memory_space<hbm>> -> memref<800000x32xf32, #tpu.memory_space<hbm>>
      tpu.enqueue_indirect_dma source(%dma_start3A_161 : memref<800000x32xf32, #tpu.memory_space<hbm>>) target(%dma_start3A_157 : memref<128x32xf32, #tpu.memory_space<vmem>>) offsets(%dma_start3A_158 : memref<128xi32, #tpu.memory_space<vmem>>) semaphore(%arg8 : memref<!tpu.dma_semaphore, #tpu.memory_space<semaphore_mem>>)
      %mul3A_162 = arith.constant 640 : i32
      %mul3A_163 = arith.muli %add3A_128, %mul3A_162 : i32
      %add3A_164 = arith.constant 384 : i32
      %add3A_165 = arith.addi %mul3A_163, %add3A_164 : i32
      %dma_start3A_166 = arith.constant 384 : i32
      %dma_start3A_167 = arith.constant 0 : i32
      %dma_start3A_168 = tpu.memref_slice %arg6[%dma_start3A_166, %dma_start3A_167] : memref<640x32xf32, #tpu.memory_space<vmem>> -> memref<128x32xf32, #tpu.memory_space<vmem>>
      %dma_start3A_169 = tpu.memref_slice %arg5[%add3A_165] : memref<1280xi32, #tpu.memory_space<vmem>> -> memref<128xi32, #tpu.memory_space<vmem>>
      %dma_start3A_170 = arith.constant 0 : i32
      %dma_start3A_171 = arith.constant 0 : i32
      %dma_start3A_172 = tpu.memref_slice %arg2[%dma_start3A_170, %dma_start3A_171] : memref<800000x32xf32, #tpu.memory_space<hbm>> -> memref<800000x32xf32, #tpu.memory_space<hbm>>
      tpu.enqueue_indirect_dma source(%dma_start3A_172 : memref<800000x32xf32, #tpu.memory_space<hbm>>) target(%dma_start3A_168 : memref<128x32xf32, #tpu.memory_space<vmem>>) offsets(%dma_start3A_169 : memref<128xi32, #tpu.memory_space<vmem>>) semaphore(%arg8 : memref<!tpu.dma_semaphore, #tpu.memory_space<semaphore_mem>>)
      %mul3A_173 = arith.constant 640 : i32
      %mul3A_174 = arith.muli %add3A_128, %mul3A_173 : i32
      %add3A_175 = arith.constant 512 : i32
      %add3A_176 = arith.addi %mul3A_174, %add3A_175 : i32
      %dma_start3A_177 = arith.constant 512 : i32
      %dma_start3A_178 = arith.constant 0 : i32
      %dma_start3A_179 = tpu.memref_slice %arg6[%dma_start3A_177, %dma_start3A_178] : memref<640x32xf32, #tpu.memory_space<vmem>> -> memref<128x32xf32, #tpu.memory_space<vmem>>
      %dma_start3A_180 = tpu.memref_slice %arg5[%add3A_176] : memref<1280xi32, #tpu.memory_space<vmem>> -> memref<128xi32, #tpu.memory_space<vmem>>
      %dma_start3A_181 = arith.constant 0 : i32
      %dma_start3A_182 = arith.constant 0 : i32
      %dma_start3A_183 = tpu.memref_slice %arg2[%dma_start3A_181, %dma_start3A_182] : memref<800000x32xf32, #tpu.memory_space<hbm>> -> memref<800000x32xf32, #tpu.memory_space<hbm>>
      tpu.enqueue_indirect_dma source(%dma_start3A_183 : memref<800000x32xf32, #tpu.memory_space<hbm>>) target(%dma_start3A_179 : memref<128x32xf32, #tpu.memory_space<vmem>>) offsets(%dma_start3A_180 : memref<128xi32, #tpu.memory_space<vmem>>) semaphore(%arg8 : memref<!tpu.dma_semaphore, #tpu.memory_space<semaphore_mem>>)
    } else {
    }
    %dma_wait3A_114 = arith.constant 0 : i32
    %dma_wait3A_115 = arith.constant 0 : i32
    %dma_wait3A_116 = tpu.memref_slice %arg2[%dma_wait3A_114, %dma_wait3A_115] : memref<800000x32xf32, #tpu.memory_space<hbm>> -> memref<640x32xf32, #tpu.memory_space<hbm>>
    %dma_wait3A_117 = arith.constant 0 : i32
    %dma_wait3A_118 = arith.constant 0 : i32
    %dma_wait3A_119 = tpu.memref_slice %arg2[%dma_wait3A_117, %dma_wait3A_118] : memref<800000x32xf32, #tpu.memory_space<hbm>> -> memref<640x32xf32, #tpu.memory_space<hbm>>
    tpu.wait_dma2 semaphore(%arg9 : memref<!tpu.dma_semaphore, #tpu.memory_space<semaphore_mem>>) src(%dma_wait3A_119 : memref<640x32xf32, #tpu.memory_space<hbm>>) dst(%arg7 : memref<640x32xf32, #tpu.memory_space<vmem>>)
    %add3A_120 = arith.constant 1 : i32
    %add3A_121 = arith.addi %mul3A_44, %add3A_120 : i32
    %mul3A_122 = arith.constant 640 : i32
    %mul3A_123 = arith.muli %add3A_121, %mul3A_122 : i32
    %add3A_124 = arith.addi %mul3A_2, %mul3A_123 : i32
    "tpu.region"() ({
      %run_scoped3A = tpu.sem_alloc : memref<!tpu.dma_semaphore, #tpu.memory_space<semaphore_mem>>
      %dma_start3A_127 = arith.constant 0 : i32
      %dma_start3A_128 = tpu.memref_slice %arg4[%add3A_124, %dma_start3A_127] : memref<40960x32xf32, #tpu.memory_space<hbm>> -> memref<640x32xf32, #tpu.memory_space<hbm>>
      %dma_start3A_129 = arith.constant 0 : i32
      %dma_start3A_130 = tpu.memref_slice %arg4[%add3A_124, %dma_start3A_129] : memref<40960x32xf32, #tpu.memory_space<hbm>> -> memref<640x32xf32, #tpu.memory_space<hbm>>
      tpu.enqueue_dma source(%arg7 : memref<640x32xf32, #tpu.memory_space<vmem>>) target(%dma_start3A_130 : memref<640x32xf32, #tpu.memory_space<hbm>>) target_semaphore(%run_scoped3A : memref<!tpu.dma_semaphore, #tpu.memory_space<semaphore_mem>>)
      %dma_wait3A_131 = arith.constant 0 : i32
      %dma_wait3A_132 = tpu.memref_slice %arg4[%add3A_124, %dma_wait3A_131] : memref<40960x32xf32, #tpu.memory_space<hbm>> -> memref<640x32xf32, #tpu.memory_space<hbm>>
      %dma_wait3A_133 = arith.constant 0 : i32
      %dma_wait3A_134 = tpu.memref_slice %arg4[%add3A_124, %dma_wait3A_133] : memref<40960x32xf32, #tpu.memory_space<hbm>> -> memref<640x32xf32, #tpu.memory_space<hbm>>
      tpu.wait_dma2 semaphore(%run_scoped3A : memref<!tpu.dma_semaphore, #tpu.memory_space<semaphore_mem>>) src(%arg7 : memref<640x32xf32, #tpu.memory_space<vmem>>) dst(%dma_wait3A_134 : memref<640x32xf32, #tpu.memory_space<hbm>>)
      tpu.yield
    }) : () -> ()
    %scan3A_125 = arith.constant 0 : i32
    %scan3A_126 = arith.constant 1 : i32
    return
  }
}

#map = affine_map<(d0, d1) -> (0, 0)>
#map1 = affine_map<(d0, d1) -> (0)>
module attributes {stable_mosaic.version = 14 : i64} {
  func.func @_sc_row_gather_body(%arg0: i32, %arg1: i32, %arg2: memref<800000x32xf32, #tpu.memory_space<hbm>>, %arg3: memref<819200xi32, #tpu.memory_space<hbm>>, %arg4: memref<819200x32xf32, #tpu.memory_space<hbm>>, %arg5: memref<25600xi32, #tpu.memory_space<vmem>>, %arg6: memref<640x32xf32, #tpu.memory_space<vmem>>, %arg7: memref<640x32xf32, #tpu.memory_space<vmem>>, %arg8: memref<!tpu.dma_semaphore, #tpu.memory_space<semaphore_mem>>, %arg9: memref<!tpu.dma_semaphore, #tpu.memory_space<semaphore_mem>>) attributes {dimension_semantics = [#tpu.dimension_semantics<core_parallel>, #tpu.dimension_semantics<subcore_parallel>], iteration_bounds = array<i64: 2, 16>, scalar_prefetch = 0 : i64, scratch_operands = 5 : i64, tpu.core_type = #tpu.core_type<sc_vector_subcore>, window_params = [{transform_indices = #map}, {transform_indices = #map1}, {transform_indices = #map}]} {
    %mul3A = arith.constant 2 : i32
    %mul3A_0 = arith.muli %arg1, %mul3A : i32
    %add3A = arith.addi %mul3A_0, %arg0 : i32
    %mul3A_1 = arith.constant 25600 : i32
    %mul3A_2 = arith.muli %add3A, %mul3A_1 : i32
    "tpu.region"() ({
      %run_scoped3A = tpu.sem_alloc : memref<!tpu.dma_semaphore, #tpu.memory_space<semaphore_mem>>
      %dma_start3A_48 = tpu.memref_slice %arg3[%mul3A_2] : memref<819200xi32, #tpu.memory_space<hbm>> -> memref<25600xi32, #tpu.memory_space<hbm>>
      %dma_start3A_49 = tpu.memref_slice %arg3[%mul3A_2] : memref<819200xi32, #tpu.memory_space<hbm>> -> memref<25600xi32, #tpu.memory_space<hbm>>
      tpu.enqueue_dma source(%dma_start3A_49 : memref<25600xi32, #tpu.memory_space<hbm>>) target(%arg5 : memref<25600xi32, #tpu.memory_space<vmem>>) target_semaphore(%run_scoped3A : memref<!tpu.dma_semaphore, #tpu.memory_space<semaphore_mem>>)
      %dma_wait3A = tpu.memref_slice %arg3[%mul3A_2] : memref<819200xi32, #tpu.memory_space<hbm>> -> memref<25600xi32, #tpu.memory_space<hbm>>
      %dma_wait3A_50 = tpu.memref_slice %arg3[%mul3A_2] : memref<819200xi32, #tpu.memory_space<hbm>> -> memref<25600xi32, #tpu.memory_space<hbm>>
      tpu.wait_dma2 semaphore(%run_scoped3A : memref<!tpu.dma_semaphore, #tpu.memory_space<semaphore_mem>>) src(%dma_wait3A_50 : memref<25600xi32, #tpu.memory_space<hbm>>) dst(%arg5 : memref<25600xi32, #tpu.memory_space<vmem>>)
      tpu.yield
    }) : () -> ()
    %dma_start3A = arith.constant 0 : i32
    %dma_start3A_3 = arith.constant 0 : i32
    %dma_start3A_4 = tpu.memref_slice %arg6[%dma_start3A, %dma_start3A_3] : memref<640x32xf32, #tpu.memory_space<vmem>> -> memref<128x32xf32, #tpu.memory_space<vmem>>
    %dma_start3A_5 = arith.constant 0 : i32
    %dma_start3A_6 = tpu.memref_slice %arg5[%dma_start3A_5] : memref<25600xi32, #tpu.memory_space<vmem>> -> memref<128xi32, #tpu.memory_space<vmem>>
    %dma_start3A_7 = arith.constant 0 : i32
    %dma_start3A_8 = arith.constant 0 : i32
    %dma_start3A_9 = tpu.memref_slice %arg2[%dma_start3A_7, %dma_start3A_8] : memref<800000x32xf32, #tpu.memory_space<hbm>> -> memref<800000x32xf32, #tpu.memory_space<hbm>>
    tpu.enqueue_indirect_dma source(%dma_start3A_9 : memref<800000x32xf32, #tpu.memory_space<hbm>>) target(%dma_start3A_4 : memref<128x32xf32, #tpu.memory_space<vmem>>) offsets(%dma_start3A_6 : memref<128xi32, #tpu.memory_space<vmem>>) semaphore(%arg8 : memref<!tpu.dma_semaphore, #tpu.memory_space<semaphore_mem>>)
    %dma_start3A_10 = arith.constant 128 : i32
    %dma_start3A_11 = arith.constant 0 : i32
    %dma_start3A_12 = tpu.memref_slice %arg6[%dma_start3A_10, %dma_start3A_11] : memref<640x32xf32, #tpu.memory_space<vmem>> -> memref<128x32xf32, #tpu.memory_space<vmem>>
    %dma_start3A_13 = arith.constant 128 : i32
    %dma_start3A_14 = tpu.memref_slice %arg5[%dma_start3A_13] : memref<25600xi32, #tpu.memory_space<vmem>> -> memref<128xi32, #tpu.memory_space<vmem>>
    %dma_start3A_15 = arith.constant 0 : i32
    %dma_start3A_16 = arith.constant 0 : i32
    %dma_start3A_17 = tpu.memref_slice %arg2[%dma_start3A_15, %dma_start3A_16] : memref<800000x32xf32, #tpu.memory_space<hbm>> -> memref<800000x32xf32, #tpu.memory_space<hbm>>
    tpu.enqueue_indirect_dma source(%dma_start3A_17 : memref<800000x32xf32, #tpu.memory_space<hbm>>) target(%dma_start3A_12 : memref<128x32xf32, #tpu.memory_space<vmem>>) offsets(%dma_start3A_14 : memref<128xi32, #tpu.memory_space<vmem>>) semaphore(%arg8 : memref<!tpu.dma_semaphore, #tpu.memory_space<semaphore_mem>>)
    %dma_start3A_18 = arith.constant 256 : i32
    %dma_start3A_19 = arith.constant 0 : i32
    %dma_start3A_20 = tpu.memref_slice %arg6[%dma_start3A_18, %dma_start3A_19] : memref<640x32xf32, #tpu.memory_space<vmem>> -> memref<128x32xf32, #tpu.memory_space<vmem>>
    %dma_start3A_21 = arith.constant 256 : i32
    %dma_start3A_22 = tpu.memref_slice %arg5[%dma_start3A_21] : memref<25600xi32, #tpu.memory_space<vmem>> -> memref<128xi32, #tpu.memory_space<vmem>>
    %dma_start3A_23 = arith.constant 0 : i32
    %dma_start3A_24 = arith.constant 0 : i32
    %dma_start3A_25 = tpu.memref_slice %arg2[%dma_start3A_23, %dma_start3A_24] : memref<800000x32xf32, #tpu.memory_space<hbm>> -> memref<800000x32xf32, #tpu.memory_space<hbm>>
    tpu.enqueue_indirect_dma source(%dma_start3A_25 : memref<800000x32xf32, #tpu.memory_space<hbm>>) target(%dma_start3A_20 : memref<128x32xf32, #tpu.memory_space<vmem>>) offsets(%dma_start3A_22 : memref<128xi32, #tpu.memory_space<vmem>>) semaphore(%arg8 : memref<!tpu.dma_semaphore, #tpu.memory_space<semaphore_mem>>)
    %dma_start3A_26 = arith.constant 384 : i32
    %dma_start3A_27 = arith.constant 0 : i32
    %dma_start3A_28 = tpu.memref_slice %arg6[%dma_start3A_26, %dma_start3A_27] : memref<640x32xf32, #tpu.memory_space<vmem>> -> memref<128x32xf32, #tpu.memory_space<vmem>>
    %dma_start3A_29 = arith.constant 384 : i32
    %dma_start3A_30 = tpu.memref_slice %arg5[%dma_start3A_29] : memref<25600xi32, #tpu.memory_space<vmem>> -> memref<128xi32, #tpu.memory_space<vmem>>
    %dma_start3A_31 = arith.constant 0 : i32
    %dma_start3A_32 = arith.constant 0 : i32
    %dma_start3A_33 = tpu.memref_slice %arg2[%dma_start3A_31, %dma_start3A_32] : memref<800000x32xf32, #tpu.memory_space<hbm>> -> memref<800000x32xf32, #tpu.memory_space<hbm>>
    tpu.enqueue_indirect_dma source(%dma_start3A_33 : memref<800000x32xf32, #tpu.memory_space<hbm>>) target(%dma_start3A_28 : memref<128x32xf32, #tpu.memory_space<vmem>>) offsets(%dma_start3A_30 : memref<128xi32, #tpu.memory_space<vmem>>) semaphore(%arg8 : memref<!tpu.dma_semaphore, #tpu.memory_space<semaphore_mem>>)
    %dma_start3A_34 = arith.constant 512 : i32
    %dma_start3A_35 = arith.constant 0 : i32
    %dma_start3A_36 = tpu.memref_slice %arg6[%dma_start3A_34, %dma_start3A_35] : memref<640x32xf32, #tpu.memory_space<vmem>> -> memref<128x32xf32, #tpu.memory_space<vmem>>
    %dma_start3A_37 = arith.constant 512 : i32
    %dma_start3A_38 = tpu.memref_slice %arg5[%dma_start3A_37] : memref<25600xi32, #tpu.memory_space<vmem>> -> memref<128xi32, #tpu.memory_space<vmem>>
    %dma_start3A_39 = arith.constant 0 : i32
    %dma_start3A_40 = arith.constant 0 : i32
    %dma_start3A_41 = tpu.memref_slice %arg2[%dma_start3A_39, %dma_start3A_40] : memref<800000x32xf32, #tpu.memory_space<hbm>> -> memref<800000x32xf32, #tpu.memory_space<hbm>>
    tpu.enqueue_indirect_dma source(%dma_start3A_41 : memref<800000x32xf32, #tpu.memory_space<hbm>>) target(%dma_start3A_36 : memref<128x32xf32, #tpu.memory_space<vmem>>) offsets(%dma_start3A_38 : memref<128xi32, #tpu.memory_space<vmem>>) semaphore(%arg8 : memref<!tpu.dma_semaphore, #tpu.memory_space<semaphore_mem>>)
    %scan3A = arith.constant 0 : i32
    %scan3A_42 = arith.constant 0 : i32
    %scan3A_43 = arith.constant 20 : i32
    %scan3A_44 = arith.addi %scan3A_42, %scan3A_43 : i32
    %scan3A_45 = arith.constant 1 : i32
    %scan3A_46 = scf.for %scan3A_48 = %scan3A_42 to %scan3A_44 step %scan3A_45 iter_args(%scan3A_49 = %scan3A) -> (i32)  : i32 {
      %mul3A_50 = arith.constant 2 : i32
      %mul3A_51 = arith.muli %scan3A_48, %mul3A_50 : i32
      %add3A_52 = arith.constant 1 : i32
      %add3A_53 = arith.addi %mul3A_51, %add3A_52 : i32
      %mul3A_54 = arith.constant 640 : i32
      %mul3A_55 = arith.muli %add3A_53, %mul3A_54 : i32
      %add3A_56 = arith.constant 0 : i32
      %add3A_57 = arith.addi %mul3A_55, %add3A_56 : i32
      %dma_start3A_58 = arith.constant 0 : i32
      %dma_start3A_59 = arith.constant 0 : i32
      %dma_start3A_60 = tpu.memref_slice %arg7[%dma_start3A_58, %dma_start3A_59] : memref<640x32xf32, #tpu.memory_space<vmem>> -> memref<128x32xf32, #tpu.memory_space<vmem>>
      %dma_start3A_61 = tpu.memref_slice %arg5[%add3A_57] : memref<25600xi32, #tpu.memory_space<vmem>> -> memref<128xi32, #tpu.memory_space<vmem>>
      %dma_start3A_62 = arith.constant 0 : i32
      %dma_start3A_63 = arith.constant 0 : i32
      %dma_start3A_64 = tpu.memref_slice %arg2[%dma_start3A_62, %dma_start3A_63] : memref<800000x32xf32, #tpu.memory_space<hbm>> -> memref<800000x32xf32, #tpu.memory_space<hbm>>
      tpu.enqueue_indirect_dma source(%dma_start3A_64 : memref<800000x32xf32, #tpu.memory_space<hbm>>) target(%dma_start3A_60 : memref<128x32xf32, #tpu.memory_space<vmem>>) offsets(%dma_start3A_61 : memref<128xi32, #tpu.memory_space<vmem>>) semaphore(%arg9 : memref<!tpu.dma_semaphore, #tpu.memory_space<semaphore_mem>>)
      %mul3A_65 = arith.constant 640 : i32
      %mul3A_66 = arith.muli %add3A_53, %mul3A_65 : i32
      %add3A_67 = arith.constant 128 : i32
      %add3A_68 = arith.addi %mul3A_66, %add3A_67 : i32
      %dma_start3A_69 = arith.constant 128 : i32
      %dma_start3A_70 = arith.constant 0 : i32
      %dma_start3A_71 = tpu.memref_slice %arg7[%dma_start3A_69, %dma_start3A_70] : memref<640x32xf32, #tpu.memory_space<vmem>> -> memref<128x32xf32, #tpu.memory_space<vmem>>
      %dma_start3A_72 = tpu.memref_slice %arg5[%add3A_68] : memref<25600xi32, #tpu.memory_space<vmem>> -> memref<128xi32, #tpu.memory_space<vmem>>
      %dma_start3A_73 = arith.constant 0 : i32
      %dma_start3A_74 = arith.constant 0 : i32
      %dma_start3A_75 = tpu.memref_slice %arg2[%dma_start3A_73, %dma_start3A_74] : memref<800000x32xf32, #tpu.memory_space<hbm>> -> memref<800000x32xf32, #tpu.memory_space<hbm>>
      tpu.enqueue_indirect_dma source(%dma_start3A_75 : memref<800000x32xf32, #tpu.memory_space<hbm>>) target(%dma_start3A_71 : memref<128x32xf32, #tpu.memory_space<vmem>>) offsets(%dma_start3A_72 : memref<128xi32, #tpu.memory_space<vmem>>) semaphore(%arg9 : memref<!tpu.dma_semaphore, #tpu.memory_space<semaphore_mem>>)
      %mul3A_76 = arith.constant 640 : i32
      %mul3A_77 = arith.muli %add3A_53, %mul3A_76 : i32
      %add3A_78 = arith.constant 256 : i32
      %add3A_79 = arith.addi %mul3A_77, %add3A_78 : i32
      %dma_start3A_80 = arith.constant 256 : i32
      %dma_start3A_81 = arith.constant 0 : i32
      %dma_start3A_82 = tpu.memref_slice %arg7[%dma_start3A_80, %dma_start3A_81] : memref<640x32xf32, #tpu.memory_space<vmem>> -> memref<128x32xf32, #tpu.memory_space<vmem>>
      %dma_start3A_83 = tpu.memref_slice %arg5[%add3A_79] : memref<25600xi32, #tpu.memory_space<vmem>> -> memref<128xi32, #tpu.memory_space<vmem>>
      %dma_start3A_84 = arith.constant 0 : i32
      %dma_start3A_85 = arith.constant 0 : i32
      %dma_start3A_86 = tpu.memref_slice %arg2[%dma_start3A_84, %dma_start3A_85] : memref<800000x32xf32, #tpu.memory_space<hbm>> -> memref<800000x32xf32, #tpu.memory_space<hbm>>
      tpu.enqueue_indirect_dma source(%dma_start3A_86 : memref<800000x32xf32, #tpu.memory_space<hbm>>) target(%dma_start3A_82 : memref<128x32xf32, #tpu.memory_space<vmem>>) offsets(%dma_start3A_83 : memref<128xi32, #tpu.memory_space<vmem>>) semaphore(%arg9 : memref<!tpu.dma_semaphore, #tpu.memory_space<semaphore_mem>>)
      %mul3A_87 = arith.constant 640 : i32
      %mul3A_88 = arith.muli %add3A_53, %mul3A_87 : i32
      %add3A_89 = arith.constant 384 : i32
      %add3A_90 = arith.addi %mul3A_88, %add3A_89 : i32
      %dma_start3A_91 = arith.constant 384 : i32
      %dma_start3A_92 = arith.constant 0 : i32
      %dma_start3A_93 = tpu.memref_slice %arg7[%dma_start3A_91, %dma_start3A_92] : memref<640x32xf32, #tpu.memory_space<vmem>> -> memref<128x32xf32, #tpu.memory_space<vmem>>
      %dma_start3A_94 = tpu.memref_slice %arg5[%add3A_90] : memref<25600xi32, #tpu.memory_space<vmem>> -> memref<128xi32, #tpu.memory_space<vmem>>
      %dma_start3A_95 = arith.constant 0 : i32
      %dma_start3A_96 = arith.constant 0 : i32
      %dma_start3A_97 = tpu.memref_slice %arg2[%dma_start3A_95, %dma_start3A_96] : memref<800000x32xf32, #tpu.memory_space<hbm>> -> memref<800000x32xf32, #tpu.memory_space<hbm>>
      tpu.enqueue_indirect_dma source(%dma_start3A_97 : memref<800000x32xf32, #tpu.memory_space<hbm>>) target(%dma_start3A_93 : memref<128x32xf32, #tpu.memory_space<vmem>>) offsets(%dma_start3A_94 : memref<128xi32, #tpu.memory_space<vmem>>) semaphore(%arg9 : memref<!tpu.dma_semaphore, #tpu.memory_space<semaphore_mem>>)
      %mul3A_98 = arith.constant 640 : i32
      %mul3A_99 = arith.muli %add3A_53, %mul3A_98 : i32
      %add3A_100 = arith.constant 512 : i32
      %add3A_101 = arith.addi %mul3A_99, %add3A_100 : i32
      %dma_start3A_102 = arith.constant 512 : i32
      %dma_start3A_103 = arith.constant 0 : i32
      %dma_start3A_104 = tpu.memref_slice %arg7[%dma_start3A_102, %dma_start3A_103] : memref<640x32xf32, #tpu.memory_space<vmem>> -> memref<128x32xf32, #tpu.memory_space<vmem>>
      %dma_start3A_105 = tpu.memref_slice %arg5[%add3A_101] : memref<25600xi32, #tpu.memory_space<vmem>> -> memref<128xi32, #tpu.memory_space<vmem>>
      %dma_start3A_106 = arith.constant 0 : i32
      %dma_start3A_107 = arith.constant 0 : i32
      %dma_start3A_108 = tpu.memref_slice %arg2[%dma_start3A_106, %dma_start3A_107] : memref<800000x32xf32, #tpu.memory_space<hbm>> -> memref<800000x32xf32, #tpu.memory_space<hbm>>
      tpu.enqueue_indirect_dma source(%dma_start3A_108 : memref<800000x32xf32, #tpu.memory_space<hbm>>) target(%dma_start3A_104 : memref<128x32xf32, #tpu.memory_space<vmem>>) offsets(%dma_start3A_105 : memref<128xi32, #tpu.memory_space<vmem>>) semaphore(%arg9 : memref<!tpu.dma_semaphore, #tpu.memory_space<semaphore_mem>>)
      %dma_wait3A = arith.constant 0 : i32
      %dma_wait3A_109 = arith.constant 0 : i32
      %dma_wait3A_110 = tpu.memref_slice %arg2[%dma_wait3A, %dma_wait3A_109] : memref<800000x32xf32, #tpu.memory_space<hbm>> -> memref<640x32xf32, #tpu.memory_space<hbm>>
      %dma_wait3A_111 = arith.constant 0 : i32
      %dma_wait3A_112 = arith.constant 0 : i32
      %dma_wait3A_113 = tpu.memref_slice %arg2[%dma_wait3A_111, %dma_wait3A_112] : memref<800000x32xf32, #tpu.memory_space<hbm>> -> memref<640x32xf32, #tpu.memory_space<hbm>>
      tpu.wait_dma2 semaphore(%arg8 : memref<!tpu.dma_semaphore, #tpu.memory_space<semaphore_mem>>) src(%dma_wait3A_113 : memref<640x32xf32, #tpu.memory_space<hbm>>) dst(%arg6 : memref<640x32xf32, #tpu.memory_space<vmem>>)
      %mul3A_114 = arith.constant 640 : i32
      %mul3A_115 = arith.muli %mul3A_51, %mul3A_114 : i32
      %add3A_116 = arith.addi %mul3A_2, %mul3A_115 : i32
      "tpu.region"() ({
        %run_scoped3A = tpu.sem_alloc : memref<!tpu.dma_semaphore, #tpu.memory_space<semaphore_mem>>
        %dma_start3A_133 = arith.constant 0 : i32
        %dma_start3A_134 = tpu.memref_slice %arg4[%add3A_116, %dma_start3A_133] : memref<819200x32xf32, #tpu.memory_space<hbm>> -> memref<640x32xf32, #tpu.memory_space<hbm>>
        %dma_start3A_135 = arith.constant 0 : i32
        %dma_start3A_136 = tpu.memref_slice %arg4[%add3A_116, %dma_start3A_135] : memref<819200x32xf32, #tpu.memory_space<hbm>> -> memref<640x32xf32, #tpu.memory_space<hbm>>
        tpu.enqueue_dma source(%arg6 : memref<640x32xf32, #tpu.memory_space<vmem>>) target(%dma_start3A_136 : memref<640x32xf32, #tpu.memory_space<hbm>>) target_semaphore(%run_scoped3A : memref<!tpu.dma_semaphore, #tpu.memory_space<semaphore_mem>>)
        %dma_wait3A_137 = arith.constant 0 : i32
        %dma_wait3A_138 = tpu.memref_slice %arg4[%add3A_116, %dma_wait3A_137] : memref<819200x32xf32, #tpu.memory_space<hbm>> -> memref<640x32xf32, #tpu.memory_space<hbm>>
        %dma_wait3A_139 = arith.constant 0 : i32
        %dma_wait3A_140 = tpu.memref_slice %arg4[%add3A_116, %dma_wait3A_139] : memref<819200x32xf32, #tpu.memory_space<hbm>> -> memref<640x32xf32, #tpu.memory_space<hbm>>
        tpu.wait_dma2 semaphore(%run_scoped3A : memref<!tpu.dma_semaphore, #tpu.memory_space<semaphore_mem>>) src(%arg6 : memref<640x32xf32, #tpu.memory_space<vmem>>) dst(%dma_wait3A_140 : memref<640x32xf32, #tpu.memory_space<hbm>>)
        tpu.yield
      }) : () -> ()
      %add3A_117 = arith.constant 2 : i32
      %add3A_118 = arith.addi %mul3A_51, %add3A_117 : i32
      %lt3A = arith.constant 40 : i32
      %lt3A_119 = arith.cmpi slt, %add3A_118, %lt3A : i32
      %convert_element_type3A = arith.extui %lt3A_119 : i1 to i32
      %cond3A = arith.constant 0 : i32
      %cond3A_120 = arith.cmpi ne, %convert_element_type3A, %cond3A : i32
      scf.if %cond3A_120 {
        %add3A_133 = arith.constant 2 : i32
        %add3A_134 = arith.addi %mul3A_51, %add3A_133 : i32
        %mul3A_135 = arith.constant 640 : i32
        %mul3A_136 = arith.muli %add3A_134, %mul3A_135 : i32
        %add3A_137 = arith.constant 0 : i32
        %add3A_138 = arith.addi %mul3A_136, %add3A_137 : i32
        %dma_start3A_139 = arith.constant 0 : i32
        %dma_start3A_140 = arith.constant 0 : i32
        %dma_start3A_141 = tpu.memref_slice %arg6[%dma_start3A_139, %dma_start3A_140] : memref<640x32xf32, #tpu.memory_space<vmem>> -> memref<128x32xf32, #tpu.memory_space<vmem>>
        %dma_start3A_142 = tpu.memref_slice %arg5[%add3A_138] : memref<25600xi32, #tpu.memory_space<vmem>> -> memref<128xi32, #tpu.memory_space<vmem>>
        %dma_start3A_143 = arith.constant 0 : i32
        %dma_start3A_144 = arith.constant 0 : i32
        %dma_start3A_145 = tpu.memref_slice %arg2[%dma_start3A_143, %dma_start3A_144] : memref<800000x32xf32, #tpu.memory_space<hbm>> -> memref<800000x32xf32, #tpu.memory_space<hbm>>
        tpu.enqueue_indirect_dma source(%dma_start3A_145 : memref<800000x32xf32, #tpu.memory_space<hbm>>) target(%dma_start3A_141 : memref<128x32xf32, #tpu.memory_space<vmem>>) offsets(%dma_start3A_142 : memref<128xi32, #tpu.memory_space<vmem>>) semaphore(%arg8 : memref<!tpu.dma_semaphore, #tpu.memory_space<semaphore_mem>>)
        %mul3A_146 = arith.constant 640 : i32
        %mul3A_147 = arith.muli %add3A_134, %mul3A_146 : i32
        %add3A_148 = arith.constant 128 : i32
        %add3A_149 = arith.addi %mul3A_147, %add3A_148 : i32
        %dma_start3A_150 = arith.constant 128 : i32
        %dma_start3A_151 = arith.constant 0 : i32
        %dma_start3A_152 = tpu.memref_slice %arg6[%dma_start3A_150, %dma_start3A_151] : memref<640x32xf32, #tpu.memory_space<vmem>> -> memref<128x32xf32, #tpu.memory_space<vmem>>
        %dma_start3A_153 = tpu.memref_slice %arg5[%add3A_149] : memref<25600xi32, #tpu.memory_space<vmem>> -> memref<128xi32, #tpu.memory_space<vmem>>
        %dma_start3A_154 = arith.constant 0 : i32
        %dma_start3A_155 = arith.constant 0 : i32
        %dma_start3A_156 = tpu.memref_slice %arg2[%dma_start3A_154, %dma_start3A_155] : memref<800000x32xf32, #tpu.memory_space<hbm>> -> memref<800000x32xf32, #tpu.memory_space<hbm>>
        tpu.enqueue_indirect_dma source(%dma_start3A_156 : memref<800000x32xf32, #tpu.memory_space<hbm>>) target(%dma_start3A_152 : memref<128x32xf32, #tpu.memory_space<vmem>>) offsets(%dma_start3A_153 : memref<128xi32, #tpu.memory_space<vmem>>) semaphore(%arg8 : memref<!tpu.dma_semaphore, #tpu.memory_space<semaphore_mem>>)
        %mul3A_157 = arith.constant 640 : i32
        %mul3A_158 = arith.muli %add3A_134, %mul3A_157 : i32
        %add3A_159 = arith.constant 256 : i32
        %add3A_160 = arith.addi %mul3A_158, %add3A_159 : i32
        %dma_start3A_161 = arith.constant 256 : i32
        %dma_start3A_162 = arith.constant 0 : i32
        %dma_start3A_163 = tpu.memref_slice %arg6[%dma_start3A_161, %dma_start3A_162] : memref<640x32xf32, #tpu.memory_space<vmem>> -> memref<128x32xf32, #tpu.memory_space<vmem>>
        %dma_start3A_164 = tpu.memref_slice %arg5[%add3A_160] : memref<25600xi32, #tpu.memory_space<vmem>> -> memref<128xi32, #tpu.memory_space<vmem>>
        %dma_start3A_165 = arith.constant 0 : i32
        %dma_start3A_166 = arith.constant 0 : i32
        %dma_start3A_167 = tpu.memref_slice %arg2[%dma_start3A_165, %dma_start3A_166] : memref<800000x32xf32, #tpu.memory_space<hbm>> -> memref<800000x32xf32, #tpu.memory_space<hbm>>
        tpu.enqueue_indirect_dma source(%dma_start3A_167 : memref<800000x32xf32, #tpu.memory_space<hbm>>) target(%dma_start3A_163 : memref<128x32xf32, #tpu.memory_space<vmem>>) offsets(%dma_start3A_164 : memref<128xi32, #tpu.memory_space<vmem>>) semaphore(%arg8 : memref<!tpu.dma_semaphore, #tpu.memory_space<semaphore_mem>>)
        %mul3A_168 = arith.constant 640 : i32
        %mul3A_169 = arith.muli %add3A_134, %mul3A_168 : i32
        %add3A_170 = arith.constant 384 : i32
        %add3A_171 = arith.addi %mul3A_169, %add3A_170 : i32
        %dma_start3A_172 = arith.constant 384 : i32
        %dma_start3A_173 = arith.constant 0 : i32
        %dma_start3A_174 = tpu.memref_slice %arg6[%dma_start3A_172, %dma_start3A_173] : memref<640x32xf32, #tpu.memory_space<vmem>> -> memref<128x32xf32, #tpu.memory_space<vmem>>
        %dma_start3A_175 = tpu.memref_slice %arg5[%add3A_171] : memref<25600xi32, #tpu.memory_space<vmem>> -> memref<128xi32, #tpu.memory_space<vmem>>
        %dma_start3A_176 = arith.constant 0 : i32
        %dma_start3A_177 = arith.constant 0 : i32
        %dma_start3A_178 = tpu.memref_slice %arg2[%dma_start3A_176, %dma_start3A_177] : memref<800000x32xf32, #tpu.memory_space<hbm>> -> memref<800000x32xf32, #tpu.memory_space<hbm>>
        tpu.enqueue_indirect_dma source(%dma_start3A_178 : memref<800000x32xf32, #tpu.memory_space<hbm>>) target(%dma_start3A_174 : memref<128x32xf32, #tpu.memory_space<vmem>>) offsets(%dma_start3A_175 : memref<128xi32, #tpu.memory_space<vmem>>) semaphore(%arg8 : memref<!tpu.dma_semaphore, #tpu.memory_space<semaphore_mem>>)
        %mul3A_179 = arith.constant 640 : i32
        %mul3A_180 = arith.muli %add3A_134, %mul3A_179 : i32
        %add3A_181 = arith.constant 512 : i32
        %add3A_182 = arith.addi %mul3A_180, %add3A_181 : i32
        %dma_start3A_183 = arith.constant 512 : i32
        %dma_start3A_184 = arith.constant 0 : i32
        %dma_start3A_185 = tpu.memref_slice %arg6[%dma_start3A_183, %dma_start3A_184] : memref<640x32xf32, #tpu.memory_space<vmem>> -> memref<128x32xf32, #tpu.memory_space<vmem>>
        %dma_start3A_186 = tpu.memref_slice %arg5[%add3A_182] : memref<25600xi32, #tpu.memory_space<vmem>> -> memref<128xi32, #tpu.memory_space<vmem>>
        %dma_start3A_187 = arith.constant 0 : i32
        %dma_start3A_188 = arith.constant 0 : i32
        %dma_start3A_189 = tpu.memref_slice %arg2[%dma_start3A_187, %dma_start3A_188] : memref<800000x32xf32, #tpu.memory_space<hbm>> -> memref<800000x32xf32, #tpu.memory_space<hbm>>
        tpu.enqueue_indirect_dma source(%dma_start3A_189 : memref<800000x32xf32, #tpu.memory_space<hbm>>) target(%dma_start3A_185 : memref<128x32xf32, #tpu.memory_space<vmem>>) offsets(%dma_start3A_186 : memref<128xi32, #tpu.memory_space<vmem>>) semaphore(%arg8 : memref<!tpu.dma_semaphore, #tpu.memory_space<semaphore_mem>>)
      } else {
      }
      %dma_wait3A_121 = arith.constant 0 : i32
      %dma_wait3A_122 = arith.constant 0 : i32
      %dma_wait3A_123 = tpu.memref_slice %arg2[%dma_wait3A_121, %dma_wait3A_122] : memref<800000x32xf32, #tpu.memory_space<hbm>> -> memref<640x32xf32, #tpu.memory_space<hbm>>
      %dma_wait3A_124 = arith.constant 0 : i32
      %dma_wait3A_125 = arith.constant 0 : i32
      %dma_wait3A_126 = tpu.memref_slice %arg2[%dma_wait3A_124, %dma_wait3A_125] : memref<800000x32xf32, #tpu.memory_space<hbm>> -> memref<640x32xf32, #tpu.memory_space<hbm>>
      tpu.wait_dma2 semaphore(%arg9 : memref<!tpu.dma_semaphore, #tpu.memory_space<semaphore_mem>>) src(%dma_wait3A_126 : memref<640x32xf32, #tpu.memory_space<hbm>>) dst(%arg7 : memref<640x32xf32, #tpu.memory_space<vmem>>)
      %add3A_127 = arith.constant 1 : i32
      %add3A_128 = arith.addi %mul3A_51, %add3A_127 : i32
      %mul3A_129 = arith.constant 640 : i32
      %mul3A_130 = arith.muli %add3A_128, %mul3A_129 : i32
      %add3A_131 = arith.addi %mul3A_2, %mul3A_130 : i32
      "tpu.region"() ({
        %run_scoped3A = tpu.sem_alloc : memref<!tpu.dma_semaphore, #tpu.memory_space<semaphore_mem>>
        %dma_start3A_133 = arith.constant 0 : i32
        %dma_start3A_134 = tpu.memref_slice %arg4[%add3A_131, %dma_start3A_133] : memref<819200x32xf32, #tpu.memory_space<hbm>> -> memref<640x32xf32, #tpu.memory_space<hbm>>
        %dma_start3A_135 = arith.constant 0 : i32
        %dma_start3A_136 = tpu.memref_slice %arg4[%add3A_131, %dma_start3A_135] : memref<819200x32xf32, #tpu.memory_space<hbm>> -> memref<640x32xf32, #tpu.memory_space<hbm>>
        tpu.enqueue_dma source(%arg7 : memref<640x32xf32, #tpu.memory_space<vmem>>) target(%dma_start3A_136 : memref<640x32xf32, #tpu.memory_space<hbm>>) target_semaphore(%run_scoped3A : memref<!tpu.dma_semaphore, #tpu.memory_space<semaphore_mem>>)
        %dma_wait3A_137 = arith.constant 0 : i32
        %dma_wait3A_138 = tpu.memref_slice %arg4[%add3A_131, %dma_wait3A_137] : memref<819200x32xf32, #tpu.memory_space<hbm>> -> memref<640x32xf32, #tpu.memory_space<hbm>>
        %dma_wait3A_139 = arith.constant 0 : i32
        %dma_wait3A_140 = tpu.memref_slice %arg4[%add3A_131, %dma_wait3A_139] : memref<819200x32xf32, #tpu.memory_space<hbm>> -> memref<640x32xf32, #tpu.memory_space<hbm>>
        tpu.wait_dma2 semaphore(%run_scoped3A : memref<!tpu.dma_semaphore, #tpu.memory_space<semaphore_mem>>) src(%arg7 : memref<640x32xf32, #tpu.memory_space<vmem>>) dst(%dma_wait3A_140 : memref<640x32xf32, #tpu.memory_space<hbm>>)
        tpu.yield
      }) : () -> ()
      %scan3A_132 = arith.constant 0 : i32
      scf.yield %scan3A_132 : i32
    }
    %scan3A_47 = arith.constant 20 : i32
    return
  }
}

module attributes {stable_mosaic.version = 14 : i64} {
  func.func @_lstm_tc(%arg0: i32, %arg1: memref<20x256x32xf32, #tpu.memory_space<vmem>>, %arg2: memref<4x32x32xf32, #tpu.memory_space<vmem>>, %arg3: memref<4x32x32xf32, #tpu.memory_space<vmem>>, %arg4: memref<4x32xf32, #tpu.memory_space<vmem>>, %arg5: memref<256x32xf32, #tpu.memory_space<vmem>>) attributes {dimension_semantics = [#tpu.dimension_semantics<arbitrary>], iteration_bounds = array<i64: 8>, scalar_prefetch = 0 : i64, scratch_operands = 0 : i64, tpu.core_type = #tpu.core_type<tc>, window_params = [{transform_indices = @transform_0, window_bounds = array<i64: 20, 256, 32>}, {pipeline_mode = #tpu.pipeline_mode<synchronous>, transform_indices = @transform_1, window_bounds = array<i64: 4, 32, 32>}, {pipeline_mode = #tpu.pipeline_mode<synchronous>, transform_indices = @transform_2, window_bounds = array<i64: 4, 32, 32>}, {pipeline_mode = #tpu.pipeline_mode<synchronous>, transform_indices = @transform_3, window_bounds = array<i64: 4, 32>}, {transform_indices = @transform_4, window_bounds = array<i64: 256, 32>}]} {
    %broadcast_in_dim3A = arith.constant 0.000000e+00 : f32
    %broadcast_in_dim3A_0 = vector.broadcast %broadcast_in_dim3A : f32 to vector<256x32xf32>
    %broadcast_in_dim3A_1 = arith.constant 0.000000e+00 : f32
    %broadcast_in_dim3A_2 = vector.broadcast %broadcast_in_dim3A_1 : f32 to vector<256x32xf32>
    %scan3A = arith.constant 0 : i32
    %scan3A_3 = arith.constant 20 : i32
    %scan3A_4 = arith.addi %scan3A, %scan3A_3 : i32
    %scan3A_5 = arith.constant 1 : i32
    %scan3A_6:2 = scf.for %scan3A_10 = %scan3A to %scan3A_4 step %scan3A_5 iter_args(%scan3A_11 = %broadcast_in_dim3A_0, %scan3A_12 = %broadcast_in_dim3A_2) -> (vector<256x32xf32>, vector<256x32xf32>)  : i32 {
      %get3A = arith.index_cast %scan3A_10 : i32 to index
      %get3A_13 = arith.constant 0 : index
      %get3A_14 = arith.constant 0 : index
      %get3A_15 = vector.load %arg1[%get3A, %get3A_13, %get3A_14] : memref<20x256x32xf32, #tpu.memory_space<vmem>>, vector<1x256x32xf32>
      %get3A_16 = vector.shape_cast %get3A_15 : vector<1x256x32xf32> to vector<256x32xf32>
      %get3A_17 = arith.constant 0 : index
      %get3A_18 = arith.constant 0 : index
      %get3A_19 = arith.constant 0 : index
      %get3A_20 = vector.load %arg2[%get3A_17, %get3A_18, %get3A_19] : memref<4x32x32xf32, #tpu.memory_space<vmem>>, vector<1x32x32xf32>
      %get3A_21 = vector.shape_cast %get3A_20 : vector<1x32x32xf32> to vector<32x32xf32>
      %dot_general3A = arith.constant dense<0.000000e+00> : vector<256x32xf32>
      %dot_general3A_22 = tpu.matmul %get3A_16, %get3A_21, %dot_general3A {dimension_numbers = #tpu.dot_dimension_numbers<[1], [0], [0], [1], [0, 0, 1, 1], [], []>, transpose_lhs_hint = false} : vector<256x32xf32>, vector<32x32xf32>, vector<256x32xf32> -> vector<256x32xf32>
      %get3A_23 = arith.constant 0 : index
      %get3A_24 = arith.constant 0 : index
      %get3A_25 = arith.constant 0 : index
      %get3A_26 = vector.load %arg3[%get3A_23, %get3A_24, %get3A_25] : memref<4x32x32xf32, #tpu.memory_space<vmem>>, vector<1x32x32xf32>
      %get3A_27 = vector.shape_cast %get3A_26 : vector<1x32x32xf32> to vector<32x32xf32>
      %dot_general3A_28 = arith.constant dense<0.000000e+00> : vector<256x32xf32>
      %dot_general3A_29 = tpu.matmul %scan3A_11, %get3A_27, %dot_general3A_28 {dimension_numbers = #tpu.dot_dimension_numbers<[1], [0], [0], [1], [0, 0, 1, 1], [], []>, transpose_lhs_hint = false} : vector<256x32xf32>, vector<32x32xf32>, vector<256x32xf32> -> vector<256x32xf32>
      %add3A = arith.addf %dot_general3A_22, %dot_general3A_29 : vector<256x32xf32>
      %get3A_30 = arith.constant 0 : index
      %get3A_31 = arith.constant 0 : index
      %get3A_32 = vector.load %arg4[%get3A_30, %get3A_31] : memref<4x32xf32, #tpu.memory_space<vmem>>, vector<1x32xf32>
      %get3A_33 = vector.shape_cast %get3A_32 : vector<1x32xf32> to vector<32xf32>
      %broadcast_in_dim3A_34 = vector.shape_cast %get3A_33 : vector<32xf32> to vector<1x32xf32>
      %add3A_35 = vector.broadcast %broadcast_in_dim3A_34 : vector<1x32xf32> to vector<256x32xf32>
      %add3A_36 = arith.addf %add3A, %add3A_35 : vector<256x32xf32>
      %logistic3A = arith.negf %add3A_36 : vector<256x32xf32>
      %logistic3A_37 = math.exp %logistic3A : vector<256x32xf32>
      %logistic3A_38 = arith.constant 1.000000e+00 : f32
      %logistic3A_39 = vector.broadcast %logistic3A_38 : f32 to vector<256x32xf32>
      %logistic3A_40 = arith.addf %logistic3A_39, %logistic3A_37 : vector<256x32xf32>
      %logistic3A_41 = arith.divf %logistic3A_39, %logistic3A_40 : vector<256x32xf32>
      %get3A_42 = arith.constant 1 : index
      %get3A_43 = arith.constant 0 : index
      %get3A_44 = arith.constant 0 : index
      %get3A_45 = vector.load %arg2[%get3A_42, %get3A_43, %get3A_44] : memref<4x32x32xf32, #tpu.memory_space<vmem>>, vector<1x32x32xf32>
      %get3A_46 = vector.shape_cast %get3A_45 : vector<1x32x32xf32> to vector<32x32xf32>
      %dot_general3A_47 = arith.constant dense<0.000000e+00> : vector<256x32xf32>
      %dot_general3A_48 = tpu.matmul %get3A_16, %get3A_46, %dot_general3A_47 {dimension_numbers = #tpu.dot_dimension_numbers<[1], [0], [0], [1], [0, 0, 1, 1], [], []>, transpose_lhs_hint = false} : vector<256x32xf32>, vector<32x32xf32>, vector<256x32xf32> -> vector<256x32xf32>
      %get3A_49 = arith.constant 1 : index
      %get3A_50 = arith.constant 0 : index
      %get3A_51 = arith.constant 0 : index
      %get3A_52 = vector.load %arg3[%get3A_49, %get3A_50, %get3A_51] : memref<4x32x32xf32, #tpu.memory_space<vmem>>, vector<1x32x32xf32>
      %get3A_53 = vector.shape_cast %get3A_52 : vector<1x32x32xf32> to vector<32x32xf32>
      %dot_general3A_54 = arith.constant dense<0.000000e+00> : vector<256x32xf32>
      %dot_general3A_55 = tpu.matmul %scan3A_11, %get3A_53, %dot_general3A_54 {dimension_numbers = #tpu.dot_dimension_numbers<[1], [0], [0], [1], [0, 0, 1, 1], [], []>, transpose_lhs_hint = false} : vector<256x32xf32>, vector<32x32xf32>, vector<256x32xf32> -> vector<256x32xf32>
      %add3A_56 = arith.addf %dot_general3A_48, %dot_general3A_55 : vector<256x32xf32>
      %get3A_57 = arith.constant 1 : index
      %get3A_58 = arith.constant 0 : index
      %get3A_59 = vector.load %arg4[%get3A_57, %get3A_58] : memref<4x32xf32, #tpu.memory_space<vmem>>, vector<1x32xf32>
      %get3A_60 = vector.shape_cast %get3A_59 : vector<1x32xf32> to vector<32xf32>
      %broadcast_in_dim3A_61 = vector.shape_cast %get3A_60 : vector<32xf32> to vector<1x32xf32>
      %add3A_62 = vector.broadcast %broadcast_in_dim3A_61 : vector<1x32xf32> to vector<256x32xf32>
      %add3A_63 = arith.addf %add3A_56, %add3A_62 : vector<256x32xf32>
      %logistic3A_64 = arith.negf %add3A_63 : vector<256x32xf32>
      %logistic3A_65 = math.exp %logistic3A_64 : vector<256x32xf32>
      %logistic3A_66 = arith.constant 1.000000e+00 : f32
      %logistic3A_67 = vector.broadcast %logistic3A_66 : f32 to vector<256x32xf32>
      %logistic3A_68 = arith.addf %logistic3A_67, %logistic3A_65 : vector<256x32xf32>
      %logistic3A_69 = arith.divf %logistic3A_67, %logistic3A_68 : vector<256x32xf32>
      %get3A_70 = arith.constant 2 : index
      %get3A_71 = arith.constant 0 : index
      %get3A_72 = arith.constant 0 : index
      %get3A_73 = vector.load %arg2[%get3A_70, %get3A_71, %get3A_72] : memref<4x32x32xf32, #tpu.memory_space<vmem>>, vector<1x32x32xf32>
      %get3A_74 = vector.shape_cast %get3A_73 : vector<1x32x32xf32> to vector<32x32xf32>
      %dot_general3A_75 = arith.constant dense<0.000000e+00> : vector<256x32xf32>
      %dot_general3A_76 = tpu.matmul %get3A_16, %get3A_74, %dot_general3A_75 {dimension_numbers = #tpu.dot_dimension_numbers<[1], [0], [0], [1], [0, 0, 1, 1], [], []>, transpose_lhs_hint = false} : vector<256x32xf32>, vector<32x32xf32>, vector<256x32xf32> -> vector<256x32xf32>
      %get3A_77 = arith.constant 2 : index
      %get3A_78 = arith.constant 0 : index
      %get3A_79 = arith.constant 0 : index
      %get3A_80 = vector.load %arg3[%get3A_77, %get3A_78, %get3A_79] : memref<4x32x32xf32, #tpu.memory_space<vmem>>, vector<1x32x32xf32>
      %get3A_81 = vector.shape_cast %get3A_80 : vector<1x32x32xf32> to vector<32x32xf32>
      %dot_general3A_82 = arith.constant dense<0.000000e+00> : vector<256x32xf32>
      %dot_general3A_83 = tpu.matmul %scan3A_11, %get3A_81, %dot_general3A_82 {dimension_numbers = #tpu.dot_dimension_numbers<[1], [0], [0], [1], [0, 0, 1, 1], [], []>, transpose_lhs_hint = false} : vector<256x32xf32>, vector<32x32xf32>, vector<256x32xf32> -> vector<256x32xf32>
      %add3A_84 = arith.addf %dot_general3A_76, %dot_general3A_83 : vector<256x32xf32>
      %get3A_85 = arith.constant 2 : index
      %get3A_86 = arith.constant 0 : index
      %get3A_87 = vector.load %arg4[%get3A_85, %get3A_86] : memref<4x32xf32, #tpu.memory_space<vmem>>, vector<1x32xf32>
      %get3A_88 = vector.shape_cast %get3A_87 : vector<1x32xf32> to vector<32xf32>
      %broadcast_in_dim3A_89 = vector.shape_cast %get3A_88 : vector<32xf32> to vector<1x32xf32>
      %add3A_90 = vector.broadcast %broadcast_in_dim3A_89 : vector<1x32xf32> to vector<256x32xf32>
      %add3A_91 = arith.addf %add3A_84, %add3A_90 : vector<256x32xf32>
      %tanh3A = math.tanh %add3A_91 : vector<256x32xf32>
      %get3A_92 = arith.constant 3 : index
      %get3A_93 = arith.constant 0 : index
      %get3A_94 = arith.constant 0 : index
      %get3A_95 = vector.load %arg2[%get3A_92, %get3A_93, %get3A_94] : memref<4x32x32xf32, #tpu.memory_space<vmem>>, vector<1x32x32xf32>
      %get3A_96 = vector.shape_cast %get3A_95 : vector<1x32x32xf32> to vector<32x32xf32>
      %dot_general3A_97 = arith.constant dense<0.000000e+00> : vector<256x32xf32>
      %dot_general3A_98 = tpu.matmul %get3A_16, %get3A_96, %dot_general3A_97 {dimension_numbers = #tpu.dot_dimension_numbers<[1], [0], [0], [1], [0, 0, 1, 1], [], []>, transpose_lhs_hint = false} : vector<256x32xf32>, vector<32x32xf32>, vector<256x32xf32> -> vector<256x32xf32>
      %get3A_99 = arith.constant 3 : index
      %get3A_100 = arith.constant 0 : index
      %get3A_101 = arith.constant 0 : index
      %get3A_102 = vector.load %arg3[%get3A_99, %get3A_100, %get3A_101] : memref<4x32x32xf32, #tpu.memory_space<vmem>>, vector<1x32x32xf32>
      %get3A_103 = vector.shape_cast %get3A_102 : vector<1x32x32xf32> to vector<32x32xf32>
      %dot_general3A_104 = arith.constant dense<0.000000e+00> : vector<256x32xf32>
      %dot_general3A_105 = tpu.matmul %scan3A_11, %get3A_103, %dot_general3A_104 {dimension_numbers = #tpu.dot_dimension_numbers<[1], [0], [0], [1], [0, 0, 1, 1], [], []>, transpose_lhs_hint = false} : vector<256x32xf32>, vector<32x32xf32>, vector<256x32xf32> -> vector<256x32xf32>
      %add3A_106 = arith.addf %dot_general3A_98, %dot_general3A_105 : vector<256x32xf32>
      %get3A_107 = arith.constant 3 : index
      %get3A_108 = arith.constant 0 : index
      %get3A_109 = vector.load %arg4[%get3A_107, %get3A_108] : memref<4x32xf32, #tpu.memory_space<vmem>>, vector<1x32xf32>
      %get3A_110 = vector.shape_cast %get3A_109 : vector<1x32xf32> to vector<32xf32>
      %broadcast_in_dim3A_111 = vector.shape_cast %get3A_110 : vector<32xf32> to vector<1x32xf32>
      %add3A_112 = vector.broadcast %broadcast_in_dim3A_111 : vector<1x32xf32> to vector<256x32xf32>
      %add3A_113 = arith.addf %add3A_106, %add3A_112 : vector<256x32xf32>
      %logistic3A_114 = arith.negf %add3A_113 : vector<256x32xf32>
      %logistic3A_115 = math.exp %logistic3A_114 : vector<256x32xf32>
      %logistic3A_116 = arith.constant 1.000000e+00 : f32
      %logistic3A_117 = vector.broadcast %logistic3A_116 : f32 to vector<256x32xf32>
      %logistic3A_118 = arith.addf %logistic3A_117, %logistic3A_115 : vector<256x32xf32>
      %logistic3A_119 = arith.divf %logistic3A_117, %logistic3A_118 : vector<256x32xf32>
      %mul3A = arith.mulf %logistic3A_69, %scan3A_12 : vector<256x32xf32>
      %mul3A_120 = arith.mulf %logistic3A_41, %tanh3A : vector<256x32xf32>
      %add3A_121 = arith.addf %mul3A, %mul3A_120 : vector<256x32xf32>
      %tanh3A_122 = math.tanh %add3A_121 : vector<256x32xf32>
      %mul3A_123 = arith.mulf %logistic3A_119, %tanh3A_122 : vector<256x32xf32>
      scf.yield %mul3A_123, %add3A_121 : vector<256x32xf32>, vector<256x32xf32>
    }
    %scan3A_7 = arith.constant 20 : i32
    %swap3A = arith.constant 0 : index
    %swap3A_8 = arith.constant 0 : index
    %swap3A_9 = vector.load %arg5[%swap3A, %swap3A_8] : memref<256x32xf32, #tpu.memory_space<vmem>>, vector<256x32xf32>
    tpu.vector_store %arg5[%swap3A, %swap3A_8], %scan3A_6#0 {strides = array<i32>} : memref<256x32xf32, #tpu.memory_space<vmem>>, vector<256x32xf32>,
    return
  }
  func.func @transform_0(%arg0: i32) -> (i32, i32, i32) {
    %c0_i32 = arith.constant 0 : i32
    %c0_i32_0 = arith.constant 0 : i32
    %c0_i32_1 = arith.constant 0 : i32
    return %c0_i32, %arg0, %c0_i32_0 : i32, i32, i32
  }
  func.func @transform_1(%arg0: i32) -> (i32, i32, i32) {
    %c0_i32 = arith.constant 0 : i32
    %c0_i32_0 = arith.constant 0 : i32
    %c0_i32_1 = arith.constant 0 : i32
    %c0_i32_2 = arith.constant 0 : i32
    return %c0_i32, %c0_i32_0, %c0_i32_1 : i32, i32, i32
  }
  func.func @transform_2(%arg0: i32) -> (i32, i32, i32) {
    %c0_i32 = arith.constant 0 : i32
    %c0_i32_0 = arith.constant 0 : i32
    %c0_i32_1 = arith.constant 0 : i32
    %c0_i32_2 = arith.constant 0 : i32
    return %c0_i32, %c0_i32_0, %c0_i32_1 : i32, i32, i32
  }
  func.func @transform_3(%arg0: i32) -> (i32, i32) {
    %c0_i32 = arith.constant 0 : i32
    %c0_i32_0 = arith.constant 0 : i32
    %c0_i32_1 = arith.constant 0 : i32
    return %c0_i32, %c0_i32_0 : i32, i32
  }
  func.func @transform_4(%arg0: i32) -> (i32, i32) {
    %c0_i32 = arith.constant 0 : i32
    %c0_i32_0 = arith.constant 0 : i32
    return %arg0, %c0_i32 : i32, i32
  }
}

module attributes {stable_mosaic.version = 14 : i64} {
  func.func @_logits_gate_tc(%arg0: i32, %arg1: memref<8x100x128xf32, #tpu.memory_space<vmem>>, %arg2: memref<8x100x4xf32, #tpu.memory_space<vmem>>, %arg3: memref<8x100x128xf32, #tpu.memory_space<vmem>>, %arg4: memref<8x128xf32, #tpu.memory_space<vmem>>, %arg5: memref<8x100x4xf32, #tpu.memory_space<vmem>>, %arg6: memref<4x128xf32, #tpu.memory_space<vmem>>, %arg7: memref<128x4xf32, #tpu.memory_space<vmem>>, %arg8: memref<8x100x4xf32, #tpu.memory_space<vmem>>) attributes {dimension_semantics = [#tpu.dimension_semantics<arbitrary>], iteration_bounds = array<i64: 256>, scalar_prefetch = 0 : i64, scratch_operands = 0 : i64, tpu.core_type = #tpu.core_type<tc>, window_params = [{transform_indices = @transform_0, window_bounds = array<i64: 8, 100, 128>}, {transform_indices = @transform_1, window_bounds = array<i64: 8, 100, 4>}, {transform_indices = @transform_2, window_bounds = array<i64: 8, 100, 128>}, {transform_indices = @transform_3, window_bounds = array<i64: 8, 128>}, {transform_indices = @transform_4, window_bounds = array<i64: 8, 100, 4>}, {pipeline_mode = #tpu.pipeline_mode<synchronous>, transform_indices = @transform_5, window_bounds = array<i64: 4, 128>}, {pipeline_mode = #tpu.pipeline_mode<synchronous>, transform_indices = @transform_6, window_bounds = array<i64: 128, 4>}, {transform_indices = @transform_7, window_bounds = array<i64: 8, 100, 4>}]} {
    %get3A = arith.constant 0 : index
    %get3A_0 = arith.constant 0 : index
    %get3A_1 = vector.load %arg6[%get3A, %get3A_0] : memref<4x128xf32, #tpu.memory_space<vmem>>, vector<4x128xf32>
    %get3A_2 = arith.constant 0 : index
    %get3A_3 = arith.constant 0 : index
    %get3A_4 = vector.load %arg7[%get3A_2, %get3A_3] : memref<128x4xf32, #tpu.memory_space<vmem>>, vector<128x4xf32>
    %get3A_5 = arith.constant 0 : index
    %get3A_6 = arith.constant 0 : index
    %get3A_7 = arith.constant 0 : index
    %get3A_8 = vector.load %arg2[%get3A_5, %get3A_6, %get3A_7] : memref<8x100x4xf32, #tpu.memory_space<vmem>>, vector<1x100x4xf32>
    %get3A_9 = vector.shape_cast %get3A_8 : vector<1x100x4xf32> to vector<100x4xf32>
    %dot_general3A = arith.constant dense<0.000000e+00> : vector<100x128xf32>
    %dot_general3A_10 = tpu.matmul %get3A_9, %get3A_1, %dot_general3A {dimension_numbers = #tpu.dot_dimension_numbers<[1], [0], [0], [1], [0, 0, 1, 1], [], []>, transpose_lhs_hint = false} : vector<100x4xf32>, vector<4x128xf32>, vector<100x128xf32> -> vector<100x128xf32>
    %get3A_11 = arith.constant 0 : index
    %get3A_12 = arith.constant 0 : index
    %get3A_13 = vector.load %arg4[%get3A_11, %get3A_12] : memref<8x128xf32, #tpu.memory_space<vmem>>, vector<1x128xf32>
    %get3A_14 = vector.shape_cast %get3A_13 : vector<1x128xf32> to vector<128xf32>
    %get3A_15 = arith.constant 0 : index
    %get3A_16 = arith.constant 0 : index
    %get3A_17 = arith.constant 0 : index
    %get3A_18 = vector.load %arg3[%get3A_15, %get3A_16, %get3A_17] : memref<8x100x128xf32, #tpu.memory_space<vmem>>, vector<1x100x128xf32>
    %get3A_19 = vector.shape_cast %get3A_18 : vector<1x100x128xf32> to vector<100x128xf32>
    %broadcast_in_dim3A = vector.shape_cast %get3A_14 : vector<128xf32> to vector<1x128xf32>
    %mul3A = vector.broadcast %broadcast_in_dim3A : vector<1x128xf32> to vector<100x128xf32>
    %mul3A_20 = arith.mulf %mul3A, %get3A_19 : vector<100x128xf32>
    %get3A_21 = arith.constant 0 : index
    %get3A_22 = arith.constant 0 : index
    %get3A_23 = arith.constant 0 : index
    %get3A_24 = vector.load %arg1[%get3A_21, %get3A_22, %get3A_23] : memref<8x100x128xf32, #tpu.memory_space<vmem>>, vector<1x100x128xf32>
    %get3A_25 = vector.shape_cast %get3A_24 : vector<1x100x128xf32> to vector<100x128xf32>
    %mul3A_26 = arith.mulf %mul3A_20, %get3A_25 : vector<100x128xf32>
    %mul3A_27 = arith.mulf %mul3A_26, %dot_general3A_10 : vector<100x128xf32>
    %dot_general3A_28 = arith.constant dense<0.000000e+00> : vector<100x4xf32>
    %dot_general3A_29 = tpu.matmul %mul3A_27, %get3A_4, %dot_general3A_28 {dimension_numbers = #tpu.dot_dimension_numbers<[1], [0], [0], [1], [0, 0, 1, 1], [], []>, transpose_lhs_hint = false} : vector<100x128xf32>, vector<128x4xf32>, vector<100x4xf32> -> vector<100x4xf32>
    %get3A_30 = arith.constant 0 : index
    %get3A_31 = arith.constant 0 : index
    %get3A_32 = arith.constant 0 : index
    %get3A_33 = vector.load %arg5[%get3A_30, %get3A_31, %get3A_32] : memref<8x100x4xf32, #tpu.memory_space<vmem>>, vector<1x100x4xf32>
    %get3A_34 = vector.shape_cast %get3A_33 : vector<1x100x4xf32> to vector<100x4xf32>
    %mul3A_35 = arith.constant -9.998000e-01 : f32
    %mul3A_36 = vector.broadcast %mul3A_35 : f32 to vector<100x4xf32>
    %mul3A_37 = arith.mulf %mul3A_36, %get3A_34 : vector<100x4xf32>
    %add3A = arith.constant 0.999899983 : f32
    %add3A_38 = vector.broadcast %add3A : f32 to vector<100x4xf32>
    %add3A_39 = arith.addf %mul3A_37, %add3A_38 : vector<100x4xf32>
    %log3A = math.log %add3A_39 : vector<100x4xf32>
    %sub3A = arith.constant 1.000000e+00 : f32
    %sub3A_40 = vector.broadcast %sub3A : f32 to vector<100x4xf32>
    %sub3A_41 = arith.subf %sub3A_40, %add3A_39 : vector<100x4xf32>
    %log3A_42 = math.log %sub3A_41 : vector<100x4xf32>
    %sub3A_43 = arith.subf %log3A, %log3A_42 : vector<100x4xf32>
    %add3A_44 = arith.addf %sub3A_43, %dot_general3A_29 : vector<100x4xf32>
    %div3A = arith.constant 1.000000e+00 : f32
    %div3A_45 = vector.broadcast %div3A : f32 to vector<100x4xf32>
    %div3A_46 = arith.divf %add3A_44, %div3A_45 : vector<100x4xf32>
    %logistic3A = arith.negf %div3A_46 : vector<100x4xf32>
    %logistic3A_47 = math.exp %logistic3A : vector<100x4xf32>
    %logistic3A_48 = arith.constant 1.000000e+00 : f32
    %logistic3A_49 = vector.broadcast %logistic3A_48 : f32 to vector<100x4xf32>
    %logistic3A_50 = arith.addf %logistic3A_49, %logistic3A_47 : vector<100x4xf32>
    %logistic3A_51 = arith.divf %logistic3A_49, %logistic3A_50 : vector<100x4xf32>
    %swap3A = arith.constant 0 : index
    %swap3A_52 = arith.constant 0 : index
    %swap3A_53 = arith.constant 0 : index
    %swap3A_54 = vector.load %arg8[%swap3A, %swap3A_52, %swap3A_53] : memref<8x100x4xf32, #tpu.memory_space<vmem>>, vector<1x100x4xf32>
    %swap3A_55 = vector.shape_cast %swap3A_54 : vector<1x100x4xf32> to vector<100x4xf32>
    %swap3A_56 = vector.shape_cast %logistic3A_51 : vector<100x4xf32> to vector<1x100x4xf32>
    tpu.vector_store %arg8[%swap3A, %swap3A_52, %swap3A_53], %swap3A_56 {strides = array<i32>} : memref<8x100x4xf32, #tpu.memory_space<vmem>>, vector<1x100x4xf32>,
    %get3A_57 = arith.constant 1 : index
    %get3A_58 = arith.constant 0 : index
    %get3A_59 = arith.constant 0 : index
    %get3A_60 = vector.load %arg2[%get3A_57, %get3A_58, %get3A_59] : memref<8x100x4xf32, #tpu.memory_space<vmem>>, vector<1x100x4xf32>
    %get3A_61 = vector.shape_cast %get3A_60 : vector<1x100x4xf32> to vector<100x4xf32>
    %dot_general3A_62 = arith.constant dense<0.000000e+00> : vector<100x128xf32>
    %dot_general3A_63 = tpu.matmul %get3A_61, %get3A_1, %dot_general3A_62 {dimension_numbers = #tpu.dot_dimension_numbers<[1], [0], [0], [1], [0, 0, 1, 1], [], []>, transpose_lhs_hint = false} : vector<100x4xf32>, vector<4x128xf32>, vector<100x128xf32> -> vector<100x128xf32>
    %get3A_64 = arith.constant 1 : index
    %get3A_65 = arith.constant 0 : index
    %get3A_66 = vector.load %arg4[%get3A_64, %get3A_65] : memref<8x128xf32, #tpu.memory_space<vmem>>, vector<1x128xf32>
    %get3A_67 = vector.shape_cast %get3A_66 : vector<1x128xf32> to vector<128xf32>
    %get3A_68 = arith.constant 1 : index
    %get3A_69 = arith.constant 0 : index
    %get3A_70 = arith.constant 0 : index
    %get3A_71 = vector.load %arg3[%get3A_68, %get3A_69, %get3A_70] : memref<8x100x128xf32, #tpu.memory_space<vmem>>, vector<1x100x128xf32>
    %get3A_72 = vector.shape_cast %get3A_71 : vector<1x100x128xf32> to vector<100x128xf32>
    %broadcast_in_dim3A_73 = vector.shape_cast %get3A_67 : vector<128xf32> to vector<1x128xf32>
    %mul3A_74 = vector.broadcast %broadcast_in_dim3A_73 : vector<1x128xf32> to vector<100x128xf32>
    %mul3A_75 = arith.mulf %mul3A_74, %get3A_72 : vector<100x128xf32>
    %get3A_76 = arith.constant 1 : index
    %get3A_77 = arith.constant 0 : index
    %get3A_78 = arith.constant 0 : index
    %get3A_79 = vector.load %arg1[%get3A_76, %get3A_77, %get3A_78] : memref<8x100x128xf32, #tpu.memory_space<vmem>>, vector<1x100x128xf32>
    %get3A_80 = vector.shape_cast %get3A_79 : vector<1x100x128xf32> to vector<100x128xf32>
    %mul3A_81 = arith.mulf %mul3A_75, %get3A_80 : vector<100x128xf32>
    %mul3A_82 = arith.mulf %mul3A_81, %dot_general3A_63 : vector<100x128xf32>
    %dot_general3A_83 = arith.constant dense<0.000000e+00> : vector<100x4xf32>
    %dot_general3A_84 = tpu.matmul %mul3A_82, %get3A_4, %dot_general3A_83 {dimension_numbers = #tpu.dot_dimension_numbers<[1], [0], [0], [1], [0, 0, 1, 1], [], []>, transpose_lhs_hint = false} : vector<100x128xf32>, vector<128x4xf32>, vector<100x4xf32> -> vector<100x4xf32>
    %get3A_85 = arith.constant 1 : index
    %get3A_86 = arith.constant 0 : index
    %get3A_87 = arith.constant 0 : index
    %get3A_88 = vector.load %arg5[%get3A_85, %get3A_86, %get3A_87] : memref<8x100x4xf32, #tpu.memory_space<vmem>>, vector<1x100x4xf32>
    %get3A_89 = vector.shape_cast %get3A_88 : vector<1x100x4xf32> to vector<100x4xf32>
    %mul3A_90 = arith.constant -9.998000e-01 : f32
    %mul3A_91 = vector.broadcast %mul3A_90 : f32 to vector<100x4xf32>
    %mul3A_92 = arith.mulf %mul3A_91, %get3A_89 : vector<100x4xf32>
    %add3A_93 = arith.constant 0.999899983 : f32
    %add3A_94 = vector.broadcast %add3A_93 : f32 to vector<100x4xf32>
    %add3A_95 = arith.addf %mul3A_92, %add3A_94 : vector<100x4xf32>
    %log3A_96 = math.log %add3A_95 : vector<100x4xf32>
    %sub3A_97 = arith.constant 1.000000e+00 : f32
    %sub3A_98 = vector.broadcast %sub3A_97 : f32 to vector<100x4xf32>
    %sub3A_99 = arith.subf %sub3A_98, %add3A_95 : vector<100x4xf32>
    %log3A_100 = math.log %sub3A_99 : vector<100x4xf32>
    %sub3A_101 = arith.subf %log3A_96, %log3A_100 : vector<100x4xf32>
    %add3A_102 = arith.addf %sub3A_101, %dot_general3A_84 : vector<100x4xf32>
    %div3A_103 = arith.constant 1.000000e+00 : f32
    %div3A_104 = vector.broadcast %div3A_103 : f32 to vector<100x4xf32>
    %div3A_105 = arith.divf %add3A_102, %div3A_104 : vector<100x4xf32>
    %logistic3A_106 = arith.negf %div3A_105 : vector<100x4xf32>
    %logistic3A_107 = math.exp %logistic3A_106 : vector<100x4xf32>
    %logistic3A_108 = arith.constant 1.000000e+00 : f32
    %logistic3A_109 = vector.broadcast %logistic3A_108 : f32 to vector<100x4xf32>
    %logistic3A_110 = arith.addf %logistic3A_109, %logistic3A_107 : vector<100x4xf32>
    %logistic3A_111 = arith.divf %logistic3A_109, %logistic3A_110 : vector<100x4xf32>
    %swap3A_112 = arith.constant 1 : index
    %swap3A_113 = arith.constant 0 : index
    %swap3A_114 = arith.constant 0 : index
    %swap3A_115 = vector.load %arg8[%swap3A_112, %swap3A_113, %swap3A_114] : memref<8x100x4xf32, #tpu.memory_space<vmem>>, vector<1x100x4xf32>
    %swap3A_116 = vector.shape_cast %swap3A_115 : vector<1x100x4xf32> to vector<100x4xf32>
    %swap3A_117 = vector.shape_cast %logistic3A_111 : vector<100x4xf32> to vector<1x100x4xf32>
    tpu.vector_store %arg8[%swap3A_112, %swap3A_113, %swap3A_114], %swap3A_117 {strides = array<i32>} : memref<8x100x4xf32, #tpu.memory_space<vmem>>, vector<1x100x4xf32>,
    %get3A_118 = arith.constant 2 : index
    %get3A_119 = arith.constant 0 : index
    %get3A_120 = arith.constant 0 : index
    %get3A_121 = vector.load %arg2[%get3A_118, %get3A_119, %get3A_120] : memref<8x100x4xf32, #tpu.memory_space<vmem>>, vector<1x100x4xf32>
    %get3A_122 = vector.shape_cast %get3A_121 : vector<1x100x4xf32> to vector<100x4xf32>
    %dot_general3A_123 = arith.constant dense<0.000000e+00> : vector<100x128xf32>
    %dot_general3A_124 = tpu.matmul %get3A_122, %get3A_1, %dot_general3A_123 {dimension_numbers = #tpu.dot_dimension_numbers<[1], [0], [0], [1], [0, 0, 1, 1], [], []>, transpose_lhs_hint = false} : vector<100x4xf32>, vector<4x128xf32>, vector<100x128xf32> -> vector<100x128xf32>
    %get3A_125 = arith.constant 2 : index
    %get3A_126 = arith.constant 0 : index
    %get3A_127 = vector.load %arg4[%get3A_125, %get3A_126] : memref<8x128xf32, #tpu.memory_space<vmem>>, vector<1x128xf32>
    %get3A_128 = vector.shape_cast %get3A_127 : vector<1x128xf32> to vector<128xf32>
    %get3A_129 = arith.constant 2 : index
    %get3A_130 = arith.constant 0 : index
    %get3A_131 = arith.constant 0 : index
    %get3A_132 = vector.load %arg3[%get3A_129, %get3A_130, %get3A_131] : memref<8x100x128xf32, #tpu.memory_space<vmem>>, vector<1x100x128xf32>
    %get3A_133 = vector.shape_cast %get3A_132 : vector<1x100x128xf32> to vector<100x128xf32>
    %broadcast_in_dim3A_134 = vector.shape_cast %get3A_128 : vector<128xf32> to vector<1x128xf32>
    %mul3A_135 = vector.broadcast %broadcast_in_dim3A_134 : vector<1x128xf32> to vector<100x128xf32>
    %mul3A_136 = arith.mulf %mul3A_135, %get3A_133 : vector<100x128xf32>
    %get3A_137 = arith.constant 2 : index
    %get3A_138 = arith.constant 0 : index
    %get3A_139 = arith.constant 0 : index
    %get3A_140 = vector.load %arg1[%get3A_137, %get3A_138, %get3A_139] : memref<8x100x128xf32, #tpu.memory_space<vmem>>, vector<1x100x128xf32>
    %get3A_141 = vector.shape_cast %get3A_140 : vector<1x100x128xf32> to vector<100x128xf32>
    %mul3A_142 = arith.mulf %mul3A_136, %get3A_141 : vector<100x128xf32>
    %mul3A_143 = arith.mulf %mul3A_142, %dot_general3A_124 : vector<100x128xf32>
    %dot_general3A_144 = arith.constant dense<0.000000e+00> : vector<100x4xf32>
    %dot_general3A_145 = tpu.matmul %mul3A_143, %get3A_4, %dot_general3A_144 {dimension_numbers = #tpu.dot_dimension_numbers<[1], [0], [0], [1], [0, 0, 1, 1], [], []>, transpose_lhs_hint = false} : vector<100x128xf32>, vector<128x4xf32>, vector<100x4xf32> -> vector<100x4xf32>
    %get3A_146 = arith.constant 2 : index
    %get3A_147 = arith.constant 0 : index
    %get3A_148 = arith.constant 0 : index
    %get3A_149 = vector.load %arg5[%get3A_146, %get3A_147, %get3A_148] : memref<8x100x4xf32, #tpu.memory_space<vmem>>, vector<1x100x4xf32>
    %get3A_150 = vector.shape_cast %get3A_149 : vector<1x100x4xf32> to vector<100x4xf32>
    %mul3A_151 = arith.constant -9.998000e-01 : f32
    %mul3A_152 = vector.broadcast %mul3A_151 : f32 to vector<100x4xf32>
    %mul3A_153 = arith.mulf %mul3A_152, %get3A_150 : vector<100x4xf32>
    %add3A_154 = arith.constant 0.999899983 : f32
    %add3A_155 = vector.broadcast %add3A_154 : f32 to vector<100x4xf32>
    %add3A_156 = arith.addf %mul3A_153, %add3A_155 : vector<100x4xf32>
    %log3A_157 = math.log %add3A_156 : vector<100x4xf32>
    %sub3A_158 = arith.constant 1.000000e+00 : f32
    %sub3A_159 = vector.broadcast %sub3A_158 : f32 to vector<100x4xf32>
    %sub3A_160 = arith.subf %sub3A_159, %add3A_156 : vector<100x4xf32>
    %log3A_161 = math.log %sub3A_160 : vector<100x4xf32>
    %sub3A_162 = arith.subf %log3A_157, %log3A_161 : vector<100x4xf32>
    %add3A_163 = arith.addf %sub3A_162, %dot_general3A_145 : vector<100x4xf32>
    %div3A_164 = arith.constant 1.000000e+00 : f32
    %div3A_165 = vector.broadcast %div3A_164 : f32 to vector<100x4xf32>
    %div3A_166 = arith.divf %add3A_163, %div3A_165 : vector<100x4xf32>
    %logistic3A_167 = arith.negf %div3A_166 : vector<100x4xf32>
    %logistic3A_168 = math.exp %logistic3A_167 : vector<100x4xf32>
    %logistic3A_169 = arith.constant 1.000000e+00 : f32
    %logistic3A_170 = vector.broadcast %logistic3A_169 : f32 to vector<100x4xf32>
    %logistic3A_171 = arith.addf %logistic3A_170, %logistic3A_168 : vector<100x4xf32>
    %logistic3A_172 = arith.divf %logistic3A_170, %logistic3A_171 : vector<100x4xf32>
    %swap3A_173 = arith.constant 2 : index
    %swap3A_174 = arith.constant 0 : index
    %swap3A_175 = arith.constant 0 : index
    %swap3A_176 = vector.load %arg8[%swap3A_173, %swap3A_174, %swap3A_175] : memref<8x100x4xf32, #tpu.memory_space<vmem>>, vector<1x100x4xf32>
    %swap3A_177 = vector.shape_cast %swap3A_176 : vector<1x100x4xf32> to vector<100x4xf32>
    %swap3A_178 = vector.shape_cast %logistic3A_172 : vector<100x4xf32> to vector<1x100x4xf32>
    tpu.vector_store %arg8[%swap3A_173, %swap3A_174, %swap3A_175], %swap3A_178 {strides = array<i32>} : memref<8x100x4xf32, #tpu.memory_space<vmem>>, vector<1x100x4xf32>,
    %get3A_179 = arith.constant 3 : index
    %get3A_180 = arith.constant 0 : index
    %get3A_181 = arith.constant 0 : index
    %get3A_182 = vector.load %arg2[%get3A_179, %get3A_180, %get3A_181] : memref<8x100x4xf32, #tpu.memory_space<vmem>>, vector<1x100x4xf32>
    %get3A_183 = vector.shape_cast %get3A_182 : vector<1x100x4xf32> to vector<100x4xf32>
    %dot_general3A_184 = arith.constant dense<0.000000e+00> : vector<100x128xf32>
    %dot_general3A_185 = tpu.matmul %get3A_183, %get3A_1, %dot_general3A_184 {dimension_numbers = #tpu.dot_dimension_numbers<[1], [0], [0], [1], [0, 0, 1, 1], [], []>, transpose_lhs_hint = false} : vector<100x4xf32>, vector<4x128xf32>, vector<100x128xf32> -> vector<100x128xf32>
    %get3A_186 = arith.constant 3 : index
    %get3A_187 = arith.constant 0 : index
    %get3A_188 = vector.load %arg4[%get3A_186, %get3A_187] : memref<8x128xf32, #tpu.memory_space<vmem>>, vector<1x128xf32>
    %get3A_189 = vector.shape_cast %get3A_188 : vector<1x128xf32> to vector<128xf32>
    %get3A_190 = arith.constant 3 : index
    %get3A_191 = arith.constant 0 : index
    %get3A_192 = arith.constant 0 : index
    %get3A_193 = vector.load %arg3[%get3A_190, %get3A_191, %get3A_192] : memref<8x100x128xf32, #tpu.memory_space<vmem>>, vector<1x100x128xf32>
    %get3A_194 = vector.shape_cast %get3A_193 : vector<1x100x128xf32> to vector<100x128xf32>
    %broadcast_in_dim3A_195 = vector.shape_cast %get3A_189 : vector<128xf32> to vector<1x128xf32>
    %mul3A_196 = vector.broadcast %broadcast_in_dim3A_195 : vector<1x128xf32> to vector<100x128xf32>
    %mul3A_197 = arith.mulf %mul3A_196, %get3A_194 : vector<100x128xf32>
    %get3A_198 = arith.constant 3 : index
    %get3A_199 = arith.constant 0 : index
    %get3A_200 = arith.constant 0 : index
    %get3A_201 = vector.load %arg1[%get3A_198, %get3A_199, %get3A_200] : memref<8x100x128xf32, #tpu.memory_space<vmem>>, vector<1x100x128xf32>
    %get3A_202 = vector.shape_cast %get3A_201 : vector<1x100x128xf32> to vector<100x128xf32>
    %mul3A_203 = arith.mulf %mul3A_197, %get3A_202 : vector<100x128xf32>
    %mul3A_204 = arith.mulf %mul3A_203, %dot_general3A_185 : vector<100x128xf32>
    %dot_general3A_205 = arith.constant dense<0.000000e+00> : vector<100x4xf32>
    %dot_general3A_206 = tpu.matmul %mul3A_204, %get3A_4, %dot_general3A_205 {dimension_numbers = #tpu.dot_dimension_numbers<[1], [0], [0], [1], [0, 0, 1, 1], [], []>, transpose_lhs_hint = false} : vector<100x128xf32>, vector<128x4xf32>, vector<100x4xf32> -> vector<100x4xf32>
    %get3A_207 = arith.constant 3 : index
    %get3A_208 = arith.constant 0 : index
    %get3A_209 = arith.constant 0 : index
    %get3A_210 = vector.load %arg5[%get3A_207, %get3A_208, %get3A_209] : memref<8x100x4xf32, #tpu.memory_space<vmem>>, vector<1x100x4xf32>
    %get3A_211 = vector.shape_cast %get3A_210 : vector<1x100x4xf32> to vector<100x4xf32>
    %mul3A_212 = arith.constant -9.998000e-01 : f32
    %mul3A_213 = vector.broadcast %mul3A_212 : f32 to vector<100x4xf32>
    %mul3A_214 = arith.mulf %mul3A_213, %get3A_211 : vector<100x4xf32>
    %add3A_215 = arith.constant 0.999899983 : f32
    %add3A_216 = vector.broadcast %add3A_215 : f32 to vector<100x4xf32>
    %add3A_217 = arith.addf %mul3A_214, %add3A_216 : vector<100x4xf32>
    %log3A_218 = math.log %add3A_217 : vector<100x4xf32>
    %sub3A_219 = arith.constant 1.000000e+00 : f32
    %sub3A_220 = vector.broadcast %sub3A_219 : f32 to vector<100x4xf32>
    %sub3A_221 = arith.subf %sub3A_220, %add3A_217 : vector<100x4xf32>
    %log3A_222 = math.log %sub3A_221 : vector<100x4xf32>
    %sub3A_223 = arith.subf %log3A_218, %log3A_222 : vector<100x4xf32>
    %add3A_224 = arith.addf %sub3A_223, %dot_general3A_206 : vector<100x4xf32>
    %div3A_225 = arith.constant 1.000000e+00 : f32
    %div3A_226 = vector.broadcast %div3A_225 : f32 to vector<100x4xf32>
    %div3A_227 = arith.divf %add3A_224, %div3A_226 : vector<100x4xf32>
    %logistic3A_228 = arith.negf %div3A_227 : vector<100x4xf32>
    %logistic3A_229 = math.exp %logistic3A_228 : vector<100x4xf32>
    %logistic3A_230 = arith.constant 1.000000e+00 : f32
    %logistic3A_231 = vector.broadcast %logistic3A_230 : f32 to vector<100x4xf32>
    %logistic3A_232 = arith.addf %logistic3A_231, %logistic3A_229 : vector<100x4xf32>
    %logistic3A_233 = arith.divf %logistic3A_231, %logistic3A_232 : vector<100x4xf32>
    %swap3A_234 = arith.constant 3 : index
    %swap3A_235 = arith.constant 0 : index
    %swap3A_236 = arith.constant 0 : index
    %swap3A_237 = vector.load %arg8[%swap3A_234, %swap3A_235, %swap3A_236] : memref<8x100x4xf32, #tpu.memory_space<vmem>>, vector<1x100x4xf32>
    %swap3A_238 = vector.shape_cast %swap3A_237 : vector<1x100x4xf32> to vector<100x4xf32>
    %swap3A_239 = vector.shape_cast %logistic3A_233 : vector<100x4xf32> to vector<1x100x4xf32>
    tpu.vector_store %arg8[%swap3A_234, %swap3A_235, %swap3A_236], %swap3A_239 {strides = array<i32>} : memref<8x100x4xf32, #tpu.memory_space<vmem>>, vector<1x100x4xf32>,
    %get3A_240 = arith.constant 4 : index
    %get3A_241 = arith.constant 0 : index
    %get3A_242 = arith.constant 0 : index
    %get3A_243 = vector.load %arg2[%get3A_240, %get3A_241, %get3A_242] : memref<8x100x4xf32, #tpu.memory_space<vmem>>, vector<1x100x4xf32>
    %get3A_244 = vector.shape_cast %get3A_243 : vector<1x100x4xf32> to vector<100x4xf32>
    %dot_general3A_245 = arith.constant dense<0.000000e+00> : vector<100x128xf32>
    %dot_general3A_246 = tpu.matmul %get3A_244, %get3A_1, %dot_general3A_245 {dimension_numbers = #tpu.dot_dimension_numbers<[1], [0], [0], [1], [0, 0, 1, 1], [], []>, transpose_lhs_hint = false} : vector<100x4xf32>, vector<4x128xf32>, vector<100x128xf32> -> vector<100x128xf32>
    %get3A_247 = arith.constant 4 : index
    %get3A_248 = arith.constant 0 : index
    %get3A_249 = vector.load %arg4[%get3A_247, %get3A_248] : memref<8x128xf32, #tpu.memory_space<vmem>>, vector<1x128xf32>
    %get3A_250 = vector.shape_cast %get3A_249 : vector<1x128xf32> to vector<128xf32>
    %get3A_251 = arith.constant 4 : index
    %get3A_252 = arith.constant 0 : index
    %get3A_253 = arith.constant 0 : index
    %get3A_254 = vector.load %arg3[%get3A_251, %get3A_252, %get3A_253] : memref<8x100x128xf32, #tpu.memory_space<vmem>>, vector<1x100x128xf32>
    %get3A_255 = vector.shape_cast %get3A_254 : vector<1x100x128xf32> to vector<100x128xf32>
    %broadcast_in_dim3A_256 = vector.shape_cast %get3A_250 : vector<128xf32> to vector<1x128xf32>
    %mul3A_257 = vector.broadcast %broadcast_in_dim3A_256 : vector<1x128xf32> to vector<100x128xf32>
    %mul3A_258 = arith.mulf %mul3A_257, %get3A_255 : vector<100x128xf32>
    %get3A_259 = arith.constant 4 : index
    %get3A_260 = arith.constant 0 : index
    %get3A_261 = arith.constant 0 : index
    %get3A_262 = vector.load %arg1[%get3A_259, %get3A_260, %get3A_261] : memref<8x100x128xf32, #tpu.memory_space<vmem>>, vector<1x100x128xf32>
    %get3A_263 = vector.shape_cast %get3A_262 : vector<1x100x128xf32> to vector<100x128xf32>
    %mul3A_264 = arith.mulf %mul3A_258, %get3A_263 : vector<100x128xf32>
    %mul3A_265 = arith.mulf %mul3A_264, %dot_general3A_246 : vector<100x128xf32>
    %dot_general3A_266 = arith.constant dense<0.000000e+00> : vector<100x4xf32>
    %dot_general3A_267 = tpu.matmul %mul3A_265, %get3A_4, %dot_general3A_266 {dimension_numbers = #tpu.dot_dimension_numbers<[1], [0], [0], [1], [0, 0, 1, 1], [], []>, transpose_lhs_hint = false} : vector<100x128xf32>, vector<128x4xf32>, vector<100x4xf32> -> vector<100x4xf32>
    %get3A_268 = arith.constant 4 : index
    %get3A_269 = arith.constant 0 : index
    %get3A_270 = arith.constant 0 : index
    %get3A_271 = vector.load %arg5[%get3A_268, %get3A_269, %get3A_270] : memref<8x100x4xf32, #tpu.memory_space<vmem>>, vector<1x100x4xf32>
    %get3A_272 = vector.shape_cast %get3A_271 : vector<1x100x4xf32> to vector<100x4xf32>
    %mul3A_273 = arith.constant -9.998000e-01 : f32
    %mul3A_274 = vector.broadcast %mul3A_273 : f32 to vector<100x4xf32>
    %mul3A_275 = arith.mulf %mul3A_274, %get3A_272 : vector<100x4xf32>
    %add3A_276 = arith.constant 0.999899983 : f32
    %add3A_277 = vector.broadcast %add3A_276 : f32 to vector<100x4xf32>
    %add3A_278 = arith.addf %mul3A_275, %add3A_277 : vector<100x4xf32>
    %log3A_279 = math.log %add3A_278 : vector<100x4xf32>
    %sub3A_280 = arith.constant 1.000000e+00 : f32
    %sub3A_281 = vector.broadcast %sub3A_280 : f32 to vector<100x4xf32>
    %sub3A_282 = arith.subf %sub3A_281, %add3A_278 : vector<100x4xf32>
    %log3A_283 = math.log %sub3A_282 : vector<100x4xf32>
    %sub3A_284 = arith.subf %log3A_279, %log3A_283 : vector<100x4xf32>
    %add3A_285 = arith.addf %sub3A_284, %dot_general3A_267 : vector<100x4xf32>
    %div3A_286 = arith.constant 1.000000e+00 : f32
    %div3A_287 = vector.broadcast %div3A_286 : f32 to vector<100x4xf32>
    %div3A_288 = arith.divf %add3A_285, %div3A_287 : vector<100x4xf32>
    %logistic3A_289 = arith.negf %div3A_288 : vector<100x4xf32>
    %logistic3A_290 = math.exp %logistic3A_289 : vector<100x4xf32>
    %logistic3A_291 = arith.constant 1.000000e+00 : f32
    %logistic3A_292 = vector.broadcast %logistic3A_291 : f32 to vector<100x4xf32>
    %logistic3A_293 = arith.addf %logistic3A_292, %logistic3A_290 : vector<100x4xf32>
    %logistic3A_294 = arith.divf %logistic3A_292, %logistic3A_293 : vector<100x4xf32>
    %swap3A_295 = arith.constant 4 : index
    %swap3A_296 = arith.constant 0 : index
    %swap3A_297 = arith.constant 0 : index
    %swap3A_298 = vector.load %arg8[%swap3A_295, %swap3A_296, %swap3A_297] : memref<8x100x4xf32, #tpu.memory_space<vmem>>, vector<1x100x4xf32>
    %swap3A_299 = vector.shape_cast %swap3A_298 : vector<1x100x4xf32> to vector<100x4xf32>
    %swap3A_300 = vector.shape_cast %logistic3A_294 : vector<100x4xf32> to vector<1x100x4xf32>
    tpu.vector_store %arg8[%swap3A_295, %swap3A_296, %swap3A_297], %swap3A_300 {strides = array<i32>} : memref<8x100x4xf32, #tpu.memory_space<vmem>>, vector<1x100x4xf32>,
    %get3A_301 = arith.constant 5 : index
    %get3A_302 = arith.constant 0 : index
    %get3A_303 = arith.constant 0 : index
    %get3A_304 = vector.load %arg2[%get3A_301, %get3A_302, %get3A_303] : memref<8x100x4xf32, #tpu.memory_space<vmem>>, vector<1x100x4xf32>
    %get3A_305 = vector.shape_cast %get3A_304 : vector<1x100x4xf32> to vector<100x4xf32>
    %dot_general3A_306 = arith.constant dense<0.000000e+00> : vector<100x128xf32>
    %dot_general3A_307 = tpu.matmul %get3A_305, %get3A_1, %dot_general3A_306 {dimension_numbers = #tpu.dot_dimension_numbers<[1], [0], [0], [1], [0, 0, 1, 1], [], []>, transpose_lhs_hint = false} : vector<100x4xf32>, vector<4x128xf32>, vector<100x128xf32> -> vector<100x128xf32>
    %get3A_308 = arith.constant 5 : index
    %get3A_309 = arith.constant 0 : index
    %get3A_310 = vector.load %arg4[%get3A_308, %get3A_309] : memref<8x128xf32, #tpu.memory_space<vmem>>, vector<1x128xf32>
    %get3A_311 = vector.shape_cast %get3A_310 : vector<1x128xf32> to vector<128xf32>
    %get3A_312 = arith.constant 5 : index
    %get3A_313 = arith.constant 0 : index
    %get3A_314 = arith.constant 0 : index
    %get3A_315 = vector.load %arg3[%get3A_312, %get3A_313, %get3A_314] : memref<8x100x128xf32, #tpu.memory_space<vmem>>, vector<1x100x128xf32>
    %get3A_316 = vector.shape_cast %get3A_315 : vector<1x100x128xf32> to vector<100x128xf32>
    %broadcast_in_dim3A_317 = vector.shape_cast %get3A_311 : vector<128xf32> to vector<1x128xf32>
    %mul3A_318 = vector.broadcast %broadcast_in_dim3A_317 : vector<1x128xf32> to vector<100x128xf32>
    %mul3A_319 = arith.mulf %mul3A_318, %get3A_316 : vector<100x128xf32>
    %get3A_320 = arith.constant 5 : index
    %get3A_321 = arith.constant 0 : index
    %get3A_322 = arith.constant 0 : index
    %get3A_323 = vector.load %arg1[%get3A_320, %get3A_321, %get3A_322] : memref<8x100x128xf32, #tpu.memory_space<vmem>>, vector<1x100x128xf32>
    %get3A_324 = vector.shape_cast %get3A_323 : vector<1x100x128xf32> to vector<100x128xf32>
    %mul3A_325 = arith.mulf %mul3A_319, %get3A_324 : vector<100x128xf32>
    %mul3A_326 = arith.mulf %mul3A_325, %dot_general3A_307 : vector<100x128xf32>
    %dot_general3A_327 = arith.constant dense<0.000000e+00> : vector<100x4xf32>
    %dot_general3A_328 = tpu.matmul %mul3A_326, %get3A_4, %dot_general3A_327 {dimension_numbers = #tpu.dot_dimension_numbers<[1], [0], [0], [1], [0, 0, 1, 1], [], []>, transpose_lhs_hint = false} : vector<100x128xf32>, vector<128x4xf32>, vector<100x4xf32> -> vector<100x4xf32>
    %get3A_329 = arith.constant 5 : index
    %get3A_330 = arith.constant 0 : index
    %get3A_331 = arith.constant 0 : index
    %get3A_332 = vector.load %arg5[%get3A_329, %get3A_330, %get3A_331] : memref<8x100x4xf32, #tpu.memory_space<vmem>>, vector<1x100x4xf32>
    %get3A_333 = vector.shape_cast %get3A_332 : vector<1x100x4xf32> to vector<100x4xf32>
    %mul3A_334 = arith.constant -9.998000e-01 : f32
    %mul3A_335 = vector.broadcast %mul3A_334 : f32 to vector<100x4xf32>
    %mul3A_336 = arith.mulf %mul3A_335, %get3A_333 : vector<100x4xf32>
    %add3A_337 = arith.constant 0.999899983 : f32
    %add3A_338 = vector.broadcast %add3A_337 : f32 to vector<100x4xf32>
    %add3A_339 = arith.addf %mul3A_336, %add3A_338 : vector<100x4xf32>
    %log3A_340 = math.log %add3A_339 : vector<100x4xf32>
    %sub3A_341 = arith.constant 1.000000e+00 : f32
    %sub3A_342 = vector.broadcast %sub3A_341 : f32 to vector<100x4xf32>
    %sub3A_343 = arith.subf %sub3A_342, %add3A_339 : vector<100x4xf32>
    %log3A_344 = math.log %sub3A_343 : vector<100x4xf32>
    %sub3A_345 = arith.subf %log3A_340, %log3A_344 : vector<100x4xf32>
    %add3A_346 = arith.addf %sub3A_345, %dot_general3A_328 : vector<100x4xf32>
    %div3A_347 = arith.constant 1.000000e+00 : f32
    %div3A_348 = vector.broadcast %div3A_347 : f32 to vector<100x4xf32>
    %div3A_349 = arith.divf %add3A_346, %div3A_348 : vector<100x4xf32>
    %logistic3A_350 = arith.negf %div3A_349 : vector<100x4xf32>
    %logistic3A_351 = math.exp %logistic3A_350 : vector<100x4xf32>
    %logistic3A_352 = arith.constant 1.000000e+00 : f32
    %logistic3A_353 = vector.broadcast %logistic3A_352 : f32 to vector<100x4xf32>
    %logistic3A_354 = arith.addf %logistic3A_353, %logistic3A_351 : vector<100x4xf32>
    %logistic3A_355 = arith.divf %logistic3A_353, %logistic3A_354 : vector<100x4xf32>
    %swap3A_356 = arith.constant 5 : index
    %swap3A_357 = arith.constant 0 : index
    %swap3A_358 = arith.constant 0 : index
    %swap3A_359 = vector.load %arg8[%swap3A_356, %swap3A_357, %swap3A_358] : memref<8x100x4xf32, #tpu.memory_space<vmem>>, vector<1x100x4xf32>
    %swap3A_360 = vector.shape_cast %swap3A_359 : vector<1x100x4xf32> to vector<100x4xf32>
    %swap3A_361 = vector.shape_cast %logistic3A_355 : vector<100x4xf32> to vector<1x100x4xf32>
    tpu.vector_store %arg8[%swap3A_356, %swap3A_357, %swap3A_358], %swap3A_361 {strides = array<i32>} : memref<8x100x4xf32, #tpu.memory_space<vmem>>, vector<1x100x4xf32>,
    %get3A_362 = arith.constant 6 : index
    %get3A_363 = arith.constant 0 : index
    %get3A_364 = arith.constant 0 : index
    %get3A_365 = vector.load %arg2[%get3A_362, %get3A_363, %get3A_364] : memref<8x100x4xf32, #tpu.memory_space<vmem>>, vector<1x100x4xf32>
    %get3A_366 = vector.shape_cast %get3A_365 : vector<1x100x4xf32> to vector<100x4xf32>
    %dot_general3A_367 = arith.constant dense<0.000000e+00> : vector<100x128xf32>
    %dot_general3A_368 = tpu.matmul %get3A_366, %get3A_1, %dot_general3A_367 {dimension_numbers = #tpu.dot_dimension_numbers<[1], [0], [0], [1], [0, 0, 1, 1], [], []>, transpose_lhs_hint = false} : vector<100x4xf32>, vector<4x128xf32>, vector<100x128xf32> -> vector<100x128xf32>
    %get3A_369 = arith.constant 6 : index
    %get3A_370 = arith.constant 0 : index
    %get3A_371 = vector.load %arg4[%get3A_369, %get3A_370] : memref<8x128xf32, #tpu.memory_space<vmem>>, vector<1x128xf32>
    %get3A_372 = vector.shape_cast %get3A_371 : vector<1x128xf32> to vector<128xf32>
    %get3A_373 = arith.constant 6 : index
    %get3A_374 = arith.constant 0 : index
    %get3A_375 = arith.constant 0 : index
    %get3A_376 = vector.load %arg3[%get3A_373, %get3A_374, %get3A_375] : memref<8x100x128xf32, #tpu.memory_space<vmem>>, vector<1x100x128xf32>
    %get3A_377 = vector.shape_cast %get3A_376 : vector<1x100x128xf32> to vector<100x128xf32>
    %broadcast_in_dim3A_378 = vector.shape_cast %get3A_372 : vector<128xf32> to vector<1x128xf32>
    %mul3A_379 = vector.broadcast %broadcast_in_dim3A_378 : vector<1x128xf32> to vector<100x128xf32>
    %mul3A_380 = arith.mulf %mul3A_379, %get3A_377 : vector<100x128xf32>
    %get3A_381 = arith.constant 6 : index
    %get3A_382 = arith.constant 0 : index
    %get3A_383 = arith.constant 0 : index
    %get3A_384 = vector.load %arg1[%get3A_381, %get3A_382, %get3A_383] : memref<8x100x128xf32, #tpu.memory_space<vmem>>, vector<1x100x128xf32>
    %get3A_385 = vector.shape_cast %get3A_384 : vector<1x100x128xf32> to vector<100x128xf32>
    %mul3A_386 = arith.mulf %mul3A_380, %get3A_385 : vector<100x128xf32>
    %mul3A_387 = arith.mulf %mul3A_386, %dot_general3A_368 : vector<100x128xf32>
    %dot_general3A_388 = arith.constant dense<0.000000e+00> : vector<100x4xf32>
    %dot_general3A_389 = tpu.matmul %mul3A_387, %get3A_4, %dot_general3A_388 {dimension_numbers = #tpu.dot_dimension_numbers<[1], [0], [0], [1], [0, 0, 1, 1], [], []>, transpose_lhs_hint = false} : vector<100x128xf32>, vector<128x4xf32>, vector<100x4xf32> -> vector<100x4xf32>
    %get3A_390 = arith.constant 6 : index
    %get3A_391 = arith.constant 0 : index
    %get3A_392 = arith.constant 0 : index
    %get3A_393 = vector.load %arg5[%get3A_390, %get3A_391, %get3A_392] : memref<8x100x4xf32, #tpu.memory_space<vmem>>, vector<1x100x4xf32>
    %get3A_394 = vector.shape_cast %get3A_393 : vector<1x100x4xf32> to vector<100x4xf32>
    %mul3A_395 = arith.constant -9.998000e-01 : f32
    %mul3A_396 = vector.broadcast %mul3A_395 : f32 to vector<100x4xf32>
    %mul3A_397 = arith.mulf %mul3A_396, %get3A_394 : vector<100x4xf32>
    %add3A_398 = arith.constant 0.999899983 : f32
    %add3A_399 = vector.broadcast %add3A_398 : f32 to vector<100x4xf32>
    %add3A_400 = arith.addf %mul3A_397, %add3A_399 : vector<100x4xf32>
    %log3A_401 = math.log %add3A_400 : vector<100x4xf32>
    %sub3A_402 = arith.constant 1.000000e+00 : f32
    %sub3A_403 = vector.broadcast %sub3A_402 : f32 to vector<100x4xf32>
    %sub3A_404 = arith.subf %sub3A_403, %add3A_400 : vector<100x4xf32>
    %log3A_405 = math.log %sub3A_404 : vector<100x4xf32>
    %sub3A_406 = arith.subf %log3A_401, %log3A_405 : vector<100x4xf32>
    %add3A_407 = arith.addf %sub3A_406, %dot_general3A_389 : vector<100x4xf32>
    %div3A_408 = arith.constant 1.000000e+00 : f32
    %div3A_409 = vector.broadcast %div3A_408 : f32 to vector<100x4xf32>
    %div3A_410 = arith.divf %add3A_407, %div3A_409 : vector<100x4xf32>
    %logistic3A_411 = arith.negf %div3A_410 : vector<100x4xf32>
    %logistic3A_412 = math.exp %logistic3A_411 : vector<100x4xf32>
    %logistic3A_413 = arith.constant 1.000000e+00 : f32
    %logistic3A_414 = vector.broadcast %logistic3A_413 : f32 to vector<100x4xf32>
    %logistic3A_415 = arith.addf %logistic3A_414, %logistic3A_412 : vector<100x4xf32>
    %logistic3A_416 = arith.divf %logistic3A_414, %logistic3A_415 : vector<100x4xf32>
    %swap3A_417 = arith.constant 6 : index
    %swap3A_418 = arith.constant 0 : index
    %swap3A_419 = arith.constant 0 : index
    %swap3A_420 = vector.load %arg8[%swap3A_417, %swap3A_418, %swap3A_419] : memref<8x100x4xf32, #tpu.memory_space<vmem>>, vector<1x100x4xf32>
    %swap3A_421 = vector.shape_cast %swap3A_420 : vector<1x100x4xf32> to vector<100x4xf32>
    %swap3A_422 = vector.shape_cast %logistic3A_416 : vector<100x4xf32> to vector<1x100x4xf32>
    tpu.vector_store %arg8[%swap3A_417, %swap3A_418, %swap3A_419], %swap3A_422 {strides = array<i32>} : memref<8x100x4xf32, #tpu.memory_space<vmem>>, vector<1x100x4xf32>,
    %get3A_423 = arith.constant 7 : index
    %get3A_424 = arith.constant 0 : index
    %get3A_425 = arith.constant 0 : index
    %get3A_426 = vector.load %arg2[%get3A_423, %get3A_424, %get3A_425] : memref<8x100x4xf32, #tpu.memory_space<vmem>>, vector<1x100x4xf32>
    %get3A_427 = vector.shape_cast %get3A_426 : vector<1x100x4xf32> to vector<100x4xf32>
    %dot_general3A_428 = arith.constant dense<0.000000e+00> : vector<100x128xf32>
    %dot_general3A_429 = tpu.matmul %get3A_427, %get3A_1, %dot_general3A_428 {dimension_numbers = #tpu.dot_dimension_numbers<[1], [0], [0], [1], [0, 0, 1, 1], [], []>, transpose_lhs_hint = false} : vector<100x4xf32>, vector<4x128xf32>, vector<100x128xf32> -> vector<100x128xf32>
    %get3A_430 = arith.constant 7 : index
    %get3A_431 = arith.constant 0 : index
    %get3A_432 = vector.load %arg4[%get3A_430, %get3A_431] : memref<8x128xf32, #tpu.memory_space<vmem>>, vector<1x128xf32>
    %get3A_433 = vector.shape_cast %get3A_432 : vector<1x128xf32> to vector<128xf32>
    %get3A_434 = arith.constant 7 : index
    %get3A_435 = arith.constant 0 : index
    %get3A_436 = arith.constant 0 : index
    %get3A_437 = vector.load %arg3[%get3A_434, %get3A_435, %get3A_436] : memref<8x100x128xf32, #tpu.memory_space<vmem>>, vector<1x100x128xf32>
    %get3A_438 = vector.shape_cast %get3A_437 : vector<1x100x128xf32> to vector<100x128xf32>
    %broadcast_in_dim3A_439 = vector.shape_cast %get3A_433 : vector<128xf32> to vector<1x128xf32>
    %mul3A_440 = vector.broadcast %broadcast_in_dim3A_439 : vector<1x128xf32> to vector<100x128xf32>
    %mul3A_441 = arith.mulf %mul3A_440, %get3A_438 : vector<100x128xf32>
    %get3A_442 = arith.constant 7 : index
    %get3A_443 = arith.constant 0 : index
    %get3A_444 = arith.constant 0 : index
    %get3A_445 = vector.load %arg1[%get3A_442, %get3A_443, %get3A_444] : memref<8x100x128xf32, #tpu.memory_space<vmem>>, vector<1x100x128xf32>
    %get3A_446 = vector.shape_cast %get3A_445 : vector<1x100x128xf32> to vector<100x128xf32>
    %mul3A_447 = arith.mulf %mul3A_441, %get3A_446 : vector<100x128xf32>
    %mul3A_448 = arith.mulf %mul3A_447, %dot_general3A_429 : vector<100x128xf32>
    %dot_general3A_449 = arith.constant dense<0.000000e+00> : vector<100x4xf32>
    %dot_general3A_450 = tpu.matmul %mul3A_448, %get3A_4, %dot_general3A_449 {dimension_numbers = #tpu.dot_dimension_numbers<[1], [0], [0], [1], [0, 0, 1, 1], [], []>, transpose_lhs_hint = false} : vector<100x128xf32>, vector<128x4xf32>, vector<100x4xf32> -> vector<100x4xf32>
    %get3A_451 = arith.constant 7 : index
    %get3A_452 = arith.constant 0 : index
    %get3A_453 = arith.constant 0 : index
    %get3A_454 = vector.load %arg5[%get3A_451, %get3A_452, %get3A_453] : memref<8x100x4xf32, #tpu.memory_space<vmem>>, vector<1x100x4xf32>
    %get3A_455 = vector.shape_cast %get3A_454 : vector<1x100x4xf32> to vector<100x4xf32>
    %mul3A_456 = arith.constant -9.998000e-01 : f32
    %mul3A_457 = vector.broadcast %mul3A_456 : f32 to vector<100x4xf32>
    %mul3A_458 = arith.mulf %mul3A_457, %get3A_455 : vector<100x4xf32>
    %add3A_459 = arith.constant 0.999899983 : f32
    %add3A_460 = vector.broadcast %add3A_459 : f32 to vector<100x4xf32>
    %add3A_461 = arith.addf %mul3A_458, %add3A_460 : vector<100x4xf32>
    %log3A_462 = math.log %add3A_461 : vector<100x4xf32>
    %sub3A_463 = arith.constant 1.000000e+00 : f32
    %sub3A_464 = vector.broadcast %sub3A_463 : f32 to vector<100x4xf32>
    %sub3A_465 = arith.subf %sub3A_464, %add3A_461 : vector<100x4xf32>
    %log3A_466 = math.log %sub3A_465 : vector<100x4xf32>
    %sub3A_467 = arith.subf %log3A_462, %log3A_466 : vector<100x4xf32>
    %add3A_468 = arith.addf %sub3A_467, %dot_general3A_450 : vector<100x4xf32>
    %div3A_469 = arith.constant 1.000000e+00 : f32
    %div3A_470 = vector.broadcast %div3A_469 : f32 to vector<100x4xf32>
    %div3A_471 = arith.divf %add3A_468, %div3A_470 : vector<100x4xf32>
    %logistic3A_472 = arith.negf %div3A_471 : vector<100x4xf32>
    %logistic3A_473 = math.exp %logistic3A_472 : vector<100x4xf32>
    %logistic3A_474 = arith.constant 1.000000e+00 : f32
    %logistic3A_475 = vector.broadcast %logistic3A_474 : f32 to vector<100x4xf32>
    %logistic3A_476 = arith.addf %logistic3A_475, %logistic3A_473 : vector<100x4xf32>
    %logistic3A_477 = arith.divf %logistic3A_475, %logistic3A_476 : vector<100x4xf32>
    %swap3A_478 = arith.constant 7 : index
    %swap3A_479 = arith.constant 0 : index
    %swap3A_480 = arith.constant 0 : index
    %swap3A_481 = vector.load %arg8[%swap3A_478, %swap3A_479, %swap3A_480] : memref<8x100x4xf32, #tpu.memory_space<vmem>>, vector<1x100x4xf32>
    %swap3A_482 = vector.shape_cast %swap3A_481 : vector<1x100x4xf32> to vector<100x4xf32>
    %swap3A_483 = vector.shape_cast %logistic3A_477 : vector<100x4xf32> to vector<1x100x4xf32>
    tpu.vector_store %arg8[%swap3A_478, %swap3A_479, %swap3A_480], %swap3A_483 {strides = array<i32>} : memref<8x100x4xf32, #tpu.memory_space<vmem>>, vector<1x100x4xf32>,
    return
  }
  func.func @transform_0(%arg0: i32) -> (i32, i32, i32) {
    %c0_i32 = arith.constant 0 : i32
    %c0_i32_0 = arith.constant 0 : i32
    %c0_i32_1 = arith.constant 0 : i32
    return %arg0, %c0_i32, %c0_i32_0 : i32, i32, i32
  }
  func.func @transform_1(%arg0: i32) -> (i32, i32, i32) {
    %c0_i32 = arith.constant 0 : i32
    %c0_i32_0 = arith.constant 0 : i32
    %c0_i32_1 = arith.constant 0 : i32
    return %arg0, %c0_i32, %c0_i32_0 : i32, i32, i32
  }
  func.func @transform_2(%arg0: i32) -> (i32, i32, i32) {
    %c0_i32 = arith.constant 0 : i32
    %c0_i32_0 = arith.constant 0 : i32
    %c0_i32_1 = arith.constant 0 : i32
    return %arg0, %c0_i32, %c0_i32_0 : i32, i32, i32
  }
  func.func @transform_3(%arg0: i32) -> (i32, i32) {
    %c0_i32 = arith.constant 0 : i32
    %c0_i32_0 = arith.constant 0 : i32
    return %arg0, %c0_i32 : i32, i32
  }
  func.func @transform_4(%arg0: i32) -> (i32, i32, i32) {
    %c0_i32 = arith.constant 0 : i32
    %c0_i32_0 = arith.constant 0 : i32
    %c0_i32_1 = arith.constant 0 : i32
    return %arg0, %c0_i32, %c0_i32_0 : i32, i32, i32
  }
  func.func @transform_5(%arg0: i32) -> (i32, i32) {
    %c0_i32 = arith.constant 0 : i32
    %c0_i32_0 = arith.constant 0 : i32
    %c0_i32_1 = arith.constant 0 : i32
    return %c0_i32, %c0_i32_0 : i32, i32
  }
  func.func @transform_6(%arg0: i32) -> (i32, i32) {
    %c0_i32 = arith.constant 0 : i32
    %c0_i32_0 = arith.constant 0 : i32
    %c0_i32_1 = arith.constant 0 : i32
    return %c0_i32, %c0_i32_0 : i32, i32
  }
  func.func @transform_7(%arg0: i32) -> (i32, i32, i32) {
    %c0_i32 = arith.constant 0 : i32
    %c0_i32_0 = arith.constant 0 : i32
    %c0_i32_1 = arith.constant 0 : i32
    return %arg0, %c0_i32, %c0_i32_0 : i32, i32, i32
  }
}

</mosaic_0001>

<sc_bundles>
// kernel: gather_offload_async_start.1
scs
__scs_entry_jumppad:
0x0: {  	(pc) =	sbr.rel $0x88, $3  }
0x1: {  	(tag) =	ssettag $0x0;
	lr =	simm.s32 $0x1  }
0x2: {  	[smem:$0x3F95] =	sst lr;
	_ =	strace $0xD0000000  }
0x3: {  	_ = 	snop  }
0x4: {  	_ = 	snop  }
0x5: {  	_ = 	snop  }
0x6: {  	_ = 	snop  }
0x7: {  	_ = 	snop  }
__scs_overlays_trampoline_lowered:
0x8: {  	[smem:$0x3FA4] =	sst s0  }
0x9: {  	[smem:$0x3FA5] =	sst s1  }
0xa: {  	[smem:$0x3FA6] =	sst s2  }
0xb: {  	[smem:$0x3FA7] =	sst s3  }
0xc: {  	[smem:$0x3FA8] =	sst s4  }
0xd: {  	[smem:$0x3FA9] =	sst s5  }
0xe: {  	[smem:$0x3FAA] =	sst s6  }
0xf: {  	[smem:$0x3FAB] =	sst s7  }
0x10: {  	[smem:$0x3FAC] =	sst s8  }
0x11: {  	[smem:$0x3FAD] =	sst s9;
	s0 =	simm.s32 @!p0 $0x0  }
0x12: {  	s1 =	sld [smem:$0x3F93];
	s0 =	simm.s32 @p0 $0x1  }
0x13: {  	[smem:$0x3FAE] =	sst s0;
	s0 =	simm.s32 @!p1 $0x0  }
0x14: {  	s2 =	sld [smem:$0x3F92];
	s0 =	simm.s32 @p1 $0x1  }
0x15: {  	[smem:$0x3FAF] =	sst s0;
	s0 =	simm.s32 @!p2 $0x0  }
0x16: {  	s3 =	sld [smem:$0x3FDB];
	s0 =	simm.s32 @p2 $0x1  }
0x17: {  	s4 =	simm.s32 $0x1BF5;
	[smem:$0x3FB1] =	sst s0  }
0x18: {  	s0 =	sld [smem:$0x3F94];
	_ =	swait.ge [sflag:s4], $0x0  }
0x19: {  	s7 =	sld [smem:$0x3F95]  }
0x1a: {  	s8 =	sadd.s32 $0xFFFFE003, lr  }
0x1b: {  	s9 =	sadd.s32 $0xFFFFFEF7, lr;
	s5 =	simm.s32 $0xFFFFFFFF;
	p2 =	slt.u32 s8, $0xFFFFF086  }
0x1c: {  	p1 =	slt.u32 s9, $0xF7A;
	s5 =	simm.s32 @!p2 $0x0  }
0x1d: {  	s5 =	simm.s32 @p1 $0x1;
	p0 =	seq.s32 s7, s2  }
0x1e: {  	s7 =	smul.u32 @!p0 $0xF7A, s2;
	p2 =	seq.s32 @!p0 s5, $0x0  }
0x1f: {  	s9 =	smul.u32 $0xF7A, s1;
	s8 =	simm.s32 @!p0 $0x1BF5;
	p2 =	por !p2, p0  }
0x20: {  	[sflag:s8] =	ssyncset.s32 @!p0 $0xFFFFF086;
	s6 =	sadd.s32 @!p0 s3, s7;
	s7 =	simm.s32 @!p0 $0x108  }
0x21: {  	s3 =	sadd.s32 s3, s9;
	s6 =	sadd.s32 @!p0 $0x88, s6;
	s7 =	simm.s32 @p2 $0x1082  }
0x22: {  	[simem:s7], [sflag:s8] =	dma.local @!p0 [hbm:s6], $0xF7A  }
0x23: {  	s9 =	sor.u32 $0xD0000000, s2;
	s6 =	simm.s32 $0x108;
	_ =	swait.ge @!p0 [sflag:s8], $0x0  }
0x24: {  	s3 =	sadd.s32 $0x88, s3;
	s6 =	simm.s32 @!p1 $0x1082;
	[sflag:s4] =	ssyncset.s32 $0xFFFFF086  }
0x25: {  	[simem:s6], [sflag:s4] =	dma.local [hbm:s3], $0xF7A  }
0x26: {  	[smem:$0x3F95] =	sst s1;
	(tag) =	ssettag s2;
	_ =	strace s9  }
0x27: {  	s1 =	sld [smem:$0x3FA5]  }
0x28: {  	s2 =	sld [smem:$0x3FA6]  }
0x29: {  	s4 =	sld [smem:$0x3FA8]  }
0x2a: {  	p0 =	seq.s32 s5, $0x0;
	s5 =	sld [smem:$0x3FA9]  }
0x2b: {  	s6 =	sld [smem:$0x3FAA]  }
0x2c: {  	s7 =	sld [smem:$0x3FAB]  }
0x2d: {  	s3 =	simm.s32 $0x108;
	s8 =	sld [smem:$0x3FAC]  }
0x2e: {  	s3 =	simm.s32 @!p0 $0x1082;
	s9 =	sld [smem:$0x3FAD]  }
0x2f: {  	lr =	sadd.s32 s0, s3;
	s0 =	sld [smem:$0x3FA4]  }
0x30: {  	s3 =	sld [smem:$0x3FA7]  }
0x31: {  	[smem:$0x3FB0] =	sst s10  }
0x32: {  	s10 =	sld [smem:$0x3FAE];
	_ =	sdelay $0x3  }
0x33: {  	p0 =	seq.s32 s10, $0x1;
	s10 =	sld [smem:$0x3FB0];
	_ =	sdelay $0x3  }
0x34: {  	[smem:$0x3FB0] =	sst s10  }
0x35: {  	s10 =	sld [smem:$0x3FAF];
	_ =	sdelay $0x3  }
0x36: {  	p1 =	seq.s32 s10, $0x1;
	s10 =	sld [smem:$0x3FB0];
	_ =	sdelay $0x3  }
0x37: {  	[smem:$0x3FB0] =	sst s10  }
0x38: {  	s10 =	sld [smem:$0x3FB1]  }
0x39: {  	_ = 	snop;
	(pc) =	sbr.ind lr, $3  }
0x3a: {  	_ = 	snop  }
0x3b: {  	_ = 	snop  }
0x3c: {  	p2 =	seq.s32 s10, $0x1;
	s10 =	sld [smem:$0x3FB0]  }
0x3d: {  	_ =	shalt  }
0x3e: {  	_ =	shalt  }
0x3f: {  	_ =	shalt  }
0x40: {  	_ =	shalt  }
0x41: {  	_ =	shalt  }
0x42: {  	_ =	shalt  }
0x43: {  	_ =	shalt  }
0x44: {  	_ =	shalt  }
0x45: {  	_ =	shalt  }
0x46: {  	_ =	shalt  }
0x47: {  	_ =	shalt  }
0x48: {  	_ =	shalt  }
0x49: {  	_ =	shalt  }
0x4a: {  	_ =	shalt  }
0x4b: {  	_ =	shalt  }
0x4c: {  	_ =	shalt  }
0x4d: {  	_ =	shalt  }
0x4e: {  	_ =	shalt  }
0x4f: {  	_ =	shalt  }
0x50: {  	_ =	shalt  }
0x51: {  	_ =	shalt  }
0x52: {  	_ =	shalt  }
0x53: {  	_ =	shalt  }
0x54: {  	_ =	shalt  }
0x55: {  	_ =	shalt  }
0x56: {  	_ =	shalt  }
0x57: {  	_ =	shalt  }
0x58: {  	_ =	shalt  }
0x59: {  	_ =	shalt  }
0x5a: {  	_ =	shalt  }
0x5b: {  	_ =	shalt  }
0x5c: {  	_ =	shalt  }
0x5d: {  	_ =	shalt  }
0x5e: {  	_ =	shalt  }
0x5f: {  	_ =	shalt  }
0x60: {  	_ =	shalt  }
0x61: {  	_ =	shalt  }
0x62: {  	_ =	shalt  }
0x63: {  	_ =	shalt  }
0x64: {  	_ =	shalt  }
0x65: {  	_ =	shalt  }
0x66: {  	_ =	shalt  }
0x67: {  	_ =	shalt  }
0x68: {  	_ =	shalt  }
0x69: {  	_ =	shalt  }
0x6a: {  	_ =	shalt  }
0x6b: {  	_ =	shalt  }
0x6c: {  	_ =	shalt  }
0x6d: {  	_ =	shalt  }
0x6e: {  	_ =	shalt  }
0x6f: {  	_ =	shalt  }
0x70: {  	_ =	shalt  }
0x71: {  	_ =	shalt  }
0x72: {  	_ =	shalt  }
0x73: {  	_ =	shalt  }
0x74: {  	_ =	shalt  }
0x75: {  	_ =	shalt  }
0x76: {  	_ =	shalt  }
0x77: {  	_ =	shalt  }
0x78: {  	_ =	shalt  }
0x79: {  	_ =	shalt  }
0x7a: {  	_ =	shalt  }
0x7b: {  	_ =	shalt  }
0x7c: {  	_ =	shalt  }
0x7d: {  	_ =	shalt  }
0x7e: {  	_ =	shalt  }
0x7f: {  	_ =	shalt  }
0x80: {  	_ =	shalt  }
0x81: {  	_ =	shalt  }
0x82: {  	_ =	shalt  }
0x83: {  	_ =	shalt  }
0x84: {  	_ =	shalt  }
0x85: {  	_ =	shalt  }
0x86: {  	_ =	shalt  }
0x87: {  	_ =	shalt  }
.Lfunc_end0:
.L_simem_size_0:
called_computation.4_lowered:
.L_overlay_start_0:
0x88: {  	s2 =	sld [smem:$0x3FD9]  }
0x89: {  	s3 =	sld [smem:$0x3FFE];
	_ =	sdelay $0x1  }
0x8a: {  	s1 =	srdreg.scid  }
0x8b: {  	s0 =	sand.u32 $0x1, s1  }
0x8c: {  	s16 =	sshll.u32 s0, $0xA;
	s2 =	sadd.s32 s3, s2  }
0x8d: {  	s2 =	sadd.s32 s2, s16  }
0x8e: {  	[smem:$0x3FBC] =	sst s2  }
0x8f: {  	_ = 	snop  }
0x90: {  	(tm) =	ssettm $0x1  }
0x91: {  	s17 =	sld [smem:$0x3FFB];
	_ =	sdelay $0x3  }
0x92: {  	_ =	strace s17  }
0x93: {  	s2 =	sld [smem:$0x3FFC];
	_ =	sdelay $0x3  }
0x94: {  	_ =	strace s2  }
0x95: {  	s2 =	sld [smem:$0x3FFD];
	_ =	sdelay $0x3  }
0x96: {  	_ =	strace s2  }
0x97: {  	_ =	strace $0x8FFFFFFF  }
0x98: {  	s18 =	sld [smem:$0x3FDB];
	_ =	sdelay $0x1  }
0x99: {  	s19 =	simm.s32 $_scs_section_size  }
0x9a: {  	s4 =	simm.s32 $_size__tile_overlayer_lowered;
	s5 =	simm.s32 $_tile_overlayer_lowered  }
0x9b: {  	s22 =	simm.s32 $0x1BFF;
	s21 =	sshll.u32 s5, $0x1;
	s2 =	sadd.s32 s19, s18  }
0x9c: {  	s6 =	simm.s32 $0x0;
	s20 =	sshll.u32 s4, $0x1;
	s4 =	sadd.s32 s21, s2  }
0x9d: {  	[timem:s6], [sflag:s22] =	dma.local [hbm:s4], s20  }
0x9e: {  	_ =	swait.ge [sflag:s22], s20  }
0x9f: {  	s3 =	ssub.s32 $0x0, s20;
	[sflag:s22] =	ssyncset.done $0x0  }
0xa0: {  	[sflag:s22] =	ssyncadd.s32 s3;
	_ =	sdelay $0x1  }
0xa1: {  	s23 =	simm.s32 $0x1B8B  }
0xa2: {  	_ =	swait.ge [sflag:s23], $0x1  }
0xa3: {  	[sflag:s23] =	ssyncset.done $0x0  }
0xa4: {  	s25 =	simm.s32 $0x1B8E;
	s24 =	sld [smem:$0x3FFE];
	[sflag:s23] =	ssyncadd.s32 $0xFFFFFFFF  }
0xa5: {  	s26 =	simm.s32 $execute0_lowered;
	[smem:$0x3FD2] =	sst s25  }
0xa6: {  	s4 =	sshll.u32 s26, $0x1;
	_ =	strace $0x80000049;
	[dreg:$0x1] =	wrdreg $0xFFFFFFFF  }
0xa7: {  	s28 =	simm.s32 $_size_execute0_lowered;
	s2 =	sadd.s32 s2, s4;
	[dreg:$0x0] =	wrdreg $0x0  }
0xa8: {  	s4 =	sshll.u32 s28, $0x1;
	[dreg:$0x2] =	wrdreg s2  }
0xa9: {  	[dreg:$0x3] =	wrdreg s4  }
0xaa: {  	[dreg:$0x4] =	wrdreg $0xC0  }
0xab: {  	_ =	task [dreg:s6], $0x5FFFF  }
0xac: {  	[dreg:$0x1] =	wrdreg $0xFFFFFFFF  }
0xad: {  	[dreg:$0x0] =	wrdreg $0x60  }
0xae: {  	[dreg:$0x2] =	wrdreg s24  }
0xaf: {  	[dreg:$0x3] =	wrdreg $0xC  }
0xb0: {  	_ =	task.clear_ibuf [dreg:s6], $0x4FFFF;
	_ =	strace $0x90000049  }
0xb1: {  	s29 =	simm.s32 $0xC;
	_ =	strace $0x8000004B  }
0xb2: {  	_ =	swait.ge [sflag:s29], $0x1  }
0xb3: {  	[sflag:s29] =	ssyncadd.s32 $0xFFFFFFFF  }
0xb4: {  	_ =	strace $0x9000004B  }
0xb5: {  	_ =	sfence  }
0xb6: {  	s30 =	sld [smem:$0x0];
	_ =	sdelay $0x2  }
0xb7: {  	s31 =	sshll.u32 s1, $0xD;
	s1 =	sshrl.u32 s1, $0x2  }
0xb8: {  	s3 =	sand.u32 $0x4000, s31;
	s1 =	sadd.s32 s1, s30  }
0xb9: {  	s0 =	sor.u32 s3, s0;
	s1 =	sshll.u32 s1, $0x11  }
0xba: {  	s0 =	sor.u32 s1, s0  }
0xbb: {  	s0 =	sadd.s32 $0x8F2B, s0  }
0xbc: {  	[sflag:s0] =	ssyncadd.remote.s32 $0x1  }
0xbd: {  	_ =	sfence.sel $0xFFFF  }
0xbe: {  	[dreg:$0x0] =	wrdreg $0xFFFFFFFF;
	(pc) =	sbr.abs _section_cstart, $3  }
0xbf: {  	[dreg:$0x1] =	wrdreg $0xFFFFFFFF  }
0xc0: {  	_ =	task.clear_ibuf [dreg:s6], $0x2FFFF;
	_ =	strace $0x9FFFFFFF  }
0xc1: {  	(tm) =	ssettm $0x7FFFFFFF  }
tec
execute0_lowered:
.L_overlay_start_1:
0x0: {  	(tag) =	ssettag $0x1  }
0x1: {  	s0 =	srdreg.scid;
	s5 =	rddreg [dreg:$0x0]  }
0x2: {  	s1 =	stileid.u32;
	s6 =	simm.s32 $0x1;
	s9 =	simm.s32 $0x1  }
0x3: {  	s10 =	simm.s32 $0x3;
	s13 =	simm.s32 $0x0;
	s2 =	sshll.u32 s0, $0xA  }
0x4: {  	s12 =	simm.s32 $0x0;
	s3 =	sshll.u32 s1, $0xB;
	s2 =	sand.u32 $0x400, s2  }
0x5: {  	s0 =	rddreg [dreg:$0x1];
	_ =	strace $0x8000004A;
	s2 =	sor.u32 s3, s2  }
0x6: {  	s4 =	sadd.s32 $0xCE00, s5;
	[sflag:s6] =	ssyncpa.u1 $0x0;
	s8 =	ssub.s32 $0xA000, s2  }
.Ltmp0:
0x7: {  	s3 =	sadd.s32 $0x5F200, s5;
	s7 =	sand.u32 $0x7C00, s8;
	(pc) =	sbr.rel .LBB2_1-.Ltmp0, $4  }
0x8: {  	s5 =	sadd.s32 $0x2E200, s5;
	s11 =	smov.u32 s2;
	p0 =	sne.s32 s7, $0x0  }
0x9: {  	s8 =	sshrl.u32 s8, $0xF;
	s7 =	simm.s32 $0x2;
	s9 =	simm.s32 @!p0 $0x0  }
0xa: {  	[sflag:s7] =	ssyncpa.u1 $0x0;
	p0 =	por $0x0, $0x0;
	s8 =	sadd.s32 s9, s8  }
0xb: {  	vm0 =	vmmov $0xffff;
	[sflag:s10] =	ssyncpa.u1 $0x0;
	s10 =	simm.s32 $0x0;
	s9 =	sadd.s32 $0x1, s8  }
.LBB2_4:
0xc: {  	v2 =	vnsel vm1, $0x0, v2  }
0xd: {  	vm1 =	vgt.s32 v0, $0x0;
	v2 =	vmin.u32 v2, $0x186A00  }
0xe: {  	v0 =	vnsel vm1, $0x0, v0  }
0xf: {  	v0 =	vmin.u32 v0, $0x186A00  }
0x10: {  	[tilespmem:s15], [sflag:$0x1] =	stream.indirect_vreg.gather [hbm4b:s3+s10], $0x1, v1, vm0, $0x4038;
	[tilespmem:$0x1000] =	vst v63  }
0x11: {  	(ifvalue) =	ssetifvalue $0x7FFFFFFF  }
0x12: {  	[tilespmem:s16], [sflag:$0x1] =	stream.indirect_vreg.gather [hbm4b:s3+s10], $0x1, v2, vm0, $0x4038;
	[tilespmem:$0x1000] =	vst v63  }
0x13: {  	s29 =	sadd.s32 $0x10, s16;
	(ifvalue) =	ssetifvalue $0x7FFFFFFF  }
0x14: {  	[tilespmem:s29], [sflag:$0x1] =	stream.indirect_vreg.gather [hbm4b:s3+s10], $0x1, v0, vm0, $0x4038;
	[tilespmem:$0x1000] =	vst v63  }
0x15: {  	_ =	swait.ge [sflag:s6], $0x400  }
0x16: {  	s30 =	sshrl.u32 s13, $0x3;
	[sflag:s6] =	ssyncset.done $0x0  }
0x17: {  	s31 =	sand.u32 $0x7, s13;
	s15 =	sadd.s32 s5, s30;
	[sflag:s6] =	ssyncadd.s32 $0xFFFFFC00  }
0x18: {  	[hbm4b:s15+s31] =	stream.linear.scatter [tilespmem:s14], [sflag:$0x3], $0x400, $0x38;
	[tilespmem:$0x1000] =	vst v63  }
.LBB2_5:
0x19: {  	s15 =	sadd.s32 $0x8000, s11  }
0x1a: {  	p2 =	sgt.s32 s15, $0x9FFF  }
0x1b: {  	s15 =	smov.u32 @p2 s2;
	p2 =	sne.s32 s12, s9  }
.Ltmp1:
0x1c: {  	p1 =	slt.u32 s12, $0x2;
	(pc) =	sbr.rel @!p2 .LBB2_6-.Ltmp1, $4  }
0x1d: {  	s14 =	simm.s32 @!p1 $0x3  }
0x1e: {  	s16 =	sadd.s32 $0x1, s12;
	_ =	swait.ge @!p1 [sflag:s14], $0x400  }
0x1f: {  	s13 =	smov.u32 s11;
	p0 =	por !p0, !p0;
	[sflag:s14] =	ssyncset.done @!p1 $0x0  }
0x20: {  	s12 =	smov.u32 s16;
	s11 =	smov.u32 s15;
	[sflag:s14] =	ssyncadd.s32 @!p1 $0xFFFFFC00  }
.LBB2_1:
0x21: {  	p1 =	sge.u32 s12, s8  }
0x22: {  	s14 =	sxor.u32 @!p1 $0xFFFFFFFF, s12  }
0x23: {  	s31 =	sadd.s32 $0xFFFFFFFF, s12;
	s15 =	sshrl.u32 @!p1 s11, $0x3;
	s14 =	sshll.u32 @!p1 s14, $0xA  }
0x24: {  	s16 =	sand.u32 @!p1 $0x7, s11;
	s15 =	sadd.s32 @!p1 s4, s15;
	s14 =	sand.u32 @!p1 $0x400, s14  }
0x25: {  	[tilespmem:s14], [sflag:$0x2] =	stream.linear.gather @!p1 [hbm4b:s15+s16], $0x400, $0x38;
	[tilespmem:$0x1000] =	vst v63  }
0x26: {  	p1 =	sge.u32 s31, s8  }
.Ltmp2:
0x27: {  	_ = 	snop;
	(pc) =	sbr.rel @p1 .LBB2_5-.Ltmp2, $1  }
0x28: {  	_ =	sdelay $0x3  }
0x29: {  	s14 =	simm.s32 $0x1  }
0x2a: {  	_ =	swait.ge [sflag:s7], $0x400;
	s14 =	simm.s32 @!p0 $0x0  }
0x2b: {  	[sflag:s7] =	ssyncset.done $0x0;
	s14 =	sshll.u32 s14, $0xA  }
0x2c: {  	[sflag:s7] =	ssyncadd.s32 $0xFFFFFC00;
	(ifvalue) =	ssetifvalue $0x7FFFFFFF;
	v0 =	vld.msk [tilespmem:s14+$0x0 ss:$0x1], $0xffff;
	_ =	sdelay $0x4  }
0x2d: {  	s15 =	sadd.s32 $0x10, s14;
	vm1 =	vgt.s32 v0, $0x0  }
0x2e: {  	v2 =	vld.msk [tilespmem:s15+$0x0 ss:$0x1], $0xffff;
	v1 =	vnsel vm1, $0x0, v0  }
0x2f: {  	v1 =	vmin.u32 v1, $0x186A00;
	_ =	sdelay $0x1  }
0x30: {  	s16 =	sshll.u32 s12, $0xA;
	s18 =	simm.s32 $0x20  }
0x31: {  	s16 =	sand.u32 $0x400, s16;
	s17 =	sadd.s32 $0x10, s15;
	s15 =	sor.u32 $0x800, s14  }
0x32: {  	s14 =	sor.u32 $0x800, s16;
	s16 =	sadd.s32 $0x10, s15;
	v0 =	vld.msk [tilespmem:s17+$0x0 ss:$0x1], $0xffff;
	vm1 =	vgt.s32 v2, $0x0;
	(ifvalue) =	ssetifvalue $0x7FFFFFFF  }
.LBB2_3:
0x33: {  	[tilespmem:s15], [sflag:$0x1] =	stream.indirect_vreg.gather [hbm4b:s3+s10], $0x1, v1, vm0, $0x4038;
	[tilespmem:$0x1000] =	vst v63  }
0x34: {  	s18 =	sadd.s32 $0x10, s18  }
0x35: {  	v2 =	vnsel vm1, $0x0, v2;
	p1 =	slt.u32 s18, $0x3F0  }
.Ltmp3:
0x36: {  	s15 =	smov.u32 s16;
	v1 =	vmin.u32 v2, $0x186A00;
	(pc) =	sbr.rel @p1 .LBB2_3-.Ltmp3, $3  }
0x37: {  	_ =	sdelay $0x1  }
0x38: {  	s17 =	sadd.s32 $0x10, s17  }
0x39: {  	vm1 =	vgt.s32 v0, $0x0;
	s16 =	sadd.s32 $0x10, s16;
	v2 =	vmov v0;
	(ifvalue) =	ssetifvalue $0x7FFFFFFF;
	v0 =	vld.msk [tilespmem:s17+$0x0 ss:$0x1], $0xffff  }
.Ltmp4:
0x3a: {  	_ = 	snop;
	(pc) =	sbr.rel .LBB2_4-.Ltmp4, $1  }
0x3b: {  	_ =	sdelay $0x3  }
.LBB2_6:
0x3c: {  	_ =	sfence.sel $0x180000  }
0x3d: {  	s2 =	simm.s32 $0x2;
	[bflag:$0x0] =	sbarrier.arrive $0xFFFF  }
0x3e: {  	s30 =	simm.s32 $0x3;
	[sflag:s2] =	ssyncpa.u1 $0x1  }
0x3f: {  	s31 =	simm.s32 $0x1;
	[sflag:s30] =	ssyncpa.u1 $0x1  }
0x40: {  	[sflag:s31] =	ssyncpa.u1 $0x1  }
0x41: {  	p0 =	sne.s32 s1, $0x0;
	_ =	strace $0x9000004A  }
0x42: {  	s0 =	sadd.s32 @!p0 $0x100000, s0;
	[bflag:$0x2] =	sbarrier.arrive $0xFFFF  }
0x43: {  	[sflag:s0] =	ssyncadd.tile.s32 @!p0 $0x1;
	_ =	shalt  }
.Lfunc_end2:
_tile_overlayer_lowered:
.L_overlay_start_2:
0x44: {  	(tag) =	ssettag $0x2  }
0x45: {  	s0 =	rddreg [dreg:$0x0];
	s2 =	stileid.u32  }
0x46: {  	s1 =	rddreg [dreg:$0x1];
	p0 =	sne.s32 s2, $0x0  }
0x47: {  	s3 =	rddreg [dreg:$0x2];
	[bflag:$0x3] =	sbarrier.arrive $0xFFFF;
	s2 =	simm.s32 @!p0 $0x1C01  }
0x48: {  	[timem:s3], [sflag:s2] =	dma.local @!p0 [hbm:s0], s1  }
0x49: {  	s0 =	simm.s32 @!p0 $0x1  }
0x4a: {  	_ =	swait.ge @!p0 [sflag:s0], s1  }
0x4b: {  	s1 =	ssub.s32 @!p0 $0x0, s1;
	[sflag:s0] =	ssyncset.done @!p0 $0x0  }
0x4c: {  	[sflag:s0] =	ssyncadd.s32 @!p0 s1  }
0x4d: {  	[bflag:$0x3] =	sbarrier.arrive $0xFFFF  }
0x4e: {  	_ =	shalt  }

// kernel: gather_offload_async_start
scs
__scs_entry_jumppad:
0x0: {  	(pc) =	sbr.rel $0x88, $3  }
0x1: {  	(tag) =	ssettag $0x0;
	lr =	simm.s32 $0x1  }
0x2: {  	[smem:$0x3F95] =	sst lr;
	_ =	strace $0xD0000000  }
0x3: {  	_ = 	snop  }
0x4: {  	_ = 	snop  }
0x5: {  	_ = 	snop  }
0x6: {  	_ = 	snop  }
0x7: {  	_ = 	snop  }
__scs_overlays_trampoline_lowered:
0x8: {  	[smem:$0x3FA4] =	sst s0  }
0x9: {  	[smem:$0x3FA5] =	sst s1  }
0xa: {  	[smem:$0x3FA6] =	sst s2  }
0xb: {  	[smem:$0x3FA7] =	sst s3  }
0xc: {  	[smem:$0x3FA8] =	sst s4  }
0xd: {  	[smem:$0x3FA9] =	sst s5  }
0xe: {  	[smem:$0x3FAA] =	sst s6  }
0xf: {  	[smem:$0x3FAB] =	sst s7  }
0x10: {  	[smem:$0x3FAC] =	sst s8  }
0x11: {  	[smem:$0x3FAD] =	sst s9;
	s0 =	simm.s32 @!p0 $0x0  }
0x12: {  	s1 =	sld [smem:$0x3F93];
	s0 =	simm.s32 @p0 $0x1  }
0x13: {  	[smem:$0x3FAE] =	sst s0;
	s0 =	simm.s32 @!p1 $0x0  }
0x14: {  	s2 =	sld [smem:$0x3F92];
	s0 =	simm.s32 @p1 $0x1  }
0x15: {  	[smem:$0x3FAF] =	sst s0;
	s0 =	simm.s32 @!p2 $0x0  }
0x16: {  	s3 =	sld [smem:$0x3FDB];
	s0 =	simm.s32 @p2 $0x1  }
0x17: {  	s4 =	simm.s32 $0x1BF5;
	[smem:$0x3FB1] =	sst s0  }
0x18: {  	s0 =	sld [smem:$0x3F94];
	_ =	swait.ge [sflag:s4], $0x0  }
0x19: {  	s7 =	sld [smem:$0x3F95]  }
0x1a: {  	s8 =	sadd.s32 $0xFFFFE003, lr  }
0x1b: {  	s9 =	sadd.s32 $0xFFFFFEF7, lr;
	s5 =	simm.s32 $0xFFFFFFFF;
	p2 =	slt.u32 s8, $0xFFFFF086  }
0x1c: {  	p1 =	slt.u32 s9, $0xF7A;
	s5 =	simm.s32 @!p2 $0x0  }
0x1d: {  	s5 =	simm.s32 @p1 $0x1;
	p0 =	seq.s32 s7, s2  }
0x1e: {  	s7 =	smul.u32 @!p0 $0xF7A, s2;
	p2 =	seq.s32 @!p0 s5, $0x0  }
0x1f: {  	s9 =	smul.u32 $0xF7A, s1;
	s8 =	simm.s32 @!p0 $0x1BF5;
	p2 =	por !p2, p0  }
0x20: {  	[sflag:s8] =	ssyncset.s32 @!p0 $0xFFFFF086;
	s6 =	sadd.s32 @!p0 s3, s7;
	s7 =	simm.s32 @!p0 $0x108  }
0x21: {  	s3 =	sadd.s32 s3, s9;
	s6 =	sadd.s32 @!p0 $0x88, s6;
	s7 =	simm.s32 @p2 $0x1082  }
0x22: {  	[simem:s7], [sflag:s8] =	dma.local @!p0 [hbm:s6], $0xF7A  }
0x23: {  	s9 =	sor.u32 $0xD0000000, s2;
	s6 =	simm.s32 $0x108;
	_ =	swait.ge @!p0 [sflag:s8], $0x0  }
0x24: {  	s3 =	sadd.s32 $0x88, s3;
	s6 =	simm.s32 @!p1 $0x1082;
	[sflag:s4] =	ssyncset.s32 $0xFFFFF086  }
0x25: {  	[simem:s6], [sflag:s4] =	dma.local [hbm:s3], $0xF7A  }
0x26: {  	[smem:$0x3F95] =	sst s1;
	(tag) =	ssettag s2;
	_ =	strace s9  }
0x27: {  	s1 =	sld [smem:$0x3FA5]  }
0x28: {  	s2 =	sld [smem:$0x3FA6]  }
0x29: {  	s4 =	sld [smem:$0x3FA8]  }
0x2a: {  	p0 =	seq.s32 s5, $0x0;
	s5 =	sld [smem:$0x3FA9]  }
0x2b: {  	s6 =	sld [smem:$0x3FAA]  }
0x2c: {  	s7 =	sld [smem:$0x3FAB]  }
0x2d: {  	s3 =	simm.s32 $0x108;
	s8 =	sld [smem:$0x3FAC]  }
0x2e: {  	s3 =	simm.s32 @!p0 $0x1082;
	s9 =	sld [smem:$0x3FAD]  }
0x2f: {  	lr =	sadd.s32 s0, s3;
	s0 =	sld [smem:$0x3FA4]  }
0x30: {  	s3 =	sld [smem:$0x3FA7]  }
0x31: {  	[smem:$0x3FB0] =	sst s10  }
0x32: {  	s10 =	sld [smem:$0x3FAE];
	_ =	sdelay $0x3  }
0x33: {  	p0 =	seq.s32 s10, $0x1;
	s10 =	sld [smem:$0x3FB0];
	_ =	sdelay $0x3  }
0x34: {  	[smem:$0x3FB0] =	sst s10  }
0x35: {  	s10 =	sld [smem:$0x3FAF];
	_ =	sdelay $0x3  }
0x36: {  	p1 =	seq.s32 s10, $0x1;
	s10 =	sld [smem:$0x3FB0];
	_ =	sdelay $0x3  }
0x37: {  	[smem:$0x3FB0] =	sst s10  }
0x38: {  	s10 =	sld [smem:$0x3FB1]  }
0x39: {  	_ = 	snop;
	(pc) =	sbr.ind lr, $3  }
0x3a: {  	_ = 	snop  }
0x3b: {  	_ = 	snop  }
0x3c: {  	p2 =	seq.s32 s10, $0x1;
	s10 =	sld [smem:$0x3FB0]  }
0x3d: {  	_ =	shalt  }
0x3e: {  	_ =	shalt  }
0x3f: {  	_ =	shalt  }
0x40: {  	_ =	shalt  }
0x41: {  	_ =	shalt  }
0x42: {  	_ =	shalt  }
0x43: {  	_ =	shalt  }
0x44: {  	_ =	shalt  }
0x45: {  	_ =	shalt  }
0x46: {  	_ =	shalt  }
0x47: {  	_ =	shalt  }
0x48: {  	_ =	shalt  }
0x49: {  	_ =	shalt  }
0x4a: {  	_ =	shalt  }
0x4b: {  	_ =	shalt  }
0x4c: {  	_ =	shalt  }
0x4d: {  	_ =	shalt  }
0x4e: {  	_ =	shalt  }
0x4f: {  	_ =	shalt  }
0x50: {  	_ =	shalt  }
0x51: {  	_ =	shalt  }
0x52: {  	_ =	shalt  }
0x53: {  	_ =	shalt  }
0x54: {  	_ =	shalt  }
0x55: {  	_ =	shalt  }
0x56: {  	_ =	shalt  }
0x57: {  	_ =	shalt  }
0x58: {  	_ =	shalt  }
0x59: {  	_ =	shalt  }
0x5a: {  	_ =	shalt  }
0x5b: {  	_ =	shalt  }
0x5c: {  	_ =	shalt  }
0x5d: {  	_ =	shalt  }
0x5e: {  	_ =	shalt  }
0x5f: {  	_ =	shalt  }
0x60: {  	_ =	shalt  }
0x61: {  	_ =	shalt  }
0x62: {  	_ =	shalt  }
0x63: {  	_ =	shalt  }
0x64: {  	_ =	shalt  }
0x65: {  	_ =	shalt  }
0x66: {  	_ =	shalt  }
0x67: {  	_ =	shalt  }
0x68: {  	_ =	shalt  }
0x69: {  	_ =	shalt  }
0x6a: {  	_ =	shalt  }
0x6b: {  	_ =	shalt  }
0x6c: {  	_ =	shalt  }
0x6d: {  	_ =	shalt  }
0x6e: {  	_ =	shalt  }
0x6f: {  	_ =	shalt  }
0x70: {  	_ =	shalt  }
0x71: {  	_ =	shalt  }
0x72: {  	_ =	shalt  }
0x73: {  	_ =	shalt  }
0x74: {  	_ =	shalt  }
0x75: {  	_ =	shalt  }
0x76: {  	_ =	shalt  }
0x77: {  	_ =	shalt  }
0x78: {  	_ =	shalt  }
0x79: {  	_ =	shalt  }
0x7a: {  	_ =	shalt  }
0x7b: {  	_ =	shalt  }
0x7c: {  	_ =	shalt  }
0x7d: {  	_ =	shalt  }
0x7e: {  	_ =	shalt  }
0x7f: {  	_ =	shalt  }
0x80: {  	_ =	shalt  }
0x81: {  	_ =	shalt  }
0x82: {  	_ =	shalt  }
0x83: {  	_ =	shalt  }
0x84: {  	_ =	shalt  }
0x85: {  	_ =	shalt  }
0x86: {  	_ =	shalt  }
0x87: {  	_ =	shalt  }
.Lfunc_end0:
.L_simem_size_0:
called_computation.3_lowered:
.L_overlay_start_0:
0x88: {  	s2 =	sld [smem:$0x3FD9]  }
0x89: {  	s3 =	sld [smem:$0x3FFE];
	_ =	sdelay $0x1  }
0x8a: {  	s1 =	srdreg.scid  }
0x8b: {  	s0 =	sand.u32 $0x1, s1  }
0x8c: {  	s17 =	sshll.u32 s0, $0xA;
	s2 =	sadd.s32 s3, s2  }
0x8d: {  	s2 =	sadd.s32 s2, s17  }
0x8e: {  	[smem:$0x3FBC] =	sst s2  }
0x8f: {  	_ = 	snop  }
0x90: {  	s18 =	sld [smem:$0x3FD0];
	(tm) =	ssettm $0x1  }
0x91: {  	s19 =	sld [smem:$0x3FFB];
	_ =	sdelay $0x3  }
0x92: {  	_ =	strace s19  }
0x93: {  	s2 =	sld [smem:$0x3FFC];
	_ =	sdelay $0x3  }
0x94: {  	_ =	strace s2  }
0x95: {  	s2 =	sld [smem:$0x3FFD];
	_ =	sdelay $0x3  }
0x96: {  	_ =	strace s2  }
0x97: {  	_ =	strace $0x8FFFFFFF  }
0x98: {  	s20 =	sld [smem:$0x3FDB];
	_ =	sdelay $0x1  }
0x99: {  	s4 =	simm.s32 $_scs_section_size  }
0x9a: {  	s5 =	simm.s32 $_size__tile_overlayer_lowered;
	s6 =	simm.s32 $_tile_overlayer_lowered  }
0x9b: {  	s7 =	simm.s32 $0x1BFF;
	s21 =	sshll.u32 s6, $0x1;
	s4 =	sadd.s32 s4, s20  }
0x9c: {  	s22 =	simm.s32 $0x0;
	s5 =	sshll.u32 s5, $0x1;
	s6 =	sadd.s32 s21, s4  }
0x9d: {  	[timem:s22], [sflag:s7] =	dma.local [hbm:s6], s5  }
0x9e: {  	_ =	swait.ge [sflag:s7], s5  }
0x9f: {  	s5 =	ssub.s32 $0x0, s5;
	[sflag:s7] =	ssyncset.done $0x0  }
0xa0: {  	[sflag:s7] =	ssyncadd.s32 s5;
	_ =	sdelay $0x1  }
0xa1: {  	s23 =	simm.s32 $0x1B8B  }
0xa2: {  	_ =	swait.ge [sflag:s23], $0x1  }
0xa3: {  	[sflag:s23] =	ssyncset.done $0x0  }
0xa4: {  	[sflag:s23] =	ssyncadd.s32 $0xFFFFFFFF  }
0xa5: {  	s5 =	sld [smem:$0x0]  }
0xa6: {  	s6 =	sand.u32 $0xFFFFFFFE, s1  }
0xa7: {  	p0 =	sne.s32 s1, s6  }
0xa8: {  	s6 =	sshll.u32 @p0 s6, $0xE  }
0xa9: {  	s6 =	sadd.s32 @p0 $0x11B8D, s6;
	s7 =	sshll.u32 @p0 s5, $0x11  }
0xaa: {  	s6 =	sor.u32 @p0 s7, s6  }
0xab: {  	[sflag:s6] =	ssyncadd.remote.s32 @p0 $0x1;
	_ =	sdelay $0x1  }
0xac: {  	s6 =	simm.s32 @p0 $0x1B8D  }
0xad: {  	_ =	swait.eq @p0 [sflag:s6], $0x1  }
0xae: {  	[sflag:s6] =	ssyncadd.s32 @p0 $0xFFFFFFFF  }
0xaf: {  	s7 =	sshll.u32 @!p0 s1, $0xE  }
0xb0: {  	s7 =	sor.u32 @!p0 $0x4000, s7;
	s6 =	simm.s32 @!p0 $0x1B8D  }
0xb1: {  	s5 =	sshll.u32 @!p0 s5, $0x11;
	s7 =	sadd.s32 @!p0 $0x11B8D, s7;
	_ =	swait.eq @!p0 [sflag:s6], $0x1  }
0xb2: {  	s5 =	sor.u32 @!p0 s5, s7;
	[sflag:s6] =	ssyncadd.s32 @!p0 $0xFFFFFFFF  }
0xb3: {  	s25 =	simm.s32 $0x1B8E;
	s24 =	sld [smem:$0x3FFE];
	[sflag:s5] =	ssyncadd.remote.s32 @!p0 $0x1  }
0xb4: {  	s26 =	simm.s32 $execute0_lowered;
	[smem:$0x3FD2] =	sst s25  }
0xb5: {  	s6 =	sshll.u32 s26, $0x1;
	_ =	strace $0x8000004C;
	[dreg:$0x1] =	wrdreg $0xFFFFFFFF  }
0xb6: {  	s28 =	simm.s32 $_size_execute0_lowered;
	s4 =	sadd.s32 s4, s6;
	[dreg:$0x0] =	wrdreg $0x0  }
0xb7: {  	s6 =	sshll.u32 s28, $0x1;
	[dreg:$0x2] =	wrdreg s4  }
0xb8: {  	[dreg:$0x3] =	wrdreg s6  }
0xb9: {  	[dreg:$0x4] =	wrdreg $0xC0  }
0xba: {  	_ =	task [dreg:s22], $0x5FFFF  }
0xbb: {  	[dreg:$0x1] =	wrdreg $0xFFFFFFFF  }
0xbc: {  	[dreg:$0x0] =	wrdreg $0x60  }
0xbd: {  	[dreg:$0x2] =	wrdreg s24  }
0xbe: {  	[dreg:$0x3] =	wrdreg s18  }
0xbf: {  	[dreg:$0x4] =	wrdreg $0xB  }
0xc0: {  	_ =	task.clear_ibuf [dreg:s22], $0x5FFFF;
	_ =	strace $0x9000004C  }
0xc1: {  	s29 =	simm.s32 $0xB;
	_ =	strace $0x8000004E  }
0xc2: {  	_ =	swait.ge [sflag:s29], $0x1  }
0xc3: {  	[sflag:s29] =	ssyncadd.s32 $0xFFFFFFFF  }
0xc4: {  	_ =	strace $0x9000004E  }
0xc5: {  	_ =	sfence  }
0xc6: {  	s30 =	sld [smem:$0x0];
	_ =	sdelay $0x2  }
0xc7: {  	s31 =	sshll.u32 s1, $0xD;
	s1 =	sshrl.u32 s1, $0x2  }
0xc8: {  	s4 =	sand.u32 $0x4000, s31;
	s1 =	sadd.s32 s1, s30  }
0xc9: {  	s0 =	sor.u32 s4, s0;
	s1 =	sshll.u32 s1, $0x11  }
0xca: {  	s0 =	sor.u32 s1, s0  }
0xcb: {  	s0 =	sadd.s32 $0x8F2B, s0  }
0xcc: {  	[sflag:s0] =	ssyncadd.remote.s32 $0x1  }
0xcd: {  	_ =	sfence.sel $0xFFFF  }
0xce: {  	[dreg:$0x0] =	wrdreg $0xFFFFFFFF;
	(pc) =	sbr.abs _section_cstart, $3  }
0xcf: {  	[dreg:$0x1] =	wrdreg $0xFFFFFFFF  }
0xd0: {  	_ =	task.clear_ibuf [dreg:s22], $0x2FFFF;
	_ =	strace $0x9FFFFFFF  }
0xd1: {  	(tm) =	ssettm $0x7FFFFFFF  }
tec
execute0_lowered:
.L_overlay_start_1:
0x0: {  	(tag) =	ssettag $0x1  }
0x1: {  	s8 =	rddreg [dreg:$0x0];
	s0 =	stileid.u32  }
0x2: {  	s1 =	srdreg.scid;
	s2 =	rddreg [dreg:$0x1]  }
0x3: {  	s5 =	simm.s32 $0x1;
	s9 =	simm.s32 $0x1;
	s10 =	simm.s32 $0x3  }
0x4: {  	s13 =	simm.s32 $0x0;
	s3 =	sand.u32 $0x1, s1;
	s4 =	sshll.u32 s0, $0x1  }
0x5: {  	s12 =	simm.s32 $0x0;
	s1 =	rddreg [dreg:$0x2];
	s6 =	sor.u32 s4, s3  }
0x6: {  	_ =	strace $0x8000004D;
	s3 =	sadd.s32 $0x5F200, s8;
	s4 =	smul.u32 $0x5000, s6  }
0x7: {  	[sflag:s5] =	ssyncpa.u1 $0x0;
	p0 =	slt.u32 s6, $0x9;
	s6 =	simm.s32 $0xA0000  }
.Ltmp0:
0x8: {  	s6 =	simm.s32 @!p0 $0x0;
	s7 =	ssub.s32 $0xC8000, s4;
	(pc) =	sbr.rel .LBB2_1-.Ltmp0, $4  }
0x9: {  	s9 =	simm.s32 @!p0 $0x0;
	p0 =	sne.s32 s7, s6;
	s7 =	simm.s32 $0x1  }
0xa: {  	s8 =	sadd.s32 $0x2F600, s8;
	s6 =	simm.s32 $0x2;
	s7 =	simm.s32 @!p0 $0x0  }
0xb: {  	s11 =	smov.u32 s4;
	[sflag:s6] =	ssyncpa.u1 $0x0;
	s7 =	sadd.s32 s9, s7  }
0xc: {  	vm0 =	vmmov $0xffff;
	[sflag:s10] =	ssyncpa.u1 $0x0;
	s10 =	simm.s32 $0x0;
	s9 =	sadd.s32 $0x1, s7  }
.LBB2_4:
0xd: {  	v2 =	vnsel vm1, $0x0, v2  }
0xe: {  	vm1 =	vgt.s32 v0, $0x0;
	v2 =	vmin.u32 v2, $0x186A00  }
0xf: {  	v0 =	vnsel vm1, $0x0, v0  }
0x10: {  	v0 =	vmin.u32 v0, $0x186A00  }
0x11: {  	[tilespmem:s18], [sflag:$0x1] =	stream.indirect_vreg.gather [hbm4b:s3+s10], $0x1, v1, vm0, $0x4038;
	[tilespmem:$0x14000] =	vst v63  }
0x12: {  	(ifvalue) =	ssetifvalue $0x7FFFFFFF  }
0x13: {  	[tilespmem:s15], [sflag:$0x1] =	stream.indirect_vreg.gather [hbm4b:s3+s10], $0x1, v2, vm0, $0x4038;
	[tilespmem:$0x14000] =	vst v63  }
0x14: {  	s29 =	sadd.s32 $0x10, s15;
	(ifvalue) =	ssetifvalue $0x7FFFFFFF  }
0x15: {  	[tilespmem:s29], [sflag:$0x1] =	stream.indirect_vreg.gather [hbm4b:s3+s10], $0x1, v0, vm0, $0x4038;
	[tilespmem:$0x14000] =	vst v63  }
0x16: {  	_ =	swait.ge [sflag:s5], $0x5000  }
0x17: {  	s30 =	sshrl.u32 s13, $0x3;
	[sflag:s5] =	ssyncset.done $0x0  }
0x18: {  	s31 =	sand.u32 $0x7, s13;
	s15 =	sadd.s32 s8, s30;
	[sflag:s5] =	ssyncadd.s32 $0xFFFFB000  }
0x19: {  	[hbm4b:s15+s31] =	stream.linear.scatter [tilespmem:s14], [sflag:$0x3], $0x5000, $0x38;
	[tilespmem:$0x14000] =	vst v63  }
.LBB2_5:
0x1a: {  	s15 =	sadd.s32 $0xA0000, s11  }
0x1b: {  	p1 =	sgt.s32 s15, $0xC7FFF  }
0x1c: {  	s15 =	smov.u32 @p1 s4;
	p1 =	sne.s32 s12, s9  }
.Ltmp1:
0x1d: {  	p0 =	slt.u32 s12, $0x2;
	(pc) =	sbr.rel @!p1 .LBB2_6-.Ltmp1, $4  }
0x1e: {  	s14 =	simm.s32 @!p0 $0x3  }
0x1f: {  	_ =	swait.ge @!p0 [sflag:s14], $0x5000  }
0x20: {  	s16 =	sadd.s32 $0x1, s12;
	s13 =	smov.u32 s11;
	[sflag:s14] =	ssyncset.done @!p0 $0x0  }
0x21: {  	s12 =	smov.u32 s16;
	s11 =	smov.u32 s15;
	[sflag:s14] =	ssyncadd.s32 @!p0 $0xFFFFB000  }
.LBB2_1:
0x22: {  	p0 =	sge.u32 s12, s7  }
0x23: {  	s14 =	sxor.u32 @!p0 $0x1, s12  }
0x24: {  	s14 =	smul.u32 @!p0 $0x14000, s14  }
0x25: {  	s31 =	sadd.s32 $0xFFFFFFFF, s12;
	s15 =	sshrl.u32 @!p0 s11, $0x3  }
0x26: {  	s16 =	sand.u32 @!p0 $0x7, s11;
	s15 =	sadd.s32 @!p0 s2, s15;
	s14 =	sshra.s32 @!p0 s14, $0x2  }
0x27: {  	[tilespmem:s14], [sflag:$0x2] =	stream.linear.gather @!p0 [hbm4b:s15+s16], $0x5000, $0x38;
	[tilespmem:$0x14000] =	vst v63  }
0x28: {  	p0 =	sge.u32 s31, s7  }
.Ltmp2:
0x29: {  	_ = 	snop;
	(pc) =	sbr.rel @p0 .LBB2_5-.Ltmp2, $1  }
0x2a: {  	_ =	sdelay $0x3  }
0x2b: {  	s14 =	sand.u32 $0x1, s12  }
0x2c: {  	_ =	swait.ge [sflag:s6], $0x5000;
	p0 =	seq.s32 s14, $0x1;
	s14 =	simm.s32 $0x5000  }
0x2d: {  	[sflag:s6] =	ssyncset.done $0x0;
	s14 =	simm.s32 @!p0 $0x0  }
0x2e: {  	[sflag:s6] =	ssyncadd.s32 $0xFFFFB000;
	(ifvalue) =	ssetifvalue $0x7FFFFFFF;
	v0 =	vld.msk [tilespmem:s14+$0x0 ss:$0x1], $0xffff;
	_ =	sdelay $0x4  }
0x2f: {  	s15 =	sadd.s32 $0x10, s14;
	vm1 =	vgt.s32 v0, $0x0  }
0x30: {  	v2 =	vld.msk [tilespmem:s15+$0x0 ss:$0x1], $0xffff;
	v1 =	vnsel vm1, $0x0, v0  }
0x31: {  	v1 =	vmin.u32 v1, $0x186A00;
	_ =	sdelay $0x2  }
0x32: {  	s17 =	simm.s32 $0x20;
	s14 =	sor.u32 $0xA000, s14;
	s16 =	sadd.s32 $0x10, s15  }
0x33: {  	s15 =	sadd.s32 $0x10, s14;
	s18 =	smov.u32 s14;
	v0 =	vld.msk [tilespmem:s16+$0x0 ss:$0x1], $0xffff;
	vm1 =	vgt.s32 v2, $0x0;
	(ifvalue) =	ssetifvalue $0x7FFFFFFF  }
.LBB2_3:
0x34: {  	[tilespmem:s18], [sflag:$0x1] =	stream.indirect_vreg.gather [hbm4b:s3+s10], $0x1, v1, vm0, $0x4038;
	[tilespmem:$0x14000] =	vst v63  }
0x35: {  	s17 =	sadd.s32 $0x10, s17  }
0x36: {  	v2 =	vnsel vm1, $0x0, v2;
	p0 =	slt.u32 s17, $0x4FF0  }
.Ltmp3:
0x37: {  	s18 =	smov.u32 s15;
	v1 =	vmin.u32 v2, $0x186A00;
	(pc) =	sbr.rel @p0 .LBB2_3-.Ltmp3, $3  }
0x38: {  	_ =	sdelay $0x1  }
0x39: {  	s16 =	sadd.s32 $0x10, s16  }
0x3a: {  	vm1 =	vgt.s32 v0, $0x0;
	s15 =	sadd.s32 $0x10, s15;
	v2 =	vmov v0;
	(ifvalue) =	ssetifvalue $0x7FFFFFFF;
	v0 =	vld.msk [tilespmem:s16+$0x0 ss:$0x1], $0xffff  }
.Ltmp4:
0x3b: {  	_ = 	snop;
	(pc) =	sbr.rel .LBB2_4-.Ltmp4, $1  }
0x3c: {  	_ =	sdelay $0x3  }
.LBB2_6:
0x3d: {  	_ =	sfence.sel $0x180000  }
0x3e: {  	s2 =	simm.s32 $0x2;
	[bflag:$0x0] =	sbarrier.arrive $0xFFFF  }
0x3f: {  	s30 =	simm.s32 $0x3;
	[sflag:s2] =	ssyncpa.u1 $0x1  }
0x40: {  	s31 =	simm.s32 $0x1;
	[sflag:s30] =	ssyncpa.u1 $0x1  }
0x41: {  	[sflag:s31] =	ssyncpa.u1 $0x1  }
0x42: {  	p0 =	sne.s32 s0, $0x0;
	_ =	strace $0x9000004D  }
0x43: {  	s0 =	sadd.s32 @!p0 $0x100000, s1;
	[bflag:$0x2] =	sbarrier.arrive $0xFFFF  }
0x44: {  	[sflag:s0] =	ssyncadd.tile.s32 @!p0 $0x1;
	_ =	shalt  }
.Lfunc_end2:
_tile_overlayer_lowered:
.L_overlay_start_2:
0x45: {  	(tag) =	ssettag $0x2  }
0x46: {  	s0 =	rddreg [dreg:$0x0];
	s2 =	stileid.u32  }
0x47: {  	s1 =	rddreg [dreg:$0x1];
	p0 =	sne.s32 s2, $0x0  }
0x48: {  	s3 =	rddreg [dreg:$0x2];
	[bflag:$0x3] =	sbarrier.arrive $0xFFFF;
	s2 =	simm.s32 @!p0 $0x1C01  }
0x49: {  	[timem:s3], [sflag:s2] =	dma.local @!p0 [hbm:s0], s1  }
0x4a: {  	s0 =	simm.s32 @!p0 $0x1  }
0x4b: {  	_ =	swait.ge @!p0 [sflag:s0], s1  }
0x4c: {  	s1 =	ssub.s32 @!p0 $0x0, s1;
	[sflag:s0] =	ssyncset.done @!p0 $0x0  }
0x4d: {  	[sflag:s0] =	ssyncadd.s32 @!p0 s1  }
0x4e: {  	[bflag:$0x3] =	sbarrier.arrive $0xFFFF  }
0x4f: {  	_ =	shalt  }

// kernel: kernel.6.cloned.1.call-start
scs
__scs_entry_jumppad:
0x0: {  	(pc) =	sbr.rel $0x88, $3  }
0x1: {  	(tag) =	ssettag $0x0;
	lr =	simm.s32 $0x1  }
0x2: {  	[smem:$0x3F95] =	sst lr;
	_ =	strace $0xD0000000  }
0x3: {  	_ = 	snop  }
0x4: {  	_ = 	snop  }
0x5: {  	_ = 	snop  }
0x6: {  	_ = 	snop  }
0x7: {  	_ = 	snop  }
__scs_overlays_trampoline_lowered:
0x8: {  	[smem:$0x3FA4] =	sst s0  }
0x9: {  	[smem:$0x3FA5] =	sst s1  }
0xa: {  	[smem:$0x3FA6] =	sst s2  }
0xb: {  	[smem:$0x3FA7] =	sst s3  }
0xc: {  	[smem:$0x3FA8] =	sst s4  }
0xd: {  	[smem:$0x3FA9] =	sst s5  }
0xe: {  	[smem:$0x3FAA] =	sst s6  }
0xf: {  	[smem:$0x3FAB] =	sst s7  }
0x10: {  	[smem:$0x3FAC] =	sst s8  }
0x11: {  	[smem:$0x3FAD] =	sst s9;
	s0 =	simm.s32 @!p0 $0x0  }
0x12: {  	s1 =	sld [smem:$0x3F93];
	s0 =	simm.s32 @p0 $0x1  }
0x13: {  	[smem:$0x3FAE] =	sst s0;
	s0 =	simm.s32 @!p1 $0x0  }
0x14: {  	s2 =	sld [smem:$0x3F92];
	s0 =	simm.s32 @p1 $0x1  }
0x15: {  	[smem:$0x3FAF] =	sst s0;
	s0 =	simm.s32 @!p2 $0x0  }
0x16: {  	s3 =	sld [smem:$0x3FDB];
	s0 =	simm.s32 @p2 $0x1  }
0x17: {  	s4 =	simm.s32 $0x1BF5;
	[smem:$0x3FB1] =	sst s0  }
0x18: {  	s0 =	sld [smem:$0x3F94];
	_ =	swait.ge [sflag:s4], $0x0  }
0x19: {  	s7 =	sld [smem:$0x3F95]  }
0x1a: {  	s8 =	sadd.s32 $0xFFFFE003, lr  }
0x1b: {  	s9 =	sadd.s32 $0xFFFFFEF7, lr;
	s5 =	simm.s32 $0xFFFFFFFF;
	p2 =	slt.u32 s8, $0xFFFFF086  }
0x1c: {  	p1 =	slt.u32 s9, $0xF7A;
	s5 =	simm.s32 @!p2 $0x0  }
0x1d: {  	s5 =	simm.s32 @p1 $0x1;
	p0 =	seq.s32 s7, s2  }
0x1e: {  	s7 =	smul.u32 @!p0 $0xF7A, s2;
	p2 =	seq.s32 @!p0 s5, $0x0  }
0x1f: {  	s9 =	smul.u32 $0xF7A, s1;
	s8 =	simm.s32 @!p0 $0x1BF5;
	p2 =	por !p2, p0  }
0x20: {  	[sflag:s8] =	ssyncset.s32 @!p0 $0xFFFFF086;
	s6 =	sadd.s32 @!p0 s3, s7;
	s7 =	simm.s32 @!p0 $0x108  }
0x21: {  	s3 =	sadd.s32 s3, s9;
	s6 =	sadd.s32 @!p0 $0x88, s6;
	s7 =	simm.s32 @p2 $0x1082  }
0x22: {  	[simem:s7], [sflag:s8] =	dma.local @!p0 [hbm:s6], $0xF7A  }
0x23: {  	s9 =	sor.u32 $0xD0000000, s2;
	s6 =	simm.s32 $0x108;
	_ =	swait.ge @!p0 [sflag:s8], $0x0  }
0x24: {  	s3 =	sadd.s32 $0x88, s3;
	s6 =	simm.s32 @!p1 $0x1082;
	[sflag:s4] =	ssyncset.s32 $0xFFFFF086  }
0x25: {  	[simem:s6], [sflag:s4] =	dma.local [hbm:s3], $0xF7A  }
0x26: {  	[smem:$0x3F95] =	sst s1;
	(tag) =	ssettag s2;
	_ =	strace s9  }
0x27: {  	s1 =	sld [smem:$0x3FA5]  }
0x28: {  	s2 =	sld [smem:$0x3FA6]  }
0x29: {  	s4 =	sld [smem:$0x3FA8]  }
0x2a: {  	p0 =	seq.s32 s5, $0x0;
	s5 =	sld [smem:$0x3FA9]  }
0x2b: {  	s6 =	sld [smem:$0x3FAA]  }
0x2c: {  	s7 =	sld [smem:$0x3FAB]  }
0x2d: {  	s3 =	simm.s32 $0x108;
	s8 =	sld [smem:$0x3FAC]  }
0x2e: {  	s3 =	simm.s32 @!p0 $0x1082;
	s9 =	sld [smem:$0x3FAD]  }
0x2f: {  	lr =	sadd.s32 s0, s3;
	s0 =	sld [smem:$0x3FA4]  }
0x30: {  	s3 =	sld [smem:$0x3FA7]  }
0x31: {  	[smem:$0x3FB0] =	sst s10  }
0x32: {  	s10 =	sld [smem:$0x3FAE];
	_ =	sdelay $0x3  }
0x33: {  	p0 =	seq.s32 s10, $0x1;
	s10 =	sld [smem:$0x3FB0];
	_ =	sdelay $0x3  }
0x34: {  	[smem:$0x3FB0] =	sst s10  }
0x35: {  	s10 =	sld [smem:$0x3FAF];
	_ =	sdelay $0x3  }
0x36: {  	p1 =	seq.s32 s10, $0x1;
	s10 =	sld [smem:$0x3FB0];
	_ =	sdelay $0x3  }
0x37: {  	[smem:$0x3FB0] =	sst s10  }
0x38: {  	s10 =	sld [smem:$0x3FB1]  }
0x39: {  	_ = 	snop;
	(pc) =	sbr.ind lr, $3  }
0x3a: {  	_ = 	snop  }
0x3b: {  	_ = 	snop  }
0x3c: {  	p2 =	seq.s32 s10, $0x1;
	s10 =	sld [smem:$0x3FB0]  }
0x3d: {  	_ =	shalt  }
0x3e: {  	_ =	shalt  }
0x3f: {  	_ =	shalt  }
0x40: {  	_ =	shalt  }
0x41: {  	_ =	shalt  }
0x42: {  	_ =	shalt  }
0x43: {  	_ =	shalt  }
0x44: {  	_ =	shalt  }
0x45: {  	_ =	shalt  }
0x46: {  	_ =	shalt  }
0x47: {  	_ =	shalt  }
0x48: {  	_ =	shalt  }
0x49: {  	_ =	shalt  }
0x4a: {  	_ =	shalt  }
0x4b: {  	_ =	shalt  }
0x4c: {  	_ =	shalt  }
0x4d: {  	_ =	shalt  }
0x4e: {  	_ =	shalt  }
0x4f: {  	_ =	shalt  }
0x50: {  	_ =	shalt  }
0x51: {  	_ =	shalt  }
0x52: {  	_ =	shalt  }
0x53: {  	_ =	shalt  }
0x54: {  	_ =	shalt  }
0x55: {  	_ =	shalt  }
0x56: {  	_ =	shalt  }
0x57: {  	_ =	shalt  }
0x58: {  	_ =	shalt  }
0x59: {  	_ =	shalt  }
0x5a: {  	_ =	shalt  }
0x5b: {  	_ =	shalt  }
0x5c: {  	_ =	shalt  }
0x5d: {  	_ =	shalt  }
0x5e: {  	_ =	shalt  }
0x5f: {  	_ =	shalt  }
0x60: {  	_ =	shalt  }
0x61: {  	_ =	shalt  }
0x62: {  	_ =	shalt  }
0x63: {  	_ =	shalt  }
0x64: {  	_ =	shalt  }
0x65: {  	_ =	shalt  }
0x66: {  	_ =	shalt  }
0x67: {  	_ =	shalt  }
0x68: {  	_ =	shalt  }
0x69: {  	_ =	shalt  }
0x6a: {  	_ =	shalt  }
0x6b: {  	_ =	shalt  }
0x6c: {  	_ =	shalt  }
0x6d: {  	_ =	shalt  }
0x6e: {  	_ =	shalt  }
0x6f: {  	_ =	shalt  }
0x70: {  	_ =	shalt  }
0x71: {  	_ =	shalt  }
0x72: {  	_ =	shalt  }
0x73: {  	_ =	shalt  }
0x74: {  	_ =	shalt  }
0x75: {  	_ =	shalt  }
0x76: {  	_ =	shalt  }
0x77: {  	_ =	shalt  }
0x78: {  	_ =	shalt  }
0x79: {  	_ =	shalt  }
0x7a: {  	_ =	shalt  }
0x7b: {  	_ =	shalt  }
0x7c: {  	_ =	shalt  }
0x7d: {  	_ =	shalt  }
0x7e: {  	_ =	shalt  }
0x7f: {  	_ =	shalt  }
0x80: {  	_ =	shalt  }
0x81: {  	_ =	shalt  }
0x82: {  	_ =	shalt  }
0x83: {  	_ =	shalt  }
0x84: {  	_ =	shalt  }
0x85: {  	_ =	shalt  }
0x86: {  	_ =	shalt  }
0x87: {  	_ =	shalt  }
.Lfunc_end0:
.L_simem_size_0:
called_computation.5_lowered:
.L_overlay_start_0:
0x88: {  	s2 =	sld [smem:$0x3FD9]  }
0x89: {  	s3 =	sld [smem:$0x3FFE];
	_ =	sdelay $0x1  }
0x8a: {  	s1 =	srdreg.scid  }
0x8b: {  	s0 =	sand.u32 $0x1, s1  }
0x8c: {  	s17 =	sshll.u32 s0, $0xA;
	s2 =	sadd.s32 s3, s2  }
0x8d: {  	s2 =	sadd.s32 s2, s17  }
0x8e: {  	[smem:$0x3FBC] =	sst s2  }
0x8f: {  	_ = 	snop  }
0x90: {  	(tm) =	ssettm $0x1  }
0x91: {  	s18 =	sld [smem:$0x3FFB];
	_ =	sdelay $0x3  }
0x92: {  	_ =	strace s18  }
0x93: {  	s2 =	sld [smem:$0x3FFC];
	_ =	sdelay $0x3  }
0x94: {  	_ =	strace s2  }
0x95: {  	s2 =	sld [smem:$0x3FFD];
	_ =	sdelay $0x3  }
0x96: {  	_ =	strace s2  }
0x97: {  	_ =	strace $0x8FFFFFFF  }
0x98: {  	s19 =	sld [smem:$0x3FDB];
	_ =	sdelay $0x1  }
0x99: {  	s20 =	simm.s32 $_scs_section_size  }
0x9a: {  	s4 =	simm.s32 $_size__tile_overlayer_lowered;
	s5 =	simm.s32 $_tile_overlayer_lowered  }
0x9b: {  	s6 =	simm.s32 $0x1BFF;
	s21 =	sshll.u32 s5, $0x1;
	s3 =	sadd.s32 s20, s19  }
0x9c: {  	s22 =	simm.s32 $0x0;
	s4 =	sshll.u32 s4, $0x1;
	s5 =	sadd.s32 s21, s3  }
0x9d: {  	[timem:s22], [sflag:s6] =	dma.local [hbm:s5], s4  }
0x9e: {  	_ =	swait.ge [sflag:s6], s4  }
0x9f: {  	s4 =	ssub.s32 $0x0, s4;
	[sflag:s6] =	ssyncset.done $0x0  }
0xa0: {  	[sflag:s6] =	ssyncadd.s32 s4;
	_ =	sdelay $0x1  }
0xa1: {  	s23 =	simm.s32 $0x1B8B  }
0xa2: {  	_ =	swait.ge [sflag:s23], $0x1  }
0xa3: {  	[sflag:s23] =	ssyncset.done $0x0  }
0xa4: {  	[sflag:s23] =	ssyncadd.s32 $0xFFFFFFFF  }
0xa5: {  	s4 =	sld [smem:$0x0]  }
0xa6: {  	s5 =	sand.u32 $0xFFFFFFFE, s1  }
0xa7: {  	p0 =	sne.s32 s1, s5  }
0xa8: {  	s5 =	sshll.u32 @p0 s5, $0xE  }
0xa9: {  	s5 =	sadd.s32 @p0 $0x11B8D, s5;
	s6 =	sshll.u32 @p0 s4, $0x11  }
0xaa: {  	s5 =	sor.u32 @p0 s6, s5  }
0xab: {  	[sflag:s5] =	ssyncadd.remote.s32 @p0 $0x1;
	_ =	sdelay $0x1  }
0xac: {  	s5 =	simm.s32 @p0 $0x1B8D  }
0xad: {  	_ =	swait.eq @p0 [sflag:s5], $0x1  }
0xae: {  	[sflag:s5] =	ssyncadd.s32 @p0 $0xFFFFFFFF  }
0xaf: {  	s6 =	sshll.u32 @!p0 s1, $0xE  }
0xb0: {  	s6 =	sor.u32 @!p0 $0x4000, s6;
	s5 =	simm.s32 @!p0 $0x1B8D  }
0xb1: {  	s4 =	sshll.u32 @!p0 s4, $0x11;
	s6 =	sadd.s32 @!p0 $0x11B8D, s6;
	_ =	swait.eq @!p0 [sflag:s5], $0x1  }
0xb2: {  	s4 =	sor.u32 @!p0 s4, s6;
	[sflag:s5] =	ssyncadd.s32 @!p0 $0xFFFFFFFF  }
0xb3: {  	s25 =	simm.s32 $0x1B8E;
	s24 =	sld [smem:$0x3FFE];
	[sflag:s4] =	ssyncadd.remote.s32 @!p0 $0x1  }
0xb4: {  	s26 =	simm.s32 $execute0_lowered;
	[smem:$0x3FD2] =	sst s25  }
0xb5: {  	s5 =	sshll.u32 s26, $0x1;
	_ =	strace $0x80000055;
	[dreg:$0x1] =	wrdreg $0xFFFFFFFF  }
0xb6: {  	s28 =	simm.s32 $_size_execute0_lowered;
	s3 =	sadd.s32 s3, s5;
	[dreg:$0x0] =	wrdreg $0x0  }
0xb7: {  	s5 =	sshll.u32 s28, $0x1;
	[dreg:$0x2] =	wrdreg s3  }
0xb8: {  	[dreg:$0x3] =	wrdreg s5  }
0xb9: {  	[dreg:$0x4] =	wrdreg $0xC0  }
0xba: {  	_ =	task [dreg:s22], $0x5FFFF  }
0xbb: {  	[dreg:$0x1] =	wrdreg $0xFFFFFFFF  }
0xbc: {  	[dreg:$0x0] =	wrdreg $0x60  }
0xbd: {  	[dreg:$0x2] =	wrdreg s24  }
0xbe: {  	[dreg:$0x3] =	wrdreg $0xC  }
0xbf: {  	_ =	task.clear_ibuf [dreg:s22], $0x4FFFF;
	_ =	strace $0x90000055  }
0xc0: {  	s29 =	simm.s32 $0xC;
	_ =	strace $0x80000057  }
0xc1: {  	_ =	swait.ge [sflag:s29], $0x1  }
0xc2: {  	[sflag:s29] =	ssyncadd.s32 $0xFFFFFFFF  }
0xc3: {  	_ =	strace $0x90000057  }
0xc4: {  	_ =	sfence  }
0xc5: {  	s30 =	sld [smem:$0x0];
	_ =	sdelay $0x2  }
0xc6: {  	s31 =	sshll.u32 s1, $0xD;
	s1 =	sshrl.u32 s1, $0x2  }
0xc7: {  	s4 =	sand.u32 $0x4000, s31;
	s1 =	sadd.s32 s1, s30  }
0xc8: {  	s0 =	sor.u32 s4, s0;
	s1 =	sshll.u32 s1, $0x11  }
0xc9: {  	s0 =	sor.u32 s1, s0  }
0xca: {  	s0 =	sadd.s32 $0x8F2B, s0  }
0xcb: {  	[sflag:s0] =	ssyncadd.remote.s32 $0x1  }
0xcc: {  	_ =	sfence.sel $0xFFFF  }
0xcd: {  	[dreg:$0x0] =	wrdreg $0xFFFFFFFF;
	(pc) =	sbr.abs _section_cstart, $3  }
0xce: {  	[dreg:$0x1] =	wrdreg $0xFFFFFFFF  }
0xcf: {  	_ =	task.clear_ibuf [dreg:s22], $0x2FFFF;
	_ =	strace $0x9FFFFFFF  }
0xd0: {  	(tm) =	ssettm $0x7FFFFFFF  }
0xd1: {  	_ =	shalt  }
tec
execute0_lowered:
.L_overlay_start_1:
0x0: {  	(tag) =	ssettag $0x1  }
0x1: {  	s1 =	srdreg.scid;
	s0 =	stileid.u32  }
0x2: {  	s28 =	sand.u32 $0x1, s1;
	s31 =	sshll.u32 s0, $0x1  }
0x3: {  	s29 =	sor.u32 s28, s31  }
0x4: {  	s3 =	smul.u32 $0xA0, s29  }
0x5: {  	s26 =	rddreg [dreg:$0x0];
	s2 =	simm.s32 $0x0  }
0x6: {  	[smem:$0x7FF] =	sst s2;
	s3 =	sadd.s32 s3, s26  }
0x7: {  	_ =	strace $0x80000056;
	s4 =	sadd.s32 $0x6200, s3;
	s3 =	simm.s32 $0x3  }
0x8: {  	[tilespmem:s2], [sflag:$0x3] =	stream.linear.gather [hbm4b:s4+s2], $0x500, $0x38;
	[tilespmem:$0xA500] =	vst v63  }
0x9: {  	_ =	swait.ge [sflag:s3], $0x500  }
0xa: {  	s6 =	simm.s32 $0x80;
	[sflag:s3] =	ssyncset.done $0x0  }
0xb: {  	s7 =	simm.s32 $0x500;
	s5 =	sadd.s32 $0x19B7000, s26;
	[sflag:s3] =	ssyncadd.s32 $0xFFFFFB00  }
0xc: {  	[tilespmem:s7], [sflag:$0x1] =	stream.indirect.gather [hbm4b:s5+s6], $0x20, s2, s6, $0xb8;
	[tilespmem:$0xA500] =	vst v63  }
0xd: {  	s8 =	simm.s32 $0x1500  }
0xe: {  	[tilespmem:s8], [sflag:$0x1] =	stream.indirect.gather [hbm4b:s5+s6], $0x20, s6, s6, $0xb8;
	[tilespmem:$0xA500] =	vst v63  }
0xf: {  	s9 =	simm.s32 $0x100;
	s10 =	simm.s32 $0x2500  }
0x10: {  	[tilespmem:s10], [sflag:$0x1] =	stream.indirect.gather [hbm4b:s5+s6], $0x20, s9, s6, $0xb8;
	[tilespmem:$0xA500] =	vst v63  }
0x11: {  	s11 =	simm.s32 $0x180;
	s12 =	simm.s32 $0x3500  }
0x12: {  	[tilespmem:s12], [sflag:$0x1] =	stream.indirect.gather [hbm4b:s5+s6], $0x20, s11, s6, $0xb8;
	[tilespmem:$0xA500] =	vst v63  }
0x13: {  	s13 =	simm.s32 $0x200;
	s14 =	simm.s32 $0x4500  }
0x14: {  	[tilespmem:s14], [sflag:$0x1] =	stream.indirect.gather [hbm4b:s5+s6], $0x20, s13, s6, $0xb8;
	[tilespmem:$0xA500] =	vst v63  }
0x15: {  	s15 =	simm.s32 $0x280;
	s16 =	simm.s32 $0x5500  }
0x16: {  	[tilespmem:s16], [sflag:$0x2] =	stream.indirect.gather [hbm4b:s5+s6], $0x20, s15, s6, $0xb8;
	[tilespmem:$0xA500] =	vst v63  }
0x17: {  	s17 =	simm.s32 $0x300;
	s18 =	simm.s32 $0x6500  }
0x18: {  	[tilespmem:s18], [sflag:$0x2] =	stream.indirect.gather [hbm4b:s5+s6], $0x20, s17, s6, $0xb8;
	[tilespmem:$0xA500] =	vst v63  }
0x19: {  	s19 =	simm.s32 $0x380;
	s20 =	simm.s32 $0x7500  }
0x1a: {  	[tilespmem:s20], [sflag:$0x2] =	stream.indirect.gather [hbm4b:s5+s6], $0x20, s19, s6, $0xb8;
	[tilespmem:$0xA500] =	vst v63  }
0x1b: {  	s21 =	simm.s32 $0x400;
	s22 =	simm.s32 $0x8500  }
0x1c: {  	[tilespmem:s22], [sflag:$0x2] =	stream.indirect.gather [hbm4b:s5+s6], $0x20, s21, s6, $0xb8;
	[tilespmem:$0xA500] =	vst v63  }
0x1d: {  	s23 =	simm.s32 $0x480;
	s24 =	simm.s32 $0x9500;
	s25 =	simm.s32 $0x1  }
0x1e: {  	[tilespmem:s24], [sflag:$0x2] =	stream.indirect.gather [hbm4b:s5+s6], $0x20, s23, s6, $0xb8;
	[tilespmem:$0xA500] =	vst v63  }
0x1f: {  	s30 =	smul.u32 $0x1400, s29;
	_ =	swait.ge [sflag:s25], $0x5000  }
0x20: {  	s31 =	sadd.s32 $0x90000, s26;
	[sflag:s25] =	ssyncset.done $0x0  }
0x21: {  	s26 =	sadd.s32 s31, s30;
	s30 =	ssub.s32 $0x2, s28;
	[sflag:s25] =	ssyncadd.s32 $0xFFFFB000  }
0x22: {  	[hbm4b:s26+s2] =	stream.linear.scatter [tilespmem:s7], [sflag:$0x3], $0x5000, $0x38;
	[tilespmem:$0xA500] =	vst v63  }
0x23: {  	s1 =	sshrl.u32 s30, $0x1;
	_ =	swait.ge [sflag:s3], $0x5000  }
0x24: {  	s29 =	smul.u32 $0xA000, s29;
	s1 =	ssub.s32 s30, s1;
	[sflag:s3] =	ssyncset.done $0x0  }
0x25: {  	s28 =	simm.s32 $0x2;
	s1 =	smax.u32 s1, $0x1;
	[sflag:s3] =	ssyncadd.s32 $0xFFFFB000  }
0x26: {  	s29 =	sshrl.u32 s29, $0x3;
	p0 =	sne.s32 s1, $0x1;
	_ =	swait.ge [sflag:s28], $0x5000  }
.Ltmp0:
0x27: {  	s29 =	sadd.s32 s31, s29;
	[sflag:s28] =	ssyncset.done $0x0;
	(pc) =	sbr.rel @!p0 .LBB2_2-.Ltmp0, $4  }
0x28: {  	s29 =	sadd.s32 $0xA00, s29;
	[sflag:s28] =	ssyncadd.s32 $0xFFFFB000  }
0x29: {  	[hbm4b:s29+s2] =	stream.linear.scatter [tilespmem:s16], [sflag:$0x3], $0x5000, $0x38;
	[tilespmem:$0xA500] =	vst v63  }
0x2a: {  	_ =	swait.ge [sflag:s3], $0x5000  }
0x2b: {  	s30 =	sadd.s32 $0xFFFFFFFF, s1;
	[sflag:s3] =	ssyncset.done $0x0  }
.LBB2_1:
0x2c: {  	p0 =	sne.s32 s30, $0x1;
	s30 =	sadd.s32 $0xFFFFFFFF, s30;
	[sflag:s3] =	ssyncadd.s32 $0xFFFFB000  }
0x2d: {  	[tilespmem:s2], [sflag:$0x3] =	stream.linear.gather [hbm4b:s4+s2], $0x500, $0x38;
	[tilespmem:$0xA500] =	vst v63  }
0x2e: {  	_ =	swait.ge [sflag:s3], $0x500  }
0x2f: {  	[sflag:s3] =	ssyncset.done $0x0  }
0x30: {  	[sflag:s3] =	ssyncadd.s32 $0xFFFFFB00  }
0x31: {  	[tilespmem:s7], [sflag:$0x1] =	stream.indirect.gather [hbm4b:s5+s6], $0x20, s2, s6, $0xb8;
	[tilespmem:$0xA500] =	vst v63  }
0x32: {  	_ = 	snop  }
0x33: {  	[tilespmem:s8], [sflag:$0x1] =	stream.indirect.gather [hbm4b:s5+s6], $0x20, s6, s6, $0xb8;
	[tilespmem:$0xA500] =	vst v63  }
0x34: {  	_ = 	snop  }
0x35: {  	[tilespmem:s10], [sflag:$0x1] =	stream.indirect.gather [hbm4b:s5+s6], $0x20, s9, s6, $0xb8;
	[tilespmem:$0xA500] =	vst v63  }
0x36: {  	_ = 	snop  }
0x37: {  	[tilespmem:s12], [sflag:$0x1] =	stream.indirect.gather [hbm4b:s5+s6], $0x20, s11, s6, $0xb8;
	[tilespmem:$0xA500] =	vst v63  }
0x38: {  	_ = 	snop  }
0x39: {  	[tilespmem:s14], [sflag:$0x1] =	stream.indirect.gather [hbm4b:s5+s6], $0x20, s13, s6, $0xb8;
	[tilespmem:$0xA500] =	vst v63  }
0x3a: {  	_ = 	snop  }
0x3b: {  	[tilespmem:s16], [sflag:$0x2] =	stream.indirect.gather [hbm4b:s5+s6], $0x20, s15, s6, $0xb8;
	[tilespmem:$0xA500] =	vst v63  }
0x3c: {  	_ = 	snop  }
0x3d: {  	[tilespmem:s18], [sflag:$0x2] =	stream.indirect.gather [hbm4b:s5+s6], $0x20, s17, s6, $0xb8;
	[tilespmem:$0xA500] =	vst v63  }
0x3e: {  	_ = 	snop  }
0x3f: {  	[tilespmem:s20], [sflag:$0x2] =	stream.indirect.gather [hbm4b:s5+s6], $0x20, s19, s6, $0xb8;
	[tilespmem:$0xA500] =	vst v63  }
0x40: {  	_ = 	snop  }
0x41: {  	[tilespmem:s22], [sflag:$0x2] =	stream.indirect.gather [hbm4b:s5+s6], $0x20, s21, s6, $0xb8;
	[tilespmem:$0xA500] =	vst v63  }
0x42: {  	_ = 	snop  }
0x43: {  	[tilespmem:s24], [sflag:$0x2] =	stream.indirect.gather [hbm4b:s5+s6], $0x20, s23, s6, $0xb8;
	[tilespmem:$0xA500] =	vst v63  }
0x44: {  	_ =	swait.ge [sflag:s25], $0x5000  }
0x45: {  	[sflag:s25] =	ssyncset.done $0x0  }
0x46: {  	[sflag:s25] =	ssyncadd.s32 $0xFFFFB000  }
0x47: {  	[hbm4b:s26+s2] =	stream.linear.scatter [tilespmem:s7], [sflag:$0x3], $0x5000, $0x38;
	[tilespmem:$0xA500] =	vst v63  }
0x48: {  	_ =	swait.ge [sflag:s3], $0x5000  }
0x49: {  	[sflag:s3] =	ssyncset.done $0x0  }
0x4a: {  	[sflag:s3] =	ssyncadd.s32 $0xFFFFB000  }
0x4b: {  	_ =	swait.ge [sflag:s28], $0x5000  }
.Ltmp1:
0x4c: {  	[sflag:s28] =	ssyncset.done $0x0;
	(pc) =	sbr.rel @p0 .LBB2_1-.Ltmp1, $4  }
0x4d: {  	[sflag:s28] =	ssyncadd.s32 $0xFFFFB000  }
0x4e: {  	[hbm4b:s29+s2] =	stream.linear.scatter [tilespmem:s16], [sflag:$0x3], $0x5000, $0x38;
	[tilespmem:$0xA500] =	vst v63  }
0x4f: {  	_ =	swait.ge [sflag:s3], $0x5000  }
0x50: {  	[sflag:s3] =	ssyncset.done $0x0  }
.LBB2_2:
0x51: {  	[sflag:s3] =	ssyncadd.s32 $0xFFFFB000  }
0x52: {  	_ =	sfence.sel $0x180000  }
0x53: {  	[bflag:$0x0] =	sbarrier.arrive $0xFFFF  }
0x54: {  	_ =	strace $0x90000056  }
0x55: {  	[bflag:$0x2] =	sbarrier.arrive $0xFFFF  }
0x56: {  	p0 =	sne.s32 s0, $0x0;
	s0 =	rddreg [dreg:$0x1]  }
0x57: {  	s0 =	sadd.s32 @!p0 $0x100000, s0  }
0x58: {  	[sflag:s0] =	ssyncadd.tile.s32 @!p0 $0x1;
	_ =	shalt  }
.Lfunc_end2:
_tile_overlayer_lowered:
.L_overlay_start_2:
0x59: {  	(tag) =	ssettag $0x2  }
0x5a: {  	s0 =	rddreg [dreg:$0x0];
	s2 =	stileid.u32  }
0x5b: {  	s1 =	rddreg [dreg:$0x1];
	p0 =	sne.s32 s2, $0x0  }
0x5c: {  	s3 =	rddreg [dreg:$0x2];
	[bflag:$0x3] =	sbarrier.arrive $0xFFFF;
	s2 =	simm.s32 @!p0 $0x1C03  }
0x5d: {  	[timem:s3], [sflag:s2] =	dma.local @!p0 [hbm:s0], s1  }
0x5e: {  	s0 =	simm.s32 @!p0 $0x3  }
0x5f: {  	_ =	swait.ge @!p0 [sflag:s0], s1  }
0x60: {  	s1 =	ssub.s32 @!p0 $0x0, s1;
	[sflag:s0] =	ssyncset.done @!p0 $0x0  }
0x61: {  	[sflag:s0] =	ssyncadd.s32 @!p0 s1  }
0x62: {  	[bflag:$0x3] =	sbarrier.arrive $0xFFFF  }
0x63: {  	_ =	shalt  }

// kernel: kernel.9.cloned.1.call-start
scs
__scs_entry_jumppad:
0x0: {  	(pc) =	sbr.rel $0x88, $3  }
0x1: {  	(tag) =	ssettag $0x0;
	lr =	simm.s32 $0x1  }
0x2: {  	[smem:$0x3F95] =	sst lr;
	_ =	strace $0xD0000000  }
0x3: {  	_ = 	snop  }
0x4: {  	_ = 	snop  }
0x5: {  	_ = 	snop  }
0x6: {  	_ = 	snop  }
0x7: {  	_ = 	snop  }
__scs_overlays_trampoline_lowered:
0x8: {  	[smem:$0x3FA4] =	sst s0  }
0x9: {  	[smem:$0x3FA5] =	sst s1  }
0xa: {  	[smem:$0x3FA6] =	sst s2  }
0xb: {  	[smem:$0x3FA7] =	sst s3  }
0xc: {  	[smem:$0x3FA8] =	sst s4  }
0xd: {  	[smem:$0x3FA9] =	sst s5  }
0xe: {  	[smem:$0x3FAA] =	sst s6  }
0xf: {  	[smem:$0x3FAB] =	sst s7  }
0x10: {  	[smem:$0x3FAC] =	sst s8  }
0x11: {  	[smem:$0x3FAD] =	sst s9;
	s0 =	simm.s32 @!p0 $0x0  }
0x12: {  	s1 =	sld [smem:$0x3F93];
	s0 =	simm.s32 @p0 $0x1  }
0x13: {  	[smem:$0x3FAE] =	sst s0;
	s0 =	simm.s32 @!p1 $0x0  }
0x14: {  	s2 =	sld [smem:$0x3F92];
	s0 =	simm.s32 @p1 $0x1  }
0x15: {  	[smem:$0x3FAF] =	sst s0;
	s0 =	simm.s32 @!p2 $0x0  }
0x16: {  	s3 =	sld [smem:$0x3FDB];
	s0 =	simm.s32 @p2 $0x1  }
0x17: {  	s4 =	simm.s32 $0x1BF5;
	[smem:$0x3FB1] =	sst s0  }
0x18: {  	s0 =	sld [smem:$0x3F94];
	_ =	swait.ge [sflag:s4], $0x0  }
0x19: {  	s7 =	sld [smem:$0x3F95]  }
0x1a: {  	s8 =	sadd.s32 $0xFFFFE003, lr  }
0x1b: {  	s9 =	sadd.s32 $0xFFFFFEF7, lr;
	s5 =	simm.s32 $0xFFFFFFFF;
	p2 =	slt.u32 s8, $0xFFFFF086  }
0x1c: {  	p1 =	slt.u32 s9, $0xF7A;
	s5 =	simm.s32 @!p2 $0x0  }
0x1d: {  	s5 =	simm.s32 @p1 $0x1;
	p0 =	seq.s32 s7, s2  }
0x1e: {  	s7 =	smul.u32 @!p0 $0xF7A, s2;
	p2 =	seq.s32 @!p0 s5, $0x0  }
0x1f: {  	s9 =	smul.u32 $0xF7A, s1;
	s8 =	simm.s32 @!p0 $0x1BF5;
	p2 =	por !p2, p0  }
0x20: {  	[sflag:s8] =	ssyncset.s32 @!p0 $0xFFFFF086;
	s6 =	sadd.s32 @!p0 s3, s7;
	s7 =	simm.s32 @!p0 $0x108  }
0x21: {  	s3 =	sadd.s32 s3, s9;
	s6 =	sadd.s32 @!p0 $0x88, s6;
	s7 =	simm.s32 @p2 $0x1082  }
0x22: {  	[simem:s7], [sflag:s8] =	dma.local @!p0 [hbm:s6], $0xF7A  }
0x23: {  	s9 =	sor.u32 $0xD0000000, s2;
	s6 =	simm.s32 $0x108;
	_ =	swait.ge @!p0 [sflag:s8], $0x0  }
0x24: {  	s3 =	sadd.s32 $0x88, s3;
	s6 =	simm.s32 @!p1 $0x1082;
	[sflag:s4] =	ssyncset.s32 $0xFFFFF086  }
0x25: {  	[simem:s6], [sflag:s4] =	dma.local [hbm:s3], $0xF7A  }
0x26: {  	[smem:$0x3F95] =	sst s1;
	(tag) =	ssettag s2;
	_ =	strace s9  }
0x27: {  	s1 =	sld [smem:$0x3FA5]  }
0x28: {  	s2 =	sld [smem:$0x3FA6]  }
0x29: {  	s4 =	sld [smem:$0x3FA8]  }
0x2a: {  	p0 =	seq.s32 s5, $0x0;
	s5 =	sld [smem:$0x3FA9]  }
0x2b: {  	s6 =	sld [smem:$0x3FAA]  }
0x2c: {  	s7 =	sld [smem:$0x3FAB]  }
0x2d: {  	s3 =	simm.s32 $0x108;
	s8 =	sld [smem:$0x3FAC]  }
0x2e: {  	s3 =	simm.s32 @!p0 $0x1082;
	s9 =	sld [smem:$0x3FAD]  }
0x2f: {  	lr =	sadd.s32 s0, s3;
	s0 =	sld [smem:$0x3FA4]  }
0x30: {  	s3 =	sld [smem:$0x3FA7]  }
0x31: {  	[smem:$0x3FB0] =	sst s10  }
0x32: {  	s10 =	sld [smem:$0x3FAE];
	_ =	sdelay $0x3  }
0x33: {  	p0 =	seq.s32 s10, $0x1;
	s10 =	sld [smem:$0x3FB0];
	_ =	sdelay $0x3  }
0x34: {  	[smem:$0x3FB0] =	sst s10  }
0x35: {  	s10 =	sld [smem:$0x3FAF];
	_ =	sdelay $0x3  }
0x36: {  	p1 =	seq.s32 s10, $0x1;
	s10 =	sld [smem:$0x3FB0];
	_ =	sdelay $0x3  }
0x37: {  	[smem:$0x3FB0] =	sst s10  }
0x38: {  	s10 =	sld [smem:$0x3FB1]  }
0x39: {  	_ = 	snop;
	(pc) =	sbr.ind lr, $3  }
0x3a: {  	_ = 	snop  }
0x3b: {  	_ = 	snop  }
0x3c: {  	p2 =	seq.s32 s10, $0x1;
	s10 =	sld [smem:$0x3FB0]  }
0x3d: {  	_ =	shalt  }
0x3e: {  	_ =	shalt  }
0x3f: {  	_ =	shalt  }
0x40: {  	_ =	shalt  }
0x41: {  	_ =	shalt  }
0x42: {  	_ =	shalt  }
0x43: {  	_ =	shalt  }
0x44: {  	_ =	shalt  }
0x45: {  	_ =	shalt  }
0x46: {  	_ =	shalt  }
0x47: {  	_ =	shalt  }
0x48: {  	_ =	shalt  }
0x49: {  	_ =	shalt  }
0x4a: {  	_ =	shalt  }
0x4b: {  	_ =	shalt  }
0x4c: {  	_ =	shalt  }
0x4d: {  	_ =	shalt  }
0x4e: {  	_ =	shalt  }
0x4f: {  	_ =	shalt  }
0x50: {  	_ =	shalt  }
0x51: {  	_ =	shalt  }
0x52: {  	_ =	shalt  }
0x53: {  	_ =	shalt  }
0x54: {  	_ =	shalt  }
0x55: {  	_ =	shalt  }
0x56: {  	_ =	shalt  }
0x57: {  	_ =	shalt  }
0x58: {  	_ =	shalt  }
0x59: {  	_ =	shalt  }
0x5a: {  	_ =	shalt  }
0x5b: {  	_ =	shalt  }
0x5c: {  	_ =	shalt  }
0x5d: {  	_ =	shalt  }
0x5e: {  	_ =	shalt  }
0x5f: {  	_ =	shalt  }
0x60: {  	_ =	shalt  }
0x61: {  	_ =	shalt  }
0x62: {  	_ =	shalt  }
0x63: {  	_ =	shalt  }
0x64: {  	_ =	shalt  }
0x65: {  	_ =	shalt  }
0x66: {  	_ =	shalt  }
0x67: {  	_ =	shalt  }
0x68: {  	_ =	shalt  }
0x69: {  	_ =	shalt  }
0x6a: {  	_ =	shalt  }
0x6b: {  	_ =	shalt  }
0x6c: {  	_ =	shalt  }
0x6d: {  	_ =	shalt  }
0x6e: {  	_ =	shalt  }
0x6f: {  	_ =	shalt  }
0x70: {  	_ =	shalt  }
0x71: {  	_ =	shalt  }
0x72: {  	_ =	shalt  }
0x73: {  	_ =	shalt  }
0x74: {  	_ =	shalt  }
0x75: {  	_ =	shalt  }
0x76: {  	_ =	shalt  }
0x77: {  	_ =	shalt  }
0x78: {  	_ =	shalt  }
0x79: {  	_ =	shalt  }
0x7a: {  	_ =	shalt  }
0x7b: {  	_ =	shalt  }
0x7c: {  	_ =	shalt  }
0x7d: {  	_ =	shalt  }
0x7e: {  	_ =	shalt  }
0x7f: {  	_ =	shalt  }
0x80: {  	_ =	shalt  }
0x81: {  	_ =	shalt  }
0x82: {  	_ =	shalt  }
0x83: {  	_ =	shalt  }
0x84: {  	_ =	shalt  }
0x85: {  	_ =	shalt  }
0x86: {  	_ =	shalt  }
0x87: {  	_ =	shalt  }
.Lfunc_end0:
.L_simem_size_0:
called_computation.6_lowered:
.L_overlay_start_0:
0x88: {  	s2 =	sld [smem:$0x3FD9]  }
0x89: {  	s3 =	sld [smem:$0x3FFE];
	_ =	sdelay $0x1  }
0x8a: {  	s1 =	srdreg.scid  }
0x8b: {  	s0 =	sand.u32 $0x1, s1  }
0x8c: {  	s17 =	sshll.u32 s0, $0xA;
	s2 =	sadd.s32 s3, s2  }
0x8d: {  	s2 =	sadd.s32 s2, s17  }
0x8e: {  	[smem:$0x3FBC] =	sst s2  }
0x8f: {  	_ = 	snop  }
0x90: {  	s18 =	sld [smem:$0x3FD0];
	(tm) =	ssettm $0x1  }
0x91: {  	s19 =	sld [smem:$0x3FFB];
	_ =	sdelay $0x3  }
0x92: {  	_ =	strace s19  }
0x93: {  	s2 =	sld [smem:$0x3FFC];
	_ =	sdelay $0x3  }
0x94: {  	_ =	strace s2  }
0x95: {  	s2 =	sld [smem:$0x3FFD];
	_ =	sdelay $0x3  }
0x96: {  	_ =	strace s2  }
0x97: {  	_ =	strace $0x8FFFFFFF  }
0x98: {  	s20 =	sld [smem:$0x3FDB];
	_ =	sdelay $0x1  }
0x99: {  	s4 =	simm.s32 $_scs_section_size  }
0x9a: {  	s5 =	simm.s32 $_size__tile_overlayer_lowered;
	s6 =	simm.s32 $_tile_overlayer_lowered  }
0x9b: {  	s7 =	simm.s32 $0x1BFF;
	s21 =	sshll.u32 s6, $0x1;
	s4 =	sadd.s32 s4, s20  }
0x9c: {  	s22 =	simm.s32 $0x0;
	s5 =	sshll.u32 s5, $0x1;
	s6 =	sadd.s32 s21, s4  }
0x9d: {  	[timem:s22], [sflag:s7] =	dma.local [hbm:s6], s5  }
0x9e: {  	_ =	swait.ge [sflag:s7], s5  }
0x9f: {  	s5 =	ssub.s32 $0x0, s5;
	[sflag:s7] =	ssyncset.done $0x0  }
0xa0: {  	[sflag:s7] =	ssyncadd.s32 s5;
	_ =	sdelay $0x1  }
0xa1: {  	s23 =	simm.s32 $0x1B8B  }
0xa2: {  	_ =	swait.ge [sflag:s23], $0x1  }
0xa3: {  	[sflag:s23] =	ssyncset.done $0x0  }
0xa4: {  	[sflag:s23] =	ssyncadd.s32 $0xFFFFFFFF  }
0xa5: {  	s5 =	sld [smem:$0x0]  }
0xa6: {  	s6 =	sand.u32 $0xFFFFFFFE, s1  }
0xa7: {  	p0 =	sne.s32 s1, s6  }
0xa8: {  	s6 =	sshll.u32 @p0 s6, $0xE  }
0xa9: {  	s6 =	sadd.s32 @p0 $0x11B8D, s6;
	s7 =	sshll.u32 @p0 s5, $0x11  }
0xaa: {  	s6 =	sor.u32 @p0 s7, s6  }
0xab: {  	[sflag:s6] =	ssyncadd.remote.s32 @p0 $0x1;
	_ =	sdelay $0x1  }
0xac: {  	s6 =	simm.s32 @p0 $0x1B8D  }
0xad: {  	_ =	swait.eq @p0 [sflag:s6], $0x1  }
0xae: {  	[sflag:s6] =	ssyncadd.s32 @p0 $0xFFFFFFFF  }
0xaf: {  	s7 =	sshll.u32 @!p0 s1, $0xE  }
0xb0: {  	s7 =	sor.u32 @!p0 $0x4000, s7;
	s6 =	simm.s32 @!p0 $0x1B8D  }
0xb1: {  	s5 =	sshll.u32 @!p0 s5, $0x11;
	s7 =	sadd.s32 @!p0 $0x11B8D, s7;
	_ =	swait.eq @!p0 [sflag:s6], $0x1  }
0xb2: {  	s5 =	sor.u32 @!p0 s5, s7;
	[sflag:s6] =	ssyncadd.s32 @!p0 $0xFFFFFFFF  }
0xb3: {  	s25 =	simm.s32 $0x1B8E;
	s24 =	sld [smem:$0x3FFE];
	[sflag:s5] =	ssyncadd.remote.s32 @!p0 $0x1  }
0xb4: {  	s26 =	simm.s32 $execute0_lowered;
	[smem:$0x3FD2] =	sst s25  }
0xb5: {  	s6 =	sshll.u32 s26, $0x1;
	_ =	strace $0x80000058;
	[dreg:$0x1] =	wrdreg $0xFFFFFFFF  }
0xb6: {  	s28 =	simm.s32 $_size_execute0_lowered;
	s4 =	sadd.s32 s4, s6;
	[dreg:$0x0] =	wrdreg $0x0  }
0xb7: {  	s6 =	sshll.u32 s28, $0x1;
	[dreg:$0x2] =	wrdreg s4  }
0xb8: {  	[dreg:$0x3] =	wrdreg s6  }
0xb9: {  	[dreg:$0x4] =	wrdreg $0xC0  }
0xba: {  	_ =	task [dreg:s22], $0x5FFFF  }
0xbb: {  	[dreg:$0x1] =	wrdreg $0xFFFFFFFF  }
0xbc: {  	[dreg:$0x0] =	wrdreg $0x60  }
0xbd: {  	[dreg:$0x2] =	wrdreg s24  }
0xbe: {  	[dreg:$0x3] =	wrdreg s18  }
0xbf: {  	[dreg:$0x4] =	wrdreg $0xB  }
0xc0: {  	_ =	task.clear_ibuf [dreg:s22], $0x5FFFF;
	_ =	strace $0x90000058  }
0xc1: {  	s29 =	simm.s32 $0xB;
	_ =	strace $0x8000005A  }
0xc2: {  	_ =	swait.ge [sflag:s29], $0x1  }
0xc3: {  	[sflag:s29] =	ssyncadd.s32 $0xFFFFFFFF  }
0xc4: {  	_ =	strace $0x9000005A  }
0xc5: {  	_ =	sfence  }
0xc6: {  	s30 =	sld [smem:$0x0];
	_ =	sdelay $0x2  }
0xc7: {  	s31 =	sshll.u32 s1, $0xD;
	s1 =	sshrl.u32 s1, $0x2  }
0xc8: {  	s4 =	sand.u32 $0x4000, s31;
	s1 =	sadd.s32 s1, s30  }
0xc9: {  	s0 =	sor.u32 s4, s0;
	s1 =	sshll.u32 s1, $0x11  }
0xca: {  	s0 =	sor.u32 s1, s0  }
0xcb: {  	s0 =	sadd.s32 $0x8F2B, s0  }
0xcc: {  	[sflag:s0] =	ssyncadd.remote.s32 $0x1  }
0xcd: {  	_ =	sfence.sel $0xFFFF  }
0xce: {  	[dreg:$0x0] =	wrdreg $0xFFFFFFFF;
	(pc) =	sbr.abs _section_cstart, $3  }
0xcf: {  	[dreg:$0x1] =	wrdreg $0xFFFFFFFF  }
0xd0: {  	_ =	task.clear_ibuf [dreg:s22], $0x2FFFF;
	_ =	strace $0x9FFFFFFF  }
0xd1: {  	(tm) =	ssettm $0x7FFFFFFF  }
tec
execute0_lowered:
.L_overlay_start_1:
0x0: {  	(tag) =	ssettag $0x1  }
0x1: {  	s0 =	rddreg [dreg:$0x0];
	s1 =	srdreg.scid  }
0x2: {  	s10 =	stileid.u32;
	s4 =	rddreg [dreg:$0x1]  }
0x3: {  	s2 =	simm.s32 $0x0;
	s11 =	simm.s32 $0x6400;
	s12 =	simm.s32 $0x7400  }
0x4: {  	s14 =	simm.s32 $0x8400;
	s16 =	simm.s32 $0x9400;
	s18 =	simm.s32 $0xA400  }
0x5: {  	s19 =	simm.s32 $0xB400;
	s20 =	simm.s32 $0xC400;
	s21 =	simm.s32 $0xD400  }
0x6: {  	s22 =	simm.s32 $0xE400;
	s23 =	simm.s32 $0xF400;
	s8 =	smul.u32 $0x32000, s10  }
0x7: {  	s1 =	sand.u32 $0x1, s1;
	s3 =	sshll.u32 s10, $0x1;
	s10 =	smul.u32 $0xC800, s10  }
0x8: {  	s24 =	simm.s32 $0x1;
	s29 =	simm.s32 $0x6280;
	s25 =	smul.u32 $0x6400, s1  }
0x9: {  	s3 =	sor.u32 s1, s3;
	s7 =	ssub.s32 $0x2, s1;
	s1 =	smul.u32 $0x19000, s1  }
0xa: {  	s30 =	simm.s32 $0x6300;
	[smem:$0x7FF] =	sst s2;
	s5 =	smul.u32 $0x6400, s3  }
0xb: {  	s31 =	simm.s32 $0x6380;
	_ =	strace $0x80000059;
	s6 =	smul.u32 $0x19000, s3  }
0xc: {  	s3 =	sadd.s32 $0x19B7000, s0;
	s0 =	sadd.s32 $0xD82000, s0;
	s9 =	sshrl.u32 s7, $0x1  }
0xd: {  	s7 =	ssub.s32 s7, s9;
	s8 =	sadd.s32 s8, s0;
	s9 =	sadd.s32 s25, s10  }
0xe: {  	s10 =	simm.s32 $0x80;
	s25 =	simm.s32 $0x2;
	s5 =	sshrl.u32 s5, $0x3  }
0xf: {  	s26 =	sadd.s32 s0, s6;
	s1 =	sadd.s32 s1, s8;
	s28 =	sshll.u32 s9, $0x2  }
0x10: {  	s9 =	simm.s32 $0x3;
	s4 =	sadd.s32 s4, s5;
	s5 =	smax.u32 s7, $0x1  }
0x11: {  	s6 =	sadd.s32 $0x17C00, s26;
	s7 =	sadd.s32 $0x18600, s26;
	s0 =	sadd.s32 s28, s0  }
0x12: {  	[dreg:$0x3] =	wrdreg s1;
	s1 =	simm.s32 $0x0;
	s8 =	sadd.s32 $0xA00, s0  }
.LBB2_1:
0x13: {  	[tilespmem:s2], [sflag:$0x3] =	stream.linear.gather [hbm4b:s4+s2], $0x6400, $0x38;
	[tilespmem:$0x10400] =	vst v63  }
0x14: {  	_ =	swait.ge [sflag:s9], $0x6400  }
0x15: {  	[sflag:s9] =	ssyncset.done $0x0  }
0x16: {  	[sflag:s9] =	ssyncadd.s32 $0xFFFF9C00  }
0x17: {  	[tilespmem:s11], [sflag:$0x1] =	stream.indirect.gather [hbm4b:s3+s10], $0x20, s2, s10, $0xb8;
	[tilespmem:$0x10400] =	vst v63  }
0x18: {  	_ = 	snop  }
0x19: {  	[tilespmem:s12], [sflag:$0x1] =	stream.indirect.gather [hbm4b:s3+s10], $0x20, s10, s10, $0xb8;
	[tilespmem:$0x10400] =	vst v63  }
0x1a: {  	s0 =	simm.s32 $0x100  }
0x1b: {  	[tilespmem:s14], [sflag:$0x1] =	stream.indirect.gather [hbm4b:s3+s10], $0x20, s0, s10, $0xb8;
	[tilespmem:$0x10400] =	vst v63  }
0x1c: {  	s15 =	simm.s32 $0x180  }
0x1d: {  	[tilespmem:s16], [sflag:$0x1] =	stream.indirect.gather [hbm4b:s3+s10], $0x20, s15, s10, $0xb8;
	[tilespmem:$0x10400] =	vst v63  }
0x1e: {  	s17 =	simm.s32 $0x200  }
0x1f: {  	[tilespmem:s18], [sflag:$0x1] =	stream.indirect.gather [hbm4b:s3+s10], $0x20, s17, s10, $0xb8;
	[tilespmem:$0x10400] =	vst v63  }
0x20: {  	s26 =	simm.s32 $0x280  }
0x21: {  	[tilespmem:s19], [sflag:$0x2] =	stream.indirect.gather [hbm4b:s3+s10], $0x20, s26, s10, $0xb8;
	[tilespmem:$0x10400] =	vst v63  }
0x22: {  	s28 =	simm.s32 $0x300  }
0x23: {  	[tilespmem:s20], [sflag:$0x2] =	stream.indirect.gather [hbm4b:s3+s10], $0x20, s28, s10, $0xb8;
	[tilespmem:$0x10400] =	vst v63  }
0x24: {  	s13 =	simm.s32 $0x380  }
0x25: {  	[tilespmem:s21], [sflag:$0x2] =	stream.indirect.gather [hbm4b:s3+s10], $0x20, s13, s10, $0xb8;
	[tilespmem:$0x10400] =	vst v63  }
0x26: {  	s15 =	simm.s32 $0x400  }
0x27: {  	[tilespmem:s22], [sflag:$0x2] =	stream.indirect.gather [hbm4b:s3+s10], $0x20, s15, s10, $0xb8;
	[tilespmem:$0x10400] =	vst v63  }
0x28: {  	s17 =	simm.s32 $0x480  }
0x29: {  	[tilespmem:s23], [sflag:$0x2] =	stream.indirect.gather [hbm4b:s3+s10], $0x20, s17, s10, $0xb8;
	[tilespmem:$0x10400] =	vst v63  }
0x2a: {  	_ =	swait.ge [sflag:s24], $0x5000  }
0x2b: {  	s26 =	rddreg [dreg:$0x3];
	[sflag:s24] =	ssyncset.done $0x0  }
0x2c: {  	[sflag:s24] =	ssyncadd.s32 $0xFFFFB000;
	s0 =	sadd.s32 $0x0, s26  }
0x2d: {  	[hbm4b:s0+s2] =	stream.linear.scatter [tilespmem:s11], [sflag:$0x3], $0x5000, $0x38;
	[tilespmem:$0x10400] =	vst v63  }
0x2e: {  	_ =	swait.ge [sflag:s9], $0x5000  }
0x2f: {  	[sflag:s9] =	ssyncset.done $0x0  }
0x30: {  	s28 =	simm.s32 $0x500;
	[sflag:s9] =	ssyncadd.s32 $0xFFFFB000  }
0x31: {  	[tilespmem:s11], [sflag:$0x1] =	stream.indirect.gather [hbm4b:s3+s10], $0x20, s28, s10, $0xb8;
	[tilespmem:$0x10400] =	vst v63  }
0x32: {  	s13 =	simm.s32 $0x580  }
0x33: {  	[tilespmem:s12], [sflag:$0x1] =	stream.indirect.gather [hbm4b:s3+s10], $0x20, s13, s10, $0xb8;
	[tilespmem:$0x10400] =	vst v63  }
0x34: {  	s15 =	simm.s32 $0x600  }
0x35: {  	[tilespmem:s14], [sflag:$0x1] =	stream.indirect.gather [hbm4b:s3+s10], $0x20, s15, s10, $0xb8;
	[tilespmem:$0x10400] =	vst v63  }
0x36: {  	s17 =	simm.s32 $0x680  }
0x37: {  	[tilespmem:s16], [sflag:$0x1] =	stream.indirect.gather [hbm4b:s3+s10], $0x20, s17, s10, $0xb8;
	[tilespmem:$0x10400] =	vst v63  }
0x38: {  	s26 =	simm.s32 $0x700  }
0x39: {  	[tilespmem:s18], [sflag:$0x1] =	stream.indirect.gather [hbm4b:s3+s10], $0x20, s26, s10, $0xb8;
	[tilespmem:$0x10400] =	vst v63  }
0x3a: {  	_ =	swait.ge [sflag:s25], $0x5000  }
0x3b: {  	[sflag:s25] =	ssyncset.done $0x0  }
0x3c: {  	s28 =	sadd.s32 $0x0, s8;
	[sflag:s25] =	ssyncadd.s32 $0xFFFFB000  }
0x3d: {  	[hbm4b:s28+s2] =	stream.linear.scatter [tilespmem:s19], [sflag:$0x3], $0x5000, $0x38;
	[tilespmem:$0x10400] =	vst v63  }
0x3e: {  	s0 =	simm.s32 $0x1400;
	_ =	swait.ge [sflag:s9], $0x5000  }
0x3f: {  	s13 =	simm.s32 $0x500;
	s15 =	simm.s32 $0x2800;
	[sflag:s9] =	ssyncset.done $0x0  }
.LBB2_2:
0x40: {  	s28 =	sadd.s32 $0x280, s13;
	[sflag:s9] =	ssyncadd.s32 $0xFFFFB000  }
0x41: {  	[tilespmem:s19], [sflag:$0x2] =	stream.indirect.gather [hbm4b:s3+s10], $0x20, s28, s10, $0xb8;
	[tilespmem:$0x10400] =	vst v63  }
0x42: {  	s28 =	sadd.s32 $0x300, s13  }
0x43: {  	[tilespmem:s20], [sflag:$0x2] =	stream.indirect.gather [hbm4b:s3+s10], $0x20, s28, s10, $0xb8;
	[tilespmem:$0x10400] =	vst v63  }
0x44: {  	s28 =	sadd.s32 $0x380, s13  }
0x45: {  	[tilespmem:s21], [sflag:$0x2] =	stream.indirect.gather [hbm4b:s3+s10], $0x20, s28, s10, $0xb8;
	[tilespmem:$0x10400] =	vst v63  }
0x46: {  	s28 =	sadd.s32 $0x400, s13  }
0x47: {  	[tilespmem:s22], [sflag:$0x2] =	stream.indirect.gather [hbm4b:s3+s10], $0x20, s28, s10, $0xb8;
	[tilespmem:$0x10400] =	vst v63  }
0x48: {  	s28 =	sadd.s32 $0x480, s13  }
0x49: {  	[tilespmem:s23], [sflag:$0x2] =	stream.indirect.gather [hbm4b:s3+s10], $0x20, s28, s10, $0xb8;
	[tilespmem:$0x10400] =	vst v63  }
0x4a: {  	s17 =	smov.u32 s15;
	_ =	swait.ge [sflag:s24], $0x5000  }
0x4b: {  	s26 =	sadd.s32 $0x1400, s15;
	s28 =	rddreg [dreg:$0x3];
	[sflag:s24] =	ssyncset.done $0x0  }
0x4c: {  	p0 =	sne.s32 s15, $0x16800;
	[sflag:s24] =	ssyncadd.s32 $0xFFFFB000;
	s15 =	sadd.s32 s0, s28  }
0x4d: {  	[hbm4b:s15+s2] =	stream.linear.scatter [tilespmem:s11], [sflag:$0x3], $0x5000, $0x38;
	[tilespmem:$0x10400] =	vst v63  }
0x4e: {  	_ =	swait.ge [sflag:s9], $0x5000  }
0x4f: {  	[sflag:s9] =	ssyncset.done $0x0  }
0x50: {  	s28 =	sadd.s32 $0x500, s13;
	[sflag:s9] =	ssyncadd.s32 $0xFFFFB000  }
0x51: {  	[tilespmem:s11], [sflag:$0x1] =	stream.indirect.gather [hbm4b:s3+s10], $0x20, s28, s10, $0xb8;
	[tilespmem:$0x10400] =	vst v63  }
0x52: {  	s28 =	sadd.s32 $0x580, s13  }
0x53: {  	[tilespmem:s12], [sflag:$0x1] =	stream.indirect.gather [hbm4b:s3+s10], $0x20, s28, s10, $0xb8;
	[tilespmem:$0x10400] =	vst v63  }
0x54: {  	s28 =	sadd.s32 $0x600, s13  }
0x55: {  	[tilespmem:s14], [sflag:$0x1] =	stream.indirect.gather [hbm4b:s3+s10], $0x20, s28, s10, $0xb8;
	[tilespmem:$0x10400] =	vst v63  }
0x56: {  	s28 =	sadd.s32 $0x680, s13  }
0x57: {  	[tilespmem:s16], [sflag:$0x1] =	stream.indirect.gather [hbm4b:s3+s10], $0x20, s28, s10, $0xb8;
	[tilespmem:$0x10400] =	vst v63  }
0x58: {  	s15 =	sadd.s32 $0x700, s13  }
0x59: {  	[tilespmem:s18], [sflag:$0x1] =	stream.indirect.gather [hbm4b:s3+s10], $0x20, s15, s10, $0xb8;
	[tilespmem:$0x10400] =	vst v63  }
0x5a: {  	_ =	swait.ge [sflag:s25], $0x5000  }
.Ltmp0:
0x5b: {  	[sflag:s25] =	ssyncset.done $0x0;
	(pc) =	sbr.rel @p0 .LBB2_2-.Ltmp0, $4  }
0x5c: {  	s28 =	sadd.s32 s0, s8;
	[sflag:s25] =	ssyncadd.s32 $0xFFFFB000  }
0x5d: {  	[hbm4b:s28+s2] =	stream.linear.scatter [tilespmem:s19], [sflag:$0x3], $0x5000, $0x38;
	[tilespmem:$0x10400] =	vst v63  }
0x5e: {  	s0 =	smov.u32 s17;
	_ =	swait.ge [sflag:s9], $0x5000  }
0x5f: {  	s13 =	sshra.s32 s0, $0x2;
	s15 =	smov.u32 s26;
	[sflag:s9] =	ssyncset.done $0x0  }
0x60: {  	s15 =	sadd.s32 $0x280, s13;
	[sflag:s9] =	ssyncadd.s32 $0xFFFFB000  }
0x61: {  	[tilespmem:s19], [sflag:$0x2] =	stream.indirect.gather [hbm4b:s3+s10], $0x20, s15, s10, $0xb8;
	[tilespmem:$0x10400] =	vst v63  }
0x62: {  	s17 =	sadd.s32 $0x300, s13  }
0x63: {  	[tilespmem:s20], [sflag:$0x2] =	stream.indirect.gather [hbm4b:s3+s10], $0x20, s17, s10, $0xb8;
	[tilespmem:$0x10400] =	vst v63  }
0x64: {  	s26 =	sadd.s32 $0x380, s13  }
0x65: {  	[tilespmem:s21], [sflag:$0x2] =	stream.indirect.gather [hbm4b:s3+s10], $0x20, s26, s10, $0xb8;
	[tilespmem:$0x10400] =	vst v63  }
0x66: {  	s28 =	sadd.s32 $0x400, s13  }
0x67: {  	[tilespmem:s22], [sflag:$0x2] =	stream.indirect.gather [hbm4b:s3+s10], $0x20, s28, s10, $0xb8;
	[tilespmem:$0x10400] =	vst v63  }
0x68: {  	s17 =	sadd.s32 $0x480, s13  }
0x69: {  	[tilespmem:s23], [sflag:$0x2] =	stream.indirect.gather [hbm4b:s3+s10], $0x20, s17, s10, $0xb8;
	[tilespmem:$0x10400] =	vst v63  }
0x6a: {  	_ =	swait.ge [sflag:s24], $0x5000  }
0x6b: {  	s26 =	rddreg [dreg:$0x3];
	[sflag:s24] =	ssyncset.done $0x0  }
0x6c: {  	[sflag:s24] =	ssyncadd.s32 $0xFFFFB000;
	s15 =	sadd.s32 s0, s26  }
0x6d: {  	[hbm4b:s15+s2] =	stream.linear.scatter [tilespmem:s11], [sflag:$0x3], $0x5000, $0x38;
	[tilespmem:$0x10400] =	vst v63  }
0x6e: {  	_ =	swait.ge [sflag:s9], $0x5000  }
0x6f: {  	[sflag:s9] =	ssyncset.done $0x0  }
0x70: {  	s28 =	sadd.s32 $0x500, s13;
	[sflag:s9] =	ssyncadd.s32 $0xFFFFB000  }
0x71: {  	[tilespmem:s11], [sflag:$0x1] =	stream.indirect.gather [hbm4b:s3+s10], $0x20, s28, s10, $0xb8;
	[tilespmem:$0x10400] =	vst v63  }
0x72: {  	s17 =	sadd.s32 $0x580, s13  }
0x73: {  	[tilespmem:s12], [sflag:$0x1] =	stream.indirect.gather [hbm4b:s3+s10], $0x20, s17, s10, $0xb8;
	[tilespmem:$0x10400] =	vst v63  }
0x74: {  	s26 =	sadd.s32 $0x600, s13  }
0x75: {  	[tilespmem:s14], [sflag:$0x1] =	stream.indirect.gather [hbm4b:s3+s10], $0x20, s26, s10, $0xb8;
	[tilespmem:$0x10400] =	vst v63  }
0x76: {  	s28 =	sadd.s32 $0x680, s13  }
0x77: {  	[tilespmem:s16], [sflag:$0x1] =	stream.indirect.gather [hbm4b:s3+s10], $0x20, s28, s10, $0xb8;
	[tilespmem:$0x10400] =	vst v63  }
0x78: {  	s15 =	sadd.s32 $0x700, s13  }
0x79: {  	[tilespmem:s18], [sflag:$0x1] =	stream.indirect.gather [hbm4b:s3+s10], $0x20, s15, s10, $0xb8;
	[tilespmem:$0x10400] =	vst v63  }
0x7a: {  	_ =	swait.ge [sflag:s25], $0x5000  }
0x7b: {  	[sflag:s25] =	ssyncset.done $0x0  }
0x7c: {  	s17 =	sadd.s32 s0, s8;
	[sflag:s25] =	ssyncadd.s32 $0xFFFFB000  }
0x7d: {  	[hbm4b:s17+s2] =	stream.linear.scatter [tilespmem:s19], [sflag:$0x3], $0x5000, $0x38;
	[tilespmem:$0x10400] =	vst v63  }
0x7e: {  	_ =	swait.ge [sflag:s9], $0x5000  }
0x7f: {  	[sflag:s9] =	ssyncset.done $0x0  }
0x80: {  	s26 =	simm.s32 $0x6180;
	[sflag:s9] =	ssyncadd.s32 $0xFFFFB000  }
0x81: {  	[tilespmem:s19], [sflag:$0x2] =	stream.indirect.gather [hbm4b:s3+s10], $0x20, s26, s10, $0xb8;
	[tilespmem:$0x10400] =	vst v63  }
0x82: {  	s28 =	simm.s32 $0x6200  }
0x83: {  	[tilespmem:s20], [sflag:$0x2] =	stream.indirect.gather [hbm4b:s3+s10], $0x20, s28, s10, $0xb8;
	[tilespmem:$0x10400] =	vst v63  }
0x84: {  	_ = 	snop  }
0x85: {  	[tilespmem:s21], [sflag:$0x2] =	stream.indirect.gather [hbm4b:s3+s10], $0x20, s29, s10, $0xb8;
	[tilespmem:$0x10400] =	vst v63  }
0x86: {  	_ = 	snop  }
0x87: {  	[tilespmem:s22], [sflag:$0x2] =	stream.indirect.gather [hbm4b:s3+s10], $0x20, s30, s10, $0xb8;
	[tilespmem:$0x10400] =	vst v63  }
0x88: {  	_ = 	snop  }
0x89: {  	[tilespmem:s23], [sflag:$0x2] =	stream.indirect.gather [hbm4b:s3+s10], $0x20, s31, s10, $0xb8;
	[tilespmem:$0x10400] =	vst v63  }
0x8a: {  	_ =	swait.ge [sflag:s24], $0x5000  }
0x8b: {  	[sflag:s24] =	ssyncset.done $0x0  }
0x8c: {  	[sflag:s24] =	ssyncadd.s32 $0xFFFFB000  }
0x8d: {  	[hbm4b:s6+s2] =	stream.linear.scatter [tilespmem:s11], [sflag:$0x3], $0x5000, $0x38;
	[tilespmem:$0x10400] =	vst v63  }
0x8e: {  	_ =	swait.ge [sflag:s9], $0x5000  }
0x8f: {  	[sflag:s9] =	ssyncset.done $0x0  }
0x90: {  	[sflag:s9] =	ssyncadd.s32 $0xFFFFB000  }
0x91: {  	s1 =	sadd.s32 $0x1, s1;
	_ =	swait.ge [sflag:s25], $0x5000  }
0x92: {  	p0 =	sne.s32 s1, s5;
	[sflag:s25] =	ssyncset.done $0x0  }
.Ltmp1:
0x93: {  	[sflag:s25] =	ssyncadd.s32 $0xFFFFB000;
	(pc) =	sbr.rel @p0 .LBB2_1-.Ltmp1, $4  }
0x94: {  	[hbm4b:s7+s2] =	stream.linear.scatter [tilespmem:s19], [sflag:$0x3], $0x5000, $0x38;
	[tilespmem:$0x10400] =	vst v63  }
0x95: {  	_ =	swait.ge [sflag:s9], $0x5000  }
0x96: {  	[sflag:s9] =	ssyncset.done $0x0  }
0x97: {  	[sflag:s9] =	ssyncadd.s32 $0xFFFFB000  }
0x98: {  	_ =	sfence.sel $0x180000  }
0x99: {  	[bflag:$0x0] =	sbarrier.arrive $0xFFFF  }
0x9a: {  	_ =	strace $0x90000059  }
0x9b: {  	s0 =	stileid.u32;
	[bflag:$0x2] =	sbarrier.arrive $0xFFFF  }
0x9c: {  	p0 =	sne.s32 s0, $0x0;
	s0 =	rddreg [dreg:$0x2]  }
0x9d: {  	s0 =	sadd.s32 @!p0 $0x100000, s0  }
0x9e: {  	[sflag:s0] =	ssyncadd.tile.s32 @!p0 $0x1;
	_ =	shalt  }
.Lfunc_end2:
_tile_overlayer_lowered:
.L_overlay_start_2:
0x9f: {  	(tag) =	ssettag $0x2  }
0xa0: {  	s0 =	rddreg [dreg:$0x0];
	s2 =	stileid.u32  }
0xa1: {  	s1 =	rddreg [dreg:$0x1];
	p0 =	sne.s32 s2, $0x0  }
0xa2: {  	s3 =	rddreg [dreg:$0x2];
	[bflag:$0x3] =	sbarrier.arrive $0xFFFF;
	s2 =	simm.s32 @!p0 $0x1C03  }
0xa3: {  	[timem:s3], [sflag:s2] =	dma.local @!p0 [hbm:s0], s1  }
0xa4: {  	s0 =	simm.s32 @!p0 $0x3  }
0xa5: {  	_ =	swait.ge @!p0 [sflag:s0], s1  }
0xa6: {  	s1 =	ssub.s32 @!p0 $0x0, s1;
	[sflag:s0] =	ssyncset.done @!p0 $0x0  }
0xa7: {  	[sflag:s0] =	ssyncadd.s32 @!p0 s1  }
0xa8: {  	[bflag:$0x3] =	sbarrier.arrive $0xFFFF  }
0xa9: {  	_ =	shalt  }

// kernel: scatter_offload_async_start
scs
__scs_entry_jumppad:
0x0: {  	(pc) =	sbr.rel $0x88, $3  }
0x1: {  	(tag) =	ssettag $0x0;
	lr =	simm.s32 $0x1  }
0x2: {  	[smem:$0x3F95] =	sst lr;
	_ =	strace $0xD0000000  }
0x3: {  	_ = 	snop  }
0x4: {  	_ = 	snop  }
0x5: {  	_ = 	snop  }
0x6: {  	_ = 	snop  }
0x7: {  	_ = 	snop  }
__scs_overlays_trampoline_lowered:
0x8: {  	[smem:$0x3FA4] =	sst s0  }
0x9: {  	[smem:$0x3FA5] =	sst s1  }
0xa: {  	[smem:$0x3FA6] =	sst s2  }
0xb: {  	[smem:$0x3FA7] =	sst s3  }
0xc: {  	[smem:$0x3FA8] =	sst s4  }
0xd: {  	[smem:$0x3FA9] =	sst s5  }
0xe: {  	[smem:$0x3FAA] =	sst s6  }
0xf: {  	[smem:$0x3FAB] =	sst s7  }
0x10: {  	[smem:$0x3FAC] =	sst s8  }
0x11: {  	[smem:$0x3FAD] =	sst s9;
	s0 =	simm.s32 @!p0 $0x0  }
0x12: {  	s1 =	sld [smem:$0x3F93];
	s0 =	simm.s32 @p0 $0x1  }
0x13: {  	[smem:$0x3FAE] =	sst s0;
	s0 =	simm.s32 @!p1 $0x0  }
0x14: {  	s2 =	sld [smem:$0x3F92];
	s0 =	simm.s32 @p1 $0x1  }
0x15: {  	[smem:$0x3FAF] =	sst s0;
	s0 =	simm.s32 @!p2 $0x0  }
0x16: {  	s3 =	sld [smem:$0x3FDB];
	s0 =	simm.s32 @p2 $0x1  }
0x17: {  	s4 =	simm.s32 $0x1BF5;
	[smem:$0x3FB1] =	sst s0  }
0x18: {  	s0 =	sld [smem:$0x3F94];
	_ =	swait.ge [sflag:s4], $0x0  }
0x19: {  	s7 =	sld [smem:$0x3F95]  }
0x1a: {  	s8 =	sadd.s32 $0xFFFFE003, lr  }
0x1b: {  	s9 =	sadd.s32 $0xFFFFFEF7, lr;
	s5 =	simm.s32 $0xFFFFFFFF;
	p2 =	slt.u32 s8, $0xFFFFF086  }
0x1c: {  	p1 =	slt.u32 s9, $0xF7A;
	s5 =	simm.s32 @!p2 $0x0  }
0x1d: {  	s5 =	simm.s32 @p1 $0x1;
	p0 =	seq.s32 s7, s2  }
0x1e: {  	s7 =	smul.u32 @!p0 $0xF7A, s2;
	p2 =	seq.s32 @!p0 s5, $0x0  }
0x1f: {  	s9 =	smul.u32 $0xF7A, s1;
	s8 =	simm.s32 @!p0 $0x1BF5;
	p2 =	por !p2, p0  }
0x20: {  	[sflag:s8] =	ssyncset.s32 @!p0 $0xFFFFF086;
	s6 =	sadd.s32 @!p0 s3, s7;
	s7 =	simm.s32 @!p0 $0x108  }
0x21: {  	s3 =	sadd.s32 s3, s9;
	s6 =	sadd.s32 @!p0 $0x88, s6;
	s7 =	simm.s32 @p2 $0x1082  }
0x22: {  	[simem:s7], [sflag:s8] =	dma.local @!p0 [hbm:s6], $0xF7A  }
0x23: {  	s9 =	sor.u32 $0xD0000000, s2;
	s6 =	simm.s32 $0x108;
	_ =	swait.ge @!p0 [sflag:s8], $0x0  }
0x24: {  	s3 =	sadd.s32 $0x88, s3;
	s6 =	simm.s32 @!p1 $0x1082;
	[sflag:s4] =	ssyncset.s32 $0xFFFFF086  }
0x25: {  	[simem:s6], [sflag:s4] =	dma.local [hbm:s3], $0xF7A  }
0x26: {  	[smem:$0x3F95] =	sst s1;
	(tag) =	ssettag s2;
	_ =	strace s9  }
0x27: {  	s1 =	sld [smem:$0x3FA5]  }
0x28: {  	s2 =	sld [smem:$0x3FA6]  }
0x29: {  	s4 =	sld [smem:$0x3FA8]  }
0x2a: {  	p0 =	seq.s32 s5, $0x0;
	s5 =	sld [smem:$0x3FA9]  }
0x2b: {  	s6 =	sld [smem:$0x3FAA]  }
0x2c: {  	s7 =	sld [smem:$0x3FAB]  }
0x2d: {  	s3 =	simm.s32 $0x108;
	s8 =	sld [smem:$0x3FAC]  }
0x2e: {  	s3 =	simm.s32 @!p0 $0x1082;
	s9 =	sld [smem:$0x3FAD]  }
0x2f: {  	lr =	sadd.s32 s0, s3;
	s0 =	sld [smem:$0x3FA4]  }
0x30: {  	s3 =	sld [smem:$0x3FA7]  }
0x31: {  	[smem:$0x3FB0] =	sst s10  }
0x32: {  	s10 =	sld [smem:$0x3FAE];
	_ =	sdelay $0x3  }
0x33: {  	p0 =	seq.s32 s10, $0x1;
	s10 =	sld [smem:$0x3FB0];
	_ =	sdelay $0x3  }
0x34: {  	[smem:$0x3FB0] =	sst s10  }
0x35: {  	s10 =	sld [smem:$0x3FAF];
	_ =	sdelay $0x3  }
0x36: {  	p1 =	seq.s32 s10, $0x1;
	s10 =	sld [smem:$0x3FB0];
	_ =	sdelay $0x3  }
0x37: {  	[smem:$0x3FB0] =	sst s10  }
0x38: {  	s10 =	sld [smem:$0x3FB1]  }
0x39: {  	_ = 	snop;
	(pc) =	sbr.ind lr, $3  }
0x3a: {  	_ = 	snop  }
0x3b: {  	_ = 	snop  }
0x3c: {  	p2 =	seq.s32 s10, $0x1;
	s10 =	sld [smem:$0x3FB0]  }
0x3d: {  	_ =	shalt  }
0x3e: {  	_ =	shalt  }
0x3f: {  	_ =	shalt  }
0x40: {  	_ =	shalt  }
0x41: {  	_ =	shalt  }
0x42: {  	_ =	shalt  }
0x43: {  	_ =	shalt  }
0x44: {  	_ =	shalt  }
0x45: {  	_ =	shalt  }
0x46: {  	_ =	shalt  }
0x47: {  	_ =	shalt  }
0x48: {  	_ =	shalt  }
0x49: {  	_ =	shalt  }
0x4a: {  	_ =	shalt  }
0x4b: {  	_ =	shalt  }
0x4c: {  	_ =	shalt  }
0x4d: {  	_ =	shalt  }
0x4e: {  	_ =	shalt  }
0x4f: {  	_ =	shalt  }
0x50: {  	_ =	shalt  }
0x51: {  	_ =	shalt  }
0x52: {  	_ =	shalt  }
0x53: {  	_ =	shalt  }
0x54: {  	_ =	shalt  }
0x55: {  	_ =	shalt  }
0x56: {  	_ =	shalt  }
0x57: {  	_ =	shalt  }
0x58: {  	_ =	shalt  }
0x59: {  	_ =	shalt  }
0x5a: {  	_ =	shalt  }
0x5b: {  	_ =	shalt  }
0x5c: {  	_ =	shalt  }
0x5d: {  	_ =	shalt  }
0x5e: {  	_ =	shalt  }
0x5f: {  	_ =	shalt  }
0x60: {  	_ =	shalt  }
0x61: {  	_ =	shalt  }
0x62: {  	_ =	shalt  }
0x63: {  	_ =	shalt  }
0x64: {  	_ =	shalt  }
0x65: {  	_ =	shalt  }
0x66: {  	_ =	shalt  }
0x67: {  	_ =	shalt  }
0x68: {  	_ =	shalt  }
0x69: {  	_ =	shalt  }
0x6a: {  	_ =	shalt  }
0x6b: {  	_ =	shalt  }
0x6c: {  	_ =	shalt  }
0x6d: {  	_ =	shalt  }
0x6e: {  	_ =	shalt  }
0x6f: {  	_ =	shalt  }
0x70: {  	_ =	shalt  }
0x71: {  	_ =	shalt  }
0x72: {  	_ =	shalt  }
0x73: {  	_ =	shalt  }
0x74: {  	_ =	shalt  }
0x75: {  	_ =	shalt  }
0x76: {  	_ =	shalt  }
0x77: {  	_ =	shalt  }
0x78: {  	_ =	shalt  }
0x79: {  	_ =	shalt  }
0x7a: {  	_ =	shalt  }
0x7b: {  	_ =	shalt  }
0x7c: {  	_ =	shalt  }
0x7d: {  	_ =	shalt  }
0x7e: {  	_ =	shalt  }
0x7f: {  	_ =	shalt  }
0x80: {  	_ =	shalt  }
0x81: {  	_ =	shalt  }
0x82: {  	_ =	shalt  }
0x83: {  	_ =	shalt  }
0x84: {  	_ =	shalt  }
0x85: {  	_ =	shalt  }
0x86: {  	_ =	shalt  }
0x87: {  	_ =	shalt  }
.Lfunc_end0:
.L_simem_size_0:
called_computation_lowered:
.L_overlay_start_0:
0x88: {  	s0 =	sld [smem:$0x3FD9]  }
0x89: {  	s1 =	sld [smem:$0x3FFE];
	_ =	sdelay $0x3  }
0x8a: {  	s0 =	sadd.s32 s1, s0  }
0x8b: {  	[smem:$0x3FBC] =	sst s0  }
0x8c: {  	_ = 	snop  }
0x8d: {  	(tm) =	ssettm $0x1  }
0x8e: {  	s15 =	sld [smem:$0x3FFB];
	_ =	sdelay $0x3  }
0x8f: {  	_ =	strace s15  }
0x90: {  	s0 =	sld [smem:$0x3FFC];
	_ =	sdelay $0x3  }
0x91: {  	_ =	strace s0  }
0x92: {  	s0 =	sld [smem:$0x3FFD];
	_ =	sdelay $0x3  }
0x93: {  	_ =	strace s0  }
0x94: {  	_ =	strace $0x8FFFFFFF  }
0x95: {  	s16 =	sld [smem:$0x3FDB];
	_ =	sdelay $0x1  }
0x96: {  	s17 =	simm.s32 $_scs_section_size  }
0x97: {  	s2 =	simm.s32 $_size__tile_overlayer_lowered;
	s3 =	simm.s32 $_tile_overlayer_lowered  }
0x98: {  	s20 =	simm.s32 $0x1BFF;
	s19 =	sshll.u32 s3, $0x1;
	s0 =	sadd.s32 s17, s16  }
0x99: {  	s4 =	simm.s32 $0x0;
	s18 =	sshll.u32 s2, $0x1;
	s2 =	sadd.s32 s19, s0  }
0x9a: {  	[timem:s4], [sflag:s20] =	dma.local [hbm:s2], s18  }
0x9b: {  	_ =	swait.ge [sflag:s20], s18  }
0x9c: {  	s1 =	ssub.s32 $0x0, s18;
	[sflag:s20] =	ssyncset.done $0x0  }
0x9d: {  	[sflag:s20] =	ssyncadd.s32 s1;
	_ =	sdelay $0x1  }
0x9e: {  	s21 =	simm.s32 $0x1B8B  }
0x9f: {  	_ =	swait.ge [sflag:s21], $0x1  }
0xa0: {  	[sflag:s21] =	ssyncset.done $0x0  }
0xa1: {  	s23 =	simm.s32 $0x1B8E;
	s22 =	sld [smem:$0x3FFE];
	[sflag:s21] =	ssyncadd.s32 $0xFFFFFFFF  }
0xa2: {  	s24 =	simm.s32 $execute0_lowered;
	[smem:$0x3FD2] =	sst s23  }
0xa3: {  	s2 =	sshll.u32 s24, $0x1;
	_ =	strace $0x80000046;
	[dreg:$0x1] =	wrdreg $0xFFFFFFFF  }
0xa4: {  	s25 =	simm.s32 $_size_execute0_lowered;
	s0 =	sadd.s32 s0, s2;
	[dreg:$0x0] =	wrdreg $0x0  }
0xa5: {  	s2 =	sshll.u32 s25, $0x1;
	[dreg:$0x2] =	wrdreg s0  }
0xa6: {  	[dreg:$0x3] =	wrdreg s2  }
0xa7: {  	[dreg:$0x4] =	wrdreg $0xC0  }
0xa8: {  	_ =	task [dreg:s4], $0x5FFFF  }
0xa9: {  	[dreg:$0x1] =	wrdreg $0xFFFFFFFF  }
0xaa: {  	[dreg:$0x0] =	wrdreg $0x60  }
0xab: {  	[dreg:$0x2] =	wrdreg s22  }
0xac: {  	[dreg:$0x3] =	wrdreg $0x9  }
0xad: {  	_ =	task.clear_ibuf [dreg:s4], $0x4FFFF;
	_ =	strace $0x90000046  }
0xae: {  	s26 =	simm.s32 $0x9;
	_ =	strace $0x80000048  }
0xaf: {  	_ =	swait.ge [sflag:s26], $0x1  }
0xb0: {  	[sflag:s26] =	ssyncadd.s32 $0xFFFFFFFF  }
0xb1: {  	_ =	strace $0x90000048  }
0xb2: {  	_ =	sfence  }
0xb3: {  	s28 =	sld [smem:$0x0];
	_ =	sdelay $0x1  }
0xb4: {  	s29 =	srdreg.scid  }
0xb5: {  	s30 =	sshll.u32 s29, $0xD;
	s31 =	sshrl.u32 s29, $0x2  }
0xb6: {  	s1 =	sand.u32 $0x1, s29;
	s2 =	sand.u32 $0x4000, s30;
	s0 =	sadd.s32 s31, s28  }
0xb7: {  	s1 =	sor.u32 s2, s1;
	s0 =	sshll.u32 s0, $0x11  }
0xb8: {  	s0 =	sor.u32 s0, s1  }
0xb9: {  	s0 =	sadd.s32 $0x8F2B, s0  }
0xba: {  	[sflag:s0] =	ssyncadd.remote.s32 $0x1  }
0xbb: {  	_ =	sfence.sel $0xFFFF  }
0xbc: {  	[dreg:$0x0] =	wrdreg $0xFFFFFFFF;
	(pc) =	sbr.abs _section_cstart, $3  }
0xbd: {  	[dreg:$0x1] =	wrdreg $0xFFFFFFFF  }
0xbe: {  	_ =	task.clear_ibuf [dreg:s4], $0x2FFFF;
	_ =	strace $0x9FFFFFFF  }
0xbf: {  	(tm) =	ssettm $0x7FFFFFFF  }
tec
execute0_lowered:
.L_overlay_start_1:
0x0: {  	(tag) =	ssettag $0x1  }
0x1: {  	s0 =	rddreg [dreg:$0x0];
	_ =	strace $0x80000047;
	s2 =	simm.s32 $0x1  }
0x2: {  	s14 =	stileid.u32;
	v1 =	vimm.s32 $0xFFFFFFFF;
	[sflag:s2] =	ssyncpa.u1 $0x0  }
0x3: {  	s1 =	smul.u32 $0x6, s14;
	[tilespmem:$0x10] =	vst v1  }
0x4: {  	v0 =	vimm.s32 $0x80000000;
	s3 =	smin.u32 s14, $0x4;
	[tilespmem:$0x20] =	vst v1  }
0x5: {  	[tilespmem:$0x30] =	vst v0;
	s1 =	sadd.s32 s3, s1  }
0x6: {  	p0 =	slt.u32 s14, $0x4;
	[tilespmem:$0x40] =	vst v0;
	s3 =	smul.u32 $0x1F40, s1;
	s1 =	simm.s32 $0xDAC0  }
0x7: {  	[tilespmem:$0x50] =	vst v0;
	s1 =	simm.s32 @!p0 $0xBB80  }
0x8: {  	[tilespmem:$0x60] =	vst v1;
	s1 =	sadd.s32 s1, s3  }
0x9: {  	s7 =	simm.s32 $0x2;
	s8 =	simm.s32 $0x8;
	[tilespmem:$0x70] =	vst v1;
	s4 =	smin.u32 s1, $0xC3500  }
0xa: {  	s31 =	simm.s32 $0x9;
	s16 =	simm.s32 $0x0;
	[tilespmem:$0x80] =	vst v1;
	s6 =	ssub.s32 s4, s3  }
0xb: {  	s17 =	simm.s32 $0xF0;
	s18 =	simm.s32 $0xFFFFFFFF;
	v1 =	vimm.s32 $0x0;
	[tilespmem:$0xB0] =	vst v0;
	p0 =	sgt.s32 s6, $0x0  }
0xc: {  	s19 =	simm.s32 $0xFFFFC280;
	s20 =	simm.s32 $0xFFFFFFFE;
	[tilespmem:$0x90] =	vst v1;
	s6 =	simm.s32 @!p0 $0x0  }
0xd: {  	[tilespmem:$0xA0] =	vst v1;
	[sflag:s7] =	ssyncpa.u1 $0x0;
	s7 =	simm.s32 $0x7;
	s5 =	smulhi.u32 $0x10624DD3, s6  }
0xe: {  	s21 =	simm.s32 $0xF;
	s25 =	simm.s32 $0x0;
	[sflag:s7] =	ssyncpa.u1 $0x0  }
0xf: {  	s24 =	simm.s32 $0x0;
	[sflag:s8] =	ssyncpa.u1 $0x0;
	s9 =	sshrl.u32 s5, $0x9  }
0x10: {  	[sflag:s31] =	ssyncpa.u1 $0x0;
	s1 =	sadd.s32 $0x5F200, s0;
	s10 =	smul.u32 $0x1F40, s9  }
.Ltmp0:
0x11: {  	s5 =	sadd.s32 $0x2E200, s0;
	s0 =	sadd.s32 $0x46A00, s0;
	(pc) =	sbr.rel .LBB2_1-.Ltmp0, $4  }
0x12: {  	s23 =	smov.u32 s3;
	[dreg:$0x2] =	wrdreg s0;
	p0 =	sne.s32 s6, s10  }
0x13: {  	s10 =	sshll.u32 s14, $0x1;
	s14 =	sshllo.u32 s14, $0x1;
	s2 =	simm.s32 @!p0 $0x0  }
0x14: {  	vm0 =	vmmov $0xffff;
	v2 =	vlaneseq.u32;
	s13 =	sor.u32 $0x81, s10;
	s15 =	sor.u32 $0x80, s10;
	s9 =	sadd.s32 s2, s9  }
0x15: {  	vm1 =	vmxor vm1, vm1;
	vm2 =	vmmov $0x1;
	vm3 =	vcmask $0x3F3C;
	p0 =	por $0x0, $0x0;
	s11 =	sadd.s32 $0x1, s9;
	s12 =	sadd.s32 $0x2, s9  }
.LBB2_9:
0x16: {  	p1 =	slt.u32 s24, $0x3  }
0x17: {  	s0 =	simm.s32 @!p1 $0x2  }
0x18: {  	_ =	swait.ge @!p1 [sflag:s0], $0x1F40  }
0x19: {  	[sflag:s0] =	ssyncset.done @!p1 $0x0  }
0x1a: {  	[sflag:s0] =	ssyncadd.s32 @!p1 $0xFFFFE0C0;
	s0 =	simm.s32 @!p1 $0x9  }
0x1b: {  	_ =	swait.ge @!p1 [sflag:s0], $0x10  }
0x1c: {  	[sflag:s0] =	ssyncset.done @!p1 $0x0  }
0x1d: {  	[sflag:s0] =	ssyncadd.s32 @!p1 $0xFFFFFFF0;
	p1 =	sne.s32 s24, s12  }
.Ltmp1:
0x1e: {  	s2 =	sadd.s32 $0x1F40, s23;
	(pc) =	sbr.rel @!p1 .LBB2_10-.Ltmp1, $4  }
0x1f: {  	s6 =	smov.u32 s3;
	s31 =	sadd.s32 $0x1, s24;
	s17 =	sadd.s32 $0x1F40, s17  }
0x20: {  	s18 =	sadd.s32 $0x1, s18;
	s25 =	smov.u32 s23;
	p2 =	slt.s32 s2, s4  }
0x21: {  	p0 =	por !p0, !p0;
	s19 =	sadd.s32 $0x1F40, s19;
	s6 =	smov.u32 @p2 s2  }
0x22: {  	s20 =	sadd.s32 $0x1, s20;
	s23 =	smov.u32 s6;
	s24 =	smov.u32 s31  }
.LBB2_1:
0x23: {  	p1 =	sge.u32 s24, s9  }
0x24: {  	s0 =	smulhi.u32 @!p1 $0xAAAAAAAB, s24;
	_ =	sdelay $0x1  }
0x25: {  	s0 =	sshrl.u32 @!p1 s0, $0x1  }
0x26: {  	s0 =	smul.u32 @!p1 $0x3, s0;
	_ =	sdelay $0x1  }
0x27: {  	s0 =	ssub.s32 @!p1 s24, s0  }
0x28: {  	s0 =	smul.u32 @!p1 $0x7D00, s0;
	_ =	sdelay $0x1  }
0x29: {  	s2 =	sshrl.u32 @!p1 s23, $0x3;
	s0 =	sshrl.u32 @!p1 s0, $0x2  }
0x2a: {  	s6 =	sand.u32 @!p1 $0x7, s23;
	s2 =	sadd.s32 @!p1 s5, s2;
	s0 =	sadd.s32 @!p1 $0x100, s0  }
0x2b: {  	[tilespmem:s0], [sflag:$0x7] =	stream.linear.gather @!p1 [hbm4b:s2+s6], $0x1F40, $0x38;
	[tilespmem:$0x11A60] =	vst v63  }
0x2c: {  	s0 =	sadd.s32 $0xFFFFFFFF, s24  }
0x2d: {  	p1 =	sge.u32 s0, s9  }
.Ltmp2:
0x2e: {  	_ = 	snop;
	(pc) =	sbr.rel @p1 .LBB2_5-.Ltmp2, $1  }
0x2f: {  	_ =	sdelay $0x3  }
0x30: {  	s2 =	smulhi.u32 $0xAAAAAAAB, s0;
	_ =	sdelay $0x1  }
0x31: {  	s2 =	sshrl.u32 s2, $0x1  }
0x32: {  	s2 =	smul.u32 $0x3, s2;
	_ =	sdelay $0x1  }
0x33: {  	s2 =	ssub.s32 s0, s2  }
0x34: {  	s2 =	smul.u32 $0x7D00, s2  }
0x35: {  	_ =	swait.ge [sflag:s7], $0x1F40  }
0x36: {  	[sflag:s7] =	ssyncset.done $0x0;
	s2 =	sshrl.u32 s2, $0x2  }
0x37: {  	[sflag:s7] =	ssyncadd.s32 $0xFFFFE0C0;
	(ifvalue) =	ssetifvalue $0xFFFFFFFF;
	v3 =	vld.msk [tilespmem:s2+$0x100 ss:$0x1], $0xffff;
	_ =	sdelay $0x2  }
0x38: {  	s30 =	smulhi.u32 $0xAAAAAAAB, s18;
	p1 =	sne.s32 s24, $0x1  }
0x39: {  	v4 =	vimm.s32 @!p1 $0x0  }
0x3a: {  	s2 =	sshrl.u32 s30, $0x1;
	v4 =	vperm.xlane @!p1 v3, v4  }
0x3b: {  	s6 =	sshll.u32 s24, $0x4;
	s2 =	smul.u32 $0xFFFE8900, s2;
	vm4 =	vlt.u32 v3, $0x186C00  }
0x3c: {  	s6 =	sand.u32 $0x10, s6;
	v3 =	vnsel vm4, $0xFFFFFFFE, v3;
	vm4 =	vlt.u32 @!p1 v4, $0x186C00  }
0x3d: {  	s2 =	sshra.s32 s2, $0x2;
	[tilespmem:s6+$0x60] =	vst v3;
	v3 =	vnsel @!p1 vm4, $0xFFFFFFFE, v4  }
0x3e: {  	s26 =	sadd.s32 s2, s17;
	[tilespmem:$0x80] =	vst @!p1 v3  }
0x3f: {  	v3 =	vld.msk [tilespmem:s26+$0x0 ss:$0x1], $0xffff;
	_ =	sdelay $0x4  }
0x40: {  	(xrf1) =	vunique.msk.u32 $0xffff, v3;
	_ =	sdelay $0xd  }
0x41: {  	v4 =	vimm.s32 $0xFFFFFFFF;
	v5, _, _ =	vpop (xrf1)  }
0x42: {  	vm5 =	vne.s32 v3, v4;
	vm4 =	veq.s32 v5, v2  }
0x43: {  	vm6 =	vlt.u32 v3, $0x186C00;
	vm4 =	vmand vm5, vm4  }
0x44: {  	vm4 =	vmand vm6, vm4  }
0x45: {  	v4 =	vnsel vm4, $0xFFFFFFFF, v3  }
0x46: {  	s31 =	sand.u32 $0x1, s0  }
0x47: {  	s0 =	simm.s32 $0x1F40;
	p1 =	seq.s32 s31, $0x1  }
0x48: {  	s0 =	simm.s32 @!p1 $0x0  }
0x49: {  	s2 =	sadd.s32 $0x7DF0, s0;
	(ifvalue) =	ssetifvalue $0xFFFFFFFF  }
0x4a: {  	v3 =	vperm.xlane v3, v1;
	[tilespmem:s2], [sflag:$0x8] =	stream.indirect_vreg.gather [hbm4b:s1+s16], $0x1, v4, vm0, $0x4038;
	v4 =	vnsel vm6, $0xFFFFFFFE, v4;
	[tilespmem:$0x11A60] =	vst v63  }
0x4b: {  	s22 =	sadd.s32 $0xFFFFFFF0, s26;
	s6 =	simm.s32 $0x0;
	[tilespmem:s26+$0x0] =	vst v4  }
.LBB2_3:
0x4c: {  	v4 =	vld.msk [tilespmem:s22+$0x0 ss:$0x1], $0xffff;
	s6 =	sadd.s32 $0x10, s6;
	v5 =	vmov v3;
	s26 =	smov.u32 s22  }
0x4d: {  	p1 =	slt.u32 s6, $0x1F30;
	_ =	sdelay $0x4  }
0x4e: {  	v3 =	vperm.xlane v4, v1;
	(xrf1) =	vunique.msk.u32 $0xffff, v4;
	_ =	sdelay $0xd  }
0x4f: {  	v6, _, _ =	vpop (xrf1)  }
0x50: {  	vm5 =	vne.s32 v4, v5;
	vm4 =	veq.s32 v6, v2  }
0x51: {  	vm6 =	vlt.u32 v4, $0x186C00;
	vm4 =	vmand vm5, vm4  }
0x52: {  	vm4 =	vmand vm6, vm4  }
0x53: {  	v4 =	vnsel vm4, $0xFFFFFFFF, v4  }
.Ltmp3:
0x54: {  	v5 =	vnsel vm6, $0xFFFFFFFE, v4;
	(pc) =	sbr.rel @p1 .LBB2_3-.Ltmp3, $3  }
0x55: {  	_ =	sdelay $0x1  }
0x56: {  	s22 =	sadd.s32 $0xFFFFFFF0, s22;
	s2 =	sadd.s32 $0xFFFFFFF0, s2;
	(ifvalue) =	ssetifvalue $0xFFFFFFFF  }
0x57: {  	[tilespmem:s2], [sflag:$0x8] =	stream.indirect_vreg.gather [hbm4b:s1+s16], $0x1, v4, vm0, $0x4038;
	[tilespmem:s26+$0x0] =	vst v5  }
0x58: {  	s2 =	sshrl.u32 s25, $0x3;
	s6 =	rddreg [dreg:$0x2]  }
0x59: {  	s0 =	sadd.s32 $0x9D40, s0;
	s2 =	sadd.s32 s6, s2  }
0x5a: {  	[tilespmem:s0], [sflag:$0x8] =	stream.linear.gather [hbm:s2], $0x1F40, $0x38;
	[tilespmem:$0x11A60] =	vst v63  }
.LBB2_5:
0x5b: {  	p1 =	slt.u32 s24, $0x2  }
0x5c: {  	p2 =	sge.u32 @!p1 s24, s12  }
0x5d: {  	p1 =	por p1, p2  }
.Ltmp4:
0x5e: {  	_ = 	snop;
	(pc) =	sbr.rel @p1 .LBB2_9-.Ltmp4, $1  }
0x5f: {  	_ =	sdelay $0x3  }
0x60: {  	s0 =	sadd.s32 $0xFFFFFFFE, s24  }
0x61: {  	s2 =	smulhi.u32 $0xAAAAAAAB, s0;
	_ =	sdelay $0x1  }
0x62: {  	s2 =	sshrl.u32 s2, $0x1  }
0x63: {  	s2 =	smul.u32 $0x3, s2;
	_ =	sdelay $0x1  }
0x64: {  	s0 =	ssub.s32 s0, s2  }
0x65: {  	_ =	swait.ge [sflag:s8], $0x3E80;
	s0 =	smul.u32 $0x1F40, s0  }
0x66: {  	p1 =	sne.s32 s24, s11;
	[sflag:s8] =	ssyncset.done $0x0  }
0x67: {  	[sflag:s8] =	ssyncadd.s32 $0xFFFFC180;
	s2 =	sadd.s32 @!p1 $0x203F, s0  }
0x68: {  	[spmem:s13] =	stream.linear.scatter @!p1 [tilespmem:s2], [sflag:$0x1], $0x1, $0x38;
	[tilespmem:$0x11A60] =	vst v63  }
0x69: {  	s2 =	simm.s32 @!p1 $0x1  }
0x6a: {  	_ =	swait.ge @!p1 [sflag:s2], $0x1  }
0x6b: {  	s6 =	sshll.u32 s24, $0x4;
	[sflag:s2] =	ssyncset.done @!p1 $0x0  }
0x6c: {  	s25 =	sand.u32 $0x10, s6;
	[sflag:s2] =	ssyncadd.s32 @!p1 $0xFFFFFFFF  }
0x6d: {  	s2 =	sxor.u32 $0x10, s25;
	v4 =	vld [tilespmem:s25+$0x10]  }
0x6e: {  	v5 =	vld [tilespmem:s2+$0x60]  }
0x6f: {  	v3 =	vld [tilespmem:$0x80];
	_ =	sdelay $0x2  }
0x70: {  	(v2sf) =	vpush v4, $0x0  }
0x71: {  	(v2sf) =	vpush v5, $0x0  }
0x72: {  	(v2sf) =	vpush v3, $0x0;
	_ =	sdelay $0xc  }
0x73: {  	s26 =	spop (v2sf)  }
0x74: {  	s22 =	spop (v2sf)  }
0x75: {  	s28 =	spop (v2sf)  }
0x76: {  	p3 =	seq.s32 s26, s22;
	p2 =	seq.s32 s28, s26  }
0x77: {  	p2 =	por p3, p2  }
0x78: {  	s26 =	sand.u32 $0x1, s24;
	v4 =	vpsel p2, $0xFFFFFFFF, v4  }
0x79: {  	s29 =	smul.u32 $0x1F40, s26;
	[tilespmem:s25+$0x10] =	vst.msk $0x1, v4  }
0x7a: {  	v4 =	vld [tilespmem:$0x30]  }
0x7b: {  	v5 =	vld [tilespmem:s29+$0x9D40]  }
0x7c: {  	v6 =	vld [tilespmem:s25+$0x40];
	_ =	sdelay $0x3  }
0x7d: {  	vm4 =	vmmov vm1;
	vm6 =	vmmov vm2;
	vm5 =	vgt.s32 v4, v5  }
0x7e: {  	vm4 =	vmmov @p3 vm2;
	s6 =	sshll.u32 s26, $0x4;
	v5 =	vsel vm5, v4, v5;
	vm5 =	vgt.s32 v4, v6  }
0x7f: {  	vm6 =	vmmov @p2 vm1;
	s26 =	sor.u32 $0x11A40, s6;
	v4 =	vsel vm5, v4, v6;
	[tilespmem:s29+$0x9D40] =	vst.msk vm4, v5  }
0x80: {  	[tilespmem:s26+$0x0] =	vst.msk vm6, v4  }
0x81: {  	v4 =	vld [tilespmem:s29+$0x7DF0];
	_ =	sdelay $0x4  }
0x82: {  	v4 =	vshift.insert v4, v1, s21  }
0x83: {  	s22 =	sor.u32 $0x40, s2  }
0x84: {  	v5 =	vimm.s32 $0x80000000;
	[tilespmem:s22+$0x0] =	vst.msk $0x1, v4  }
0x85: {  	[tilespmem:s29+$0x7DFF] =	vst.msk $0x1, v5  }
0x86: {  	v4 =	vld [tilespmem:s0+$0x2030];
	_ =	sdelay $0x1  }
0x87: {  	s0 =	simm.s32 $0x1  }
0x88: {  	s22 =	smulhi.u32 $0xAAAAAAAB, s20;
	s0 =	simm.s32 @!p0 $0x0  }
0x89: {  	s0 =	smul.u32 $0x7D00, s0  }
0x8a: {  	s6 =	sshrl.u32 s22, $0x1;
	v4 =	vshift.insert v4, v1, s21  }
0x8b: {  	s6 =	smul.u32 $0xFFFE8900, s6;
	s0 =	sshrl.u32 s0, $0x2  }
0x8c: {  	s22 =	sadd.s32 $0x9D40, s0;
	[tilespmem:s2+$0x10] =	vst.msk $0x1, v4  }
0x8d: {  	s6 =	sshra.s32 s6, $0x2;
	v6 =	vld [tilespmem:s22+$0x0]  }
0x8e: {  	s2 =	sadd.s32 s6, s19  }
0x8f: {  	v7 =	vld [tilespmem:s2+$0x0];
	_ =	sdelay $0x2  }
0x90: {  	vm4 =	vgt.s32 v6, v5  }
0x91: {  	v5 =	vsel vm4, v6, v5  }
0x92: {  	vm4 =	vne.s32 v7, $0xFFFFFFFF;
	v5 =	vxor.u32 $0x80000000, v5  }
0x93: {  	(xrf0) =	vmax.seg.scan.u32 vm4, v5  }
0x94: {  	s6 =	sadd.s32 $0x5EC0, s0  }
0x95: {  	v8 =	vld [tilespmem:s6+$0x0]  }
0x96: {  	v6 =	vld [tilespmem:$0xA0];
	_ =	sdelay $0x2  }
0x97: {  	v5 =	vperm.xlane v4, v1;
	v9, _, _ =	vpop (xrf0)  }
0x98: {  	vm6 =	veq.s32 v7, v3;
	v9 =	vxor.u32 $0x80000000, v9  }
0x99: {  	vm8 =	veq.s32 v7, v5;
	vm5 =	veq.s32 v6, $0x1;
	vm7 =	vgt.s32 v9, v8  }
0x9a: {  	vm8 =	vmor vm8, vm6;
	v6 =	vsel vm7, v9, v8;
	vm7 =	vgt.u32 v7, $0xFFFFFFFD  }
0x9b: {  	v10 =	vld [tilespmem:$0x90];
	vm9 =	vmand vm4, vm3;
	vm4 =	vmor vm5, vm6;
	vm5 =	vmor vm8, vm7  }
0x9c: {  	v8 =	vsel vm5, $0xFFFFFFFF, v7;
	_ =	sdelay $0x1  }
0x9d: {  	s31 =	simm.s32 $0x0  }
0x9e: {  	s30 =	sadd.s32 $0xDBC0, s0;
	s0 =	sadd.s32 $0x10, s22;
	s2 =	sadd.s32 $0x10, s2;
	v11 =	vsel vm9, $0x80000000, v9;
	v6 =	vsel vm6, v9, v6  }
0x9f: {  	s22 =	sadd.s32 $0x10, s30;
	s6 =	sadd.s32 $0x10, s6;
	[tilespmem:s30+$0x0] =	vst v6;
	v6 =	vsel vm6, v9, v10;
	v7 =	vshift.insert v11, v0, s21;
	(ifvalue) =	ssetifvalue $0xFFFFFFFF  }
.LBB2_7:
0xa0: {  	[hbm4b:s1+s16] =	stream.indirect_vreg.scatter [tilespmem:s30], [sflag:$0x2], $0x1, v8, vm0, $0x4038;
	[tilespmem:$0x11A60] =	vst v63  }
0xa1: {  	s31 =	sadd.s32 $0x10, s31;
	s30 =	smov.u32 s22;
	v8 =	vld [tilespmem:s0+$0x0]  }
0xa2: {  	p2 =	slt.u32 s31, $0x1F30  }
0xa3: {  	v9 =	vld [tilespmem:s2+$0x0];
	_ =	sdelay $0x2  }
0xa4: {  	vm5 =	vgt.s32 v8, v7  }
0xa5: {  	v7 =	vsel vm5, v8, v7  }
0xa6: {  	vm5 =	vne.s32 v9, $0xFFFFFFFF;
	v7 =	vxor.u32 $0x80000000, v7  }
0xa7: {  	(xrf0) =	vmax.seg.scan.u32 vm5, v7;
	_ =	sdelay $0x2  }
0xa8: {  	v7 =	vld [tilespmem:s6+$0x0];
	_ =	sdelay $0x1  }
0xa9: {  	vm6 =	veq.s32 v9, v3;
	vm7 =	veq.s32 v9, v5  }
0xaa: {  	vm8 =	vgt.u32 v9, $0xFFFFFFFD;
	vm4 =	vmor vm4, vm6;
	vm7 =	vmor vm7, vm6;
	v8, _, _ =	vpop (xrf0)  }
0xab: {  	vm5 =	vmand vm5, vm3;
	vm7 =	vmor vm7, vm8;
	v10 =	vxor.u32 $0x80000000, v8  }
.Ltmp5:
0xac: {  	v8 =	vsel vm7, $0xFFFFFFFF, v9;
	vm7 =	vgt.s32 v10, v7;
	v9 =	vsel vm5, $0x80000000, v10;
	(pc) =	sbr.rel @p2 .LBB2_7-.Ltmp5, $4  }
0xad: {  	v6 =	vsel vm6, v10, v6;
	v11 =	vsel vm7, v10, v7;
	v7 =	vshift.insert v9, v0, s21  }
0xae: {  	v9 =	vsel vm6, v10, v11  }
0xaf: {  	s0 =	sadd.s32 $0x10, s0;
	s2 =	sadd.s32 $0x10, s2;
	[tilespmem:s22+$0x0] =	vst v9  }
0xb0: {  	s6 =	sadd.s32 $0x10, s6;
	s22 =	sadd.s32 $0x10, s22;
	(ifvalue) =	ssetifvalue $0xFFFFFFFF  }
0xb1: {  	_ =	sdelay $0x3  }
0xb2: {  	[hbm4b:s1+s16] =	stream.indirect_vreg.scatter [tilespmem:s30], [sflag:$0x2], $0x1, v8, vm0, $0x4038;
	[tilespmem:$0x11A60] =	vst v63  }
0xb3: {  	v3 =	vld [tilespmem:s29+$0xFAF0];
	_ =	sdelay $0x4  }
0xb4: {  	v3 =	vshift.insert v3, v1, s21  }
0xb5: {  	s0 =	simm.s32 $0x30  }
0xb6: {  	[tilespmem:s0+$0x0] =	vst.msk $0x1, v3  }
0xb7: {  	v3 =	vsel vm4, $0x1, v1;
	[tilespmem:$0x90] =	vst v6  }
0xb8: {  	s0 =	sadd.s32 @!p1 $0xFAFF, s29;
	[tilespmem:$0xA0] =	vst v3  }
0xb9: {  	[spmem:s14] =	stream.linear.scatter @!p1 [tilespmem:s0], [sflag:$0x1], $0x1, $0x38;
	[tilespmem:$0x11A60] =	vst v63  }
0xba: {  	s0 =	simm.s32 @!p1 $0x1  }
0xbb: {  	v3 =	vmctz.xlane @!p1 vm4;
	_ =	swait.ge @!p1 [sflag:s0], $0x1  }
0xbc: {  	(v2sf) =	vpush @!p1 v4, $0x0  }
0xbd: {  	(v2sf) =	vpush @!p1 v3, $0x0;
	_ =	sdelay $0xd  }
0xbe: {  	s2 =	spop @!p1 (v2sf)  }
0xbf: {  	s6 =	spop @!p1 (v2sf)  }
0xc0: {  	p2 =	sne.s32 @!p1 s28, s2;
	p3 =	slt.s32 @!p1 s6, $0xF  }
0xc1: {  	[sflag:s0] =	ssyncset.done @!p1 $0x0;
	p2 =	por p2, p1;
	p3 =	por !p3, p1  }
0xc2: {  	[sflag:s0] =	ssyncadd.s32 @!p1 $0xFFFFFFFF;
	v3 =	vimm.s32 @!p2 $0xFFFFFFFF;
	s6 =	simm.s32 @p3 $0xF  }
0xc3: {  	[tilespmem:$0x80] =	vst @!p2 v3;
	s2 =	sadd.s32 @!p1 $0x90, s6  }
0xc4: {  	[spmem:s10] =	stream.linear.scatter @!p1 [tilespmem:s2], [sflag:$0x1], $0x1, $0x38;
	[tilespmem:$0x11A60] =	vst v63  }
0xc5: {  	_ =	swait.ge @!p1 [sflag:s0], $0x1  }
0xc6: {  	[sflag:s0] =	ssyncset.done @!p1 $0x0  }
0xc7: {  	s2 =	simm.s32 @!p1 $0x80;
	[sflag:s0] =	ssyncadd.s32 @!p1 $0xFFFFFFFF  }
0xc8: {  	[spmem:s15] =	stream.linear.scatter @!p1 [tilespmem:s2], [sflag:$0x1], $0x1, $0x38;
	[tilespmem:$0x11A60] =	vst v63  }
0xc9: {  	_ =	swait.ge @!p1 [sflag:s0], $0x1  }
0xca: {  	[sflag:s0] =	ssyncset.done @!p1 $0x0  }
0xcb: {  	[sflag:s0] =	ssyncadd.s32 @!p1 $0xFFFFFFFF;
	(ifvalue) =	ssetifvalue $0xFFFFFFFF;
	v3 =	vld [tilespmem:s25+$0x10];
	_ =	sdelay $0x3  }
.Ltmp6:
0xcc: {  	_ = 	snop;
	(pc) =	sbr.rel .LBB2_9-.Ltmp6, $3  }
0xcd: {  	_ =	sdelay $0x1  }
0xce: {  	(ifvalue) =	ssetifvalue $0xFFFFFFFF  }
0xcf: {  	[hbm4b:s1+s16] =	stream.indirect_vreg.scatter [tilespmem:s26], [sflag:$0x9], $0x1, v3, vm0, $0x4038;
	[tilespmem:$0x11A60] =	vst v63  }
.LBB2_10:
0xd0: {  	_ =	sfence.sel $0x180000  }
0xd1: {  	s0 =	simm.s32 $0x7;
	[bflag:$0x0] =	sbarrier.arrive $0xFFFF  }
0xd2: {  	s26 =	simm.s32 $0x8;
	[sflag:s0] =	ssyncpa.u1 $0x1  }
0xd3: {  	s28 =	simm.s32 $0x9;
	[sflag:s26] =	ssyncpa.u1 $0x1  }
0xd4: {  	[sflag:s28] =	ssyncpa.u1 $0x1  }
0xd5: {  	_ =	sfence.stream.spmem  }
0xd6: {  	s29 =	simm.s32 $0x3;
	[bflag:$0x0] =	sbarrier.arrive $0xFFFF  }
0xd7: {  	s30 =	simm.s32 $0x4;
	[sflag:s29] =	ssyncpa.u1 $0x1  }
0xd8: {  	s31 =	simm.s32 $0x3C;
	s2 =	stileid.u32;
	[sflag:s30] =	ssyncpa.u1 $0x1  }
0xd9: {  	p0 =	sne.s32 s2, $0x0;
	[sflag:s31] =	ssyncpa.u1 $0x1  }
0xda: {  	s0 =	simm.s32 @p0 $0x1;
	_ =	sfence @p0  }
0xdb: {  	[sflag:s0] =	ssyncpa.u1 @p0 $0x1;
	s0 =	simm.s32 @p0 $0x2  }
0xdc: {  	[sflag:s0] =	ssyncpa.u1 @p0 $0x1  }
0xdd: {  	_ =	strace @p0 $0x90000047  }
0xde: {  	[bflag:$0x2] =	sbarrier.arrive @p0 $0xFFFF  }
0xdf: {  	_ =	shalt @p0  }
.LBB2_11:
0xe0: {  	_ =	sfence.stream.spmem;
	s0 =	simm.s32 $0x5  }
0xe1: {  	s2 =	simm.s32 $0x80;
	s3 =	simm.s32 $0xC0;
	[sflag:s0] =	ssyncpa.u1 $0x0  }
0xe2: {  	[tilespmem:s3], [sflag:$0x5] =	stream.linear.gather [spmem:s2], $0x20, $0x38;
	[tilespmem:$0x11A60] =	vst v63  }
0xe3: {  	s30 =	simm.s32 $0xE0;
	s2 =	simm.s32 $0x0  }
0xe4: {  	[tilespmem:s30], [sflag:$0x5] =	stream.linear.gather [spmem:s2], $0x20, $0x38;
	[tilespmem:$0x11A60] =	vst v63  }
.Ltmp7:
0xe5: {  	_ = 	snop;
	(pc) =	sbr.rel .LBB2_12-.Ltmp7, $4  }
0xe6: {  	_ =	swait.ge [sflag:s0], $0x40  }
0xe7: {  	[sflag:s0] =	ssyncset.done $0x0  }
0xe8: {  	s31 =	simm.s32 $0x6;
	[sflag:s0] =	ssyncadd.s32 $0xFFFFFFC0  }
0xe9: {  	s3 =	simm.s32 $0x0;
	[sflag:s31] =	ssyncpa.u1 $0x0  }
.LBB2_17:
0xea: {  	p0 =	sgt.u32 s4, $0x186BFF  }
0xeb: {  	s0 =	sshrl.u32 @!p0 s4, $0x3  }
0xec: {  	s4 =	sand.u32 @!p0 $0x7, s4;
	s5 =	simm.s32 @!p0 $0xB0;
	s0 =	sadd.s32 @!p0 s1, s0  }
0xed: {  	[tilespmem:s5], [sflag:$0x6] =	stream.linear.gather @!p0 [hbm4b:s0+s4], $0x1, $0x38;
	[tilespmem:$0x11A60] =	vst v63  }
0xee: {  	s0 =	simm.s32 @!p0 $0x6  }
0xef: {  	_ =	swait.ge @!p0 [sflag:s0], $0x1  }
0xf0: {  	[sflag:s0] =	ssyncset.done @!p0 $0x0  }
0xf1: {  	[sflag:s0] =	ssyncadd.s32 @!p0 $0xFFFFFFFF  }
0xf2: {  	v1 =	vld.msk @!p0 [tilespmem:$0xB0], $0x1  }
0xf3: {  	v2 =	vld.msk @!p0 [tilespmem:s3+$0xE0], $0x1;
	_ =	sdelay $0x4  }
0xf4: {  	vm0 =	vgt.s32 @!p0 v2, v1  }
0xf5: {  	v1 =	vsel @!p0 vm0, v2, v1  }
0xf6: {  	[tilespmem:s3+$0xE0] =	vst.msk @!p0 $0x1, v1  }
0xf7: {  	[tilespmem:s2+$0xC0] =	vst.msk $0x1, v0  }
0xf8: {  	v0 =	vld.msk [tilespmem:s3+$0xE0], $0x1;
	_ =	sdelay $0x4  }
0xf9: {  	[tilespmem:s2+$0xE0] =	vst.msk $0x1, v0;
	s2 =	sadd.s32 $0x1, s2  }
.LBB2_19:
0xfa: {  	s3 =	sadd.s32 $0x1, s3  }
0xfb: {  	p0 =	sne.s32 s3, $0x20  }
.Ltmp8:
0xfc: {  	_ = 	snop;
	(pc) =	sbr.rel @!p0 .LBB2_20-.Ltmp8, $1  }
0xfd: {  	_ =	sdelay $0x3  }
.LBB2_12:
0xfe: {  	v0 =	vld.msk [tilespmem:s3+$0xC0], $0x1;
	_ =	sdelay $0x4  }
0xff: {  	(v2sf) =	vpush v0, $0x0;
	_ =	sdelay $0xe  }
0x100: {  	s4 =	spop (v2sf)  }
0x101: {  	p0 =	seq.s32 s4, $0xFFFFFFFF  }
.Ltmp9:
0x102: {  	_ = 	snop;
	(pc) =	sbr.rel @p0 .LBB2_19-.Ltmp9, $1  }
0x103: {  	_ =	sdelay $0x3  }
0x104: {  	p0 =	slt.s32 s2, $0x1  }
.Ltmp10:
0x105: {  	_ = 	snop;
	(pc) =	sbr.rel @p0 .LBB2_17-.Ltmp10, $1  }
0x106: {  	_ =	sdelay $0x3  }
0x107: {  	s0 =	simm.s32 $0xC0;
	p0 =	por $0x0, $0x0  }
0x108: {  	v1 =	vld.msk @!p0 [tilespmem:s0+$0x0], $0x1;
	_ =	sdelay $0x4  }
0x109: {  	(v2sf) =	vpush @!p0 v1, $0x0;
	_ =	sdelay $0xd  }
0x10a: {  	p2 =	sne.s32 s2, $0x1  }
.Ltmp11:
0x10b: {  	s5 =	spop @!p0 (v2sf);
	(pc) =	sbr.rel @!p2 .LBB2_16-.Ltmp11, $4  }
0x10c: {  	p1 =	seq.s32 @!p0 s4, s5  }
0x10d: {  	s5 =	simm.s32 $0x0;
	p1 =	por !p1, p0  }
0x10e: {  	s7 =	simm.s32 $0xFFFFFFFF;
	s5 =	simm.s32 @p1 $0xFFFFFFFF  }
0x10f: {  	s6 =	simm.s32 $0x1;
	s5 =	smov.u32 @p0 s7  }
.LBB2_15:
0x110: {  	s7 =	smov.u32 s5;
	p0 =	sne.s32 s5, $0xFFFFFFFF  }
0x111: {  	s0 =	sadd.s32 $0x1, s0;
	s5 =	smov.u32 s6;
	s6 =	sadd.s32 $0x1, s6  }
0x112: {  	p1 =	sne.s32 s2, s6;
	v1 =	vld.msk @!p0 [tilespmem:s0+$0x0], $0x1;
	_ =	sdelay $0x4  }
0x113: {  	(v2sf) =	vpush @!p0 v1, $0x0;
	_ =	sdelay $0xe  }
.Ltmp12:
0x114: {  	s8 =	spop @!p0 (v2sf);
	(pc) =	sbr.rel @p1 .LBB2_15-.Ltmp12, $4  }
0x115: {  	p2 =	seq.s32 @!p0 s4, s8  }
0x116: {  	p2 =	por !p2, p0  }
0x117: {  	s5 =	simm.s32 @p2 $0xFFFFFFFF  }
0x118: {  	s5 =	smov.u32 @p0 s7  }
.LBB2_16:
0x119: {  	p0 =	sne.s32 s5, $0xFFFFFFFF  }
.Ltmp13:
0x11a: {  	_ = 	snop;
	(pc) =	sbr.rel @!p0 .LBB2_17-.Ltmp13, $1  }
0x11b: {  	_ =	sdelay $0x3  }
0x11c: {  	v0 =	vld.msk [tilespmem:s3+$0xE0], $0x1  }
0x11d: {  	v1 =	vld.msk [tilespmem:s5+$0xE0], $0x1;
	_ =	sdelay $0x2  }
.Ltmp14:
0x11e: {  	_ = 	snop;
	(pc) =	sbr.rel .LBB2_19-.Ltmp14, $4  }
0x11f: {  	_ = 	snop  }
0x120: {  	vm0 =	vgt.s32 v1, v0  }
0x121: {  	v0 =	vsel vm0, v1, v0  }
0x122: {  	[tilespmem:s5+$0xE0] =	vst.msk $0x1, v0  }
.LBB2_20:
0x123: {  	p0 =	slt.s32 s2, $0x1  }
.Ltmp15:
0x124: {  	_ = 	snop;
	(pc) =	sbr.rel @p0 .LBB2_24-.Ltmp15, $3  }
0x125: {  	_ =	sdelay $0x1  }
0x126: {  	s0 =	simm.s32 $0x6  }
0x127: {  	s3 =	simm.s32 $0x0;
	[sflag:s0] =	ssyncpa.u1 $0x1  }
0x128: {  	s0 =	simm.s32 $0xC0  }
0x129: {  	v0 =	vld.msk [tilespmem:s0+$0x0], $0x1;
	_ =	sdelay $0x4  }
0x12a: {  	(v2sf) =	vpush v0, $0x0;
	_ =	sdelay $0xe  }
0x12b: {  	s2 =	sadd.s32 $0xFFFFFFFF, s2;
	s4 =	spop (v2sf)  }
0x12c: {  	p1 =	sne.s32 s2, $0x0;
	p0 =	sgt.u32 s4, $0x186BFF  }
.Ltmp16:
0x12d: {  	s5 =	sshrl.u32 @!p0 s4, $0x3;
	(pc) =	sbr.rel @!p1 .LBB2_23-.Ltmp16, $4  }
0x12e: {  	s0 =	simm.s32 $0xE0;
	s4 =	sand.u32 @!p0 $0x7, s4;
	s5 =	sadd.s32 @!p0 s1, s5  }
0x12f: {  	[hbm4b:s5+s4] =	stream.linear.scatter @!p0 [tilespmem:s0], [sflag:$0x5], $0x1, $0x38;
	[tilespmem:$0x11A60] =	vst v63  }
0x130: {  	s5 =	simm.s32 $0x0  }
0x131: {  	s4 =	simm.s32 $0xC1;
	s5 =	simm.s32 @!p0 $0x4  }
.LBB2_22:
0x132: {  	v0 =	vld.msk [tilespmem:s4+$0x0], $0x1;
	s2 =	sadd.s32 $0xFFFFFFFF, s2;
	s3 =	sadd.s32 s3, s5  }
0x133: {  	p0 =	sne.s32 s2, $0x0;
	_ =	sdelay $0x3  }
0x134: {  	(v2sf) =	vpush v0, $0x0;
	_ =	sdelay $0xe  }
.Ltmp17:
0x135: {  	s6 =	spop (v2sf);
	(pc) =	sbr.rel @p0 .LBB2_22-.Ltmp17, $4  }
0x136: {  	s5 =	simm.s32 $0x0;
	p1 =	sgt.u32 s6, $0x186BFF  }
0x137: {  	s0 =	sadd.s32 $0x1, s0;
	s5 =	simm.s32 @!p1 $0x4;
	s7 =	sshrl.u32 @!p1 s6, $0x3  }
0x138: {  	s4 =	sadd.s32 $0x1, s4;
	s6 =	sand.u32 @!p1 $0x7, s6;
	s7 =	sadd.s32 @!p1 s1, s7  }
0x139: {  	[hbm4b:s7+s6] =	stream.linear.scatter @!p1 [tilespmem:s0], [sflag:$0x5], $0x1, $0x38;
	[tilespmem:$0x11A60] =	vst v63  }
.LBB2_23:
0x13a: {  	s0 =	sadd.s32 s3, s5  }
0x13b: {  	s3 =	sshrl.u32 s0, $0x2  }
.LBB2_24:
0x13c: {  	s0 =	simm.s32 $0x5  }
0x13d: {  	_ =	swait.ge [sflag:s0], s3  }
0x13e: {  	s1 =	ssub.s32 $0x0, s3;
	[sflag:s0] =	ssyncset.done $0x0  }
0x13f: {  	[sflag:s0] =	ssyncadd.s32 s1  }
0x140: {  	[sflag:s0] =	ssyncpa.u1 $0x1  }
0x141: {  	s29 =	simm.s32 $0x1;
	_ =	sfence  }
0x142: {  	s30 =	simm.s32 $0x2;
	[sflag:s29] =	ssyncpa.u1 $0x1  }
0x143: {  	[sflag:s30] =	ssyncpa.u1 $0x1  }
0x144: {  	_ =	strace $0x90000047  }
0x145: {  	[bflag:$0x2] =	sbarrier.arrive $0xFFFF  }
0x146: {  	s31 =	rddreg [dreg:$0x1]  }
0x147: {  	s0 =	sadd.s32 $0x100000, s31  }
0x148: {  	[sflag:s0] =	ssyncadd.tile.s32 $0x1;
	_ =	shalt  }
.Lfunc_end2:
_tile_overlayer_lowered:
.L_overlay_start_2:
0x149: {  	(tag) =	ssettag $0x2  }
0x14a: {  	s0 =	rddreg [dreg:$0x0];
	s2 =	stileid.u32  }
0x14b: {  	s1 =	rddreg [dreg:$0x1];
	p0 =	sne.s32 s2, $0x0  }
0x14c: {  	s3 =	rddreg [dreg:$0x2];
	[bflag:$0x3] =	sbarrier.arrive $0xFFFF;
	s2 =	simm.s32 @!p0 $0x1C01  }
0x14d: {  	[timem:s3], [sflag:s2] =	dma.local @!p0 [hbm:s0], s1  }
0x14e: {  	s0 =	simm.s32 @!p0 $0x1  }
0x14f: {  	_ =	swait.ge @!p0 [sflag:s0], s1  }
0x150: {  	s1 =	ssub.s32 @!p0 $0x0, s1;
	[sflag:s0] =	ssyncset.done @!p0 $0x0  }
0x151: {  	[sflag:s0] =	ssyncadd.s32 @!p0 s1  }
0x152: {  	[bflag:$0x3] =	sbarrier.arrive $0xFFFF  }
0x153: {  	_ =	shalt  }

// kernel: sparse-core-data-format-call.1.cloned.1.call-start
scs
called_computation.2_lowered:
.L_overlay_start_0:
0x0: {  	s2 =	sld [smem:$0x3FD9]  }
0x1: {  	s3 =	sld [smem:$0x3FFE];
	_ =	sdelay $0x1  }
0x2: {  	s1 =	srdreg.scid  }
0x3: {  	s0 =	sand.u32 $0x1, s1  }
0x4: {  	s18 =	sshll.u32 s0, $0xA;
	s2 =	sadd.s32 s3, s2  }
0x5: {  	s2 =	sadd.s32 s2, s18  }
0x6: {  	[smem:$0x3FBC] =	sst s2  }
0x7: {  	_ = 	snop  }
0x8: {  	(tm) =	ssettm $0x1  }
0x9: {  	s19 =	sld [smem:$0x3FFB];
	_ =	sdelay $0x3  }
0xa: {  	_ =	strace s19  }
0xb: {  	s2 =	sld [smem:$0x3FFC];
	_ =	sdelay $0x3  }
0xc: {  	_ =	strace s2  }
0xd: {  	s2 =	sld [smem:$0x3FFD];
	_ =	sdelay $0x3  }
0xe: {  	_ =	strace s2  }
0xf: {  	_ =	strace $0x8FFFFFFF  }
0x10: {  	s20 =	sld [smem:$0x3FDB];
	_ =	sdelay $0x1  }
0x11: {  	s21 =	simm.s32 $_scs_section_size  }
0x12: {  	s4 =	simm.s32 $_size__tile_overlayer_lowered;
	s5 =	simm.s32 $_tile_overlayer_lowered  }
0x13: {  	s6 =	simm.s32 $0x1BFF;
	s22 =	sshll.u32 s5, $0x1;
	s3 =	sadd.s32 s21, s20  }
0x14: {  	s23 =	simm.s32 $0x0;
	s4 =	sshll.u32 s4, $0x1;
	s5 =	sadd.s32 s22, s3  }
0x15: {  	[timem:s23], [sflag:s6] =	dma.local [hbm:s5], s4  }
0x16: {  	_ =	swait.ge [sflag:s6], s4  }
0x17: {  	s4 =	ssub.s32 $0x0, s4;
	[sflag:s6] =	ssyncset.done $0x0  }
0x18: {  	[sflag:s6] =	ssyncadd.s32 s4;
	_ =	sdelay $0x1  }
0x19: {  	s24 =	simm.s32 $0x1B8B  }
0x1a: {  	_ =	swait.ge [sflag:s24], $0x1  }
0x1b: {  	[sflag:s24] =	ssyncset.done $0x0  }
0x1c: {  	[sflag:s24] =	ssyncadd.s32 $0xFFFFFFFF  }
0x1d: {  	s4 =	sld [smem:$0x0]  }
0x1e: {  	s5 =	sand.u32 $0xFFFFFFFE, s1  }
0x1f: {  	p0 =	sne.s32 s1, s5  }
0x20: {  	s5 =	sshll.u32 @p0 s5, $0xE  }
0x21: {  	s5 =	sadd.s32 @p0 $0x11B8D, s5;
	s6 =	sshll.u32 @p0 s4, $0x11  }
0x22: {  	s5 =	sor.u32 @p0 s6, s5  }
0x23: {  	[sflag:s5] =	ssyncadd.remote.s32 @p0 $0x1;
	_ =	sdelay $0x1  }
0x24: {  	s5 =	simm.s32 @p0 $0x1B8D  }
0x25: {  	_ =	swait.eq @p0 [sflag:s5], $0x1  }
0x26: {  	[sflag:s5] =	ssyncadd.s32 @p0 $0xFFFFFFFF  }
0x27: {  	s6 =	sshll.u32 @!p0 s1, $0xE  }
0x28: {  	s6 =	sor.u32 @!p0 $0x4000, s6;
	s5 =	simm.s32 @!p0 $0x1B8D  }
0x29: {  	s4 =	sshll.u32 @!p0 s4, $0x11;
	s6 =	sadd.s32 @!p0 $0x11B8D, s6;
	_ =	swait.eq @!p0 [sflag:s5], $0x1  }
0x2a: {  	s4 =	sor.u32 @!p0 s4, s6;
	[sflag:s5] =	ssyncadd.s32 @!p0 $0xFFFFFFFF  }
0x2b: {  	s26 =	simm.s32 $0x1B8E;
	s25 =	sld [smem:$0x3FFE];
	[sflag:s4] =	ssyncadd.remote.s32 @!p0 $0x1  }
0x2c: {  	s27 =	simm.s32 $execute0_lowered;
	[smem:$0x3FD2] =	sst s26  }
0x2d: {  	s5 =	sshll.u32 s27, $0x1;
	_ =	strace $0x8000004F;
	[dreg:$0x1] =	wrdreg $0xFFFFFFFF  }
0x2e: {  	s28 =	simm.s32 $_size_execute0_lowered;
	s3 =	sadd.s32 s3, s5;
	[dreg:$0x0] =	wrdreg $0x0  }
0x2f: {  	s5 =	sshll.u32 s28, $0x1;
	[dreg:$0x2] =	wrdreg s3  }
0x30: {  	[dreg:$0x3] =	wrdreg s5  }
0x31: {  	[dreg:$0x4] =	wrdreg $0xC0  }
0x32: {  	_ =	task [dreg:s23], $0x5FFFF  }
0x33: {  	[dreg:$0x1] =	wrdreg $0xFFFFFFFF  }
0x34: {  	[dreg:$0x0] =	wrdreg $0x60  }
0x35: {  	[dreg:$0x2] =	wrdreg s25  }
0x36: {  	[dreg:$0x3] =	wrdreg $0xA  }
0x37: {  	_ =	task.clear_ibuf [dreg:s23], $0x4FFFF;
	_ =	strace $0x9000004F  }
0x38: {  	s29 =	simm.s32 $0xA;
	_ =	strace $0x80000051  }
0x39: {  	_ =	swait.ge [sflag:s29], $0x1  }
0x3a: {  	[sflag:s29] =	ssyncadd.s32 $0xFFFFFFFF  }
0x3b: {  	_ =	strace $0x90000051  }
0x3c: {  	_ =	sfence  }
0x3d: {  	s30 =	sld [smem:$0x0];
	_ =	sdelay $0x2  }
0x3e: {  	s31 =	sshll.u32 s1, $0xD;
	s1 =	sshrl.u32 s1, $0x2  }
0x3f: {  	s4 =	sand.u32 $0x4000, s31;
	s1 =	sadd.s32 s1, s30  }
0x40: {  	s0 =	sor.u32 s4, s0;
	s1 =	sshll.u32 s1, $0x11  }
0x41: {  	s0 =	sor.u32 s1, s0  }
0x42: {  	s0 =	sadd.s32 $0x8F2B, s0  }
0x43: {  	[sflag:s0] =	ssyncadd.remote.s32 $0x1  }
0x44: {  	_ =	sfence.sel $0xFFFF  }
0x45: {  	[dreg:$0x0] =	wrdreg $0xFFFFFFFF;
	(pc) =	sbr.abs _section_cstart, $3  }
0x46: {  	[dreg:$0x1] =	wrdreg $0xFFFFFFFF  }
0x47: {  	_ =	task.clear_ibuf [dreg:s23], $0x2FFFF;
	_ =	strace $0x9FFFFFFF  }
0x48: {  	(tm) =	ssettm $0x7FFFFFFF  }
0x49: {  	_ =	shalt  }
tec
execute0_lowered:
.L_overlay_start_1:
0x0: {  	(tag) =	ssettag $0x1  }
0x1: {  	s0 =	stileid.u32;
	s1 =	srdreg.scid  }
0x2: {  	s6 =	rddreg [dreg:$0x0];
	s31 =	simm.s32 $0x2;
	s13 =	simm.s32 $0x0  }
0x3: {  	s9 =	simm.s32 $0x80;
	s2 =	sshll.u32 s0, $0x6;
	s1 =	sshll.u32 s1, $0xA  }
0x4: {  	s10 =	simm.s32 $0x3400;
	s14 =	simm.s32 $0x0;
	s1 =	sor.u32 s2, s1  }
0x5: {  	s12 =	simm.s32 $0x0;
	s3 =	sand.u32 $0x1, s0;
	s2 =	sand.u32 $0x780, s1  }
0x6: {  	s5 =	ssub.s32 $0x64, s3;
	s11 =	smov.u32 s3;
	s4 =	ssub.s32 $0x800, s2  }
0x7: {  	s1 =	rddreg [dreg:$0x1];
	s8 =	sshrl.u32 s5, $0x1;
	s7 =	sand.u32 $0x780, s4  }
0x8: {  	s5 =	sand.u32 $0x1, s5;
	p0 =	sne.s32 s7, $0x0;
	s7 =	simm.s32 $0x1  }
.Ltmp0:
0x9: {  	s4 =	sshrl.u32 s4, $0xB;
	s7 =	simm.s32 @!p0 $0x0;
	(pc) =	sbr.rel .LBB1_1-.Ltmp0, $4  }
0xa: {  	_ =	strace $0x80000050;
	s5 =	sadd.s32 s5, s8;
	s7 =	sadd.s32 s7, s4  }
0xb: {  	s30 =	sadd.s32 s2, s6;
	s4 =	simm.s32 $0x1;
	s5 =	smul.u32 s5, s7  }
0xc: {  	s6 =	sadd.s32 $0x3E2000, s6;
	p0 =	por $0x0, $0x0;
	[sflag:s4] =	ssyncpa.u1 $0x0  }
0xd: {  	s7 =	sadd.s32 $0xC2000, s30;
	[sflag:s31] =	ssyncpa.u1 $0x0;
	s8 =	sadd.s32 $0x1, s5  }
.LBB1_4:
0xe: {  	v5 =	vld [tilespmem:s18+$0xFFFFFFD0];
	[tilespmem:s17+$0x2040 ss:$0x81] =	vst.msk $0xffff, v1  }
0xf: {  	v58 =	vld [tilespmem:s18+$0xFFFFFFE0];
	[tilespmem:s17+$0x2850 ss:$0x81] =	vst.msk $0xffff, v2  }
0x10: {  	s19 =	sshra.s32 s19, $0x2;
	v59 =	vld [tilespmem:s18+$0xFFFFFFF0];
	[tilespmem:s17+$0x3060 ss:$0x81] =	vst.msk $0xffff, v3  }
0x11: {  	v60 =	vld [tilespmem:s18+$0x0];
	[tilespmem:s17+$0x0 ss:$0x81] =	vst.msk $0xffff, v0;
	s16 =	sadd.s32 s19, s16  }
0x12: {  	v61 =	vld [tilespmem:s18+$0x10];
	s14 =	sand.u32 $0x1FFFFFF, s14;
	[tilespmem:s16+$0x3870 ss:$0x81] =	vst.msk $0xffff, v4  }
0x13: {  	v62 =	vld [tilespmem:s18+$0x20];
	s31 =	smulhi.u32 $0x2762763, s14;
	[tilespmem:s16+$0x810 ss:$0x81] =	vst.msk $0xffff, v5  }
0x14: {  	v63 =	vld [tilespmem:s18+$0xFFFFFFC0];
	[tilespmem:s16+$0x1020 ss:$0x81] =	vst.msk $0xffff, v58  }
0x15: {  	s17 =	smul.u32 $0x68, s31;
	[tilespmem:s16+$0x1830 ss:$0x81] =	vst.msk $0xffff, v59  }
0x16: {  	s13 =	smul.u32 $0x680, s13;
	[tilespmem:s16+$0x2040 ss:$0x81] =	vst.msk $0xffff, v60  }
0x17: {  	[tilespmem:s16+$0x2850 ss:$0x81] =	vst.msk $0xffff, v61;
	s14 =	ssub.s32 s14, s17  }
0x18: {  	s13 =	sadd.s32 s6, s13;
	[tilespmem:s16+$0x3060 ss:$0x81] =	vst.msk $0xffff, v62;
	s14 =	sshll.u32 s14, $0x4  }
0x19: {  	[tilespmem:s16+$0x0 ss:$0x81] =	vst.msk $0xffff, v63;
	s13 =	sadd.s32 s14, s13  }
0x1a: {  	[hbm4b:s13+s9] =	stream.strided.scatter [tilespmem:s15], [sflag:$0x2], $0x4000, s10, s9, $0x20;
	[tilespmem:$0x10100] =	vst v63  }
.LBB1_5:
0x1b: {  	s15 =	sadd.s32 $0x2, s11  }
0x1c: {  	p2 =	sgt.s32 s15, $0x63  }
0x1d: {  	s15 =	smov.u32 @p2 s3;
	p2 =	sne.s32 s12, s8  }
.Ltmp1:
0x1e: {  	p1 =	slt.u32 s12, $0x2;
	(pc) =	sbr.rel @!p2 .LBB1_6-.Ltmp1, $4  }
0x1f: {  	s13 =	simm.s32 @!p1 $0x2  }
0x20: {  	s16 =	sadd.s32 $0x1, s12;
	s14 =	smov.u32 s11;
	_ =	swait.ge @!p1 [sflag:s13], $0x4000  }
0x21: {  	p0 =	por !p0, !p0;
	s12 =	smov.u32 s16;
	[sflag:s13] =	ssyncset.done @!p1 $0x0  }
0x22: {  	s11 =	smov.u32 s15;
	[sflag:s13] =	ssyncadd.s32 @!p1 $0xFFFFC000;
	s13 =	smov.u32 s2  }
.LBB1_1:
0x23: {  	p1 =	sge.u32 s12, s5  }
0x24: {  	s31 =	sadd.s32 $0xFFFFFFFF, s12;
	s15 =	sxor.u32 @!p1 $0xFFFFFFFF, s12  }
0x25: {  	s16 =	sshll.u32 @!p1 s11, $0xF;
	s17 =	simm.s32 @!p1 $0x400;
	s15 =	sshll.u32 @!p1 s15, $0xE  }
0x26: {  	s18 =	simm.s32 @!p1 $0x4000;
	s16 =	sadd.s32 @!p1 s16, s7;
	s15 =	sand.u32 @!p1 $0x4000, s15  }
0x27: {  	[tilespmem:s15], [sflag:$0x1] =	stream.strided.gather @!p1 [hbm4b:s16+s17], $0x4000, s18, s17, $0x38;
	[tilespmem:$0x10100] =	vst v63  }
0x28: {  	p1 =	sge.u32 s31, s5  }
.Ltmp2:
0x29: {  	_ = 	snop;
	(pc) =	sbr.rel @p1 .LBB1_5-.Ltmp2, $1  }
0x2a: {  	_ =	sdelay $0x3  }
0x2b: {  	s15 =	simm.s32 $0x1  }
0x2c: {  	_ =	swait.ge [sflag:s4], $0x4000;
	s15 =	simm.s32 @!p0 $0x0  }
0x2d: {  	[sflag:s4] =	ssyncset.done $0x0;
	s16 =	sshll.u32 s15, $0xE  }
0x2e: {  	[sflag:s4] =	ssyncadd.s32 $0xFFFFC000;
	s18 =	sor.u32 $0x40, s16  }
0x2f: {  	s15 =	smul.u32 $0x10200, s15;
	v0 =	vld [tilespmem:s18+$0x30]  }
0x30: {  	v3 =	vld [tilespmem:s18+$0xFFFFFFD0]  }
0x31: {  	s15 =	sshrl.u32 s15, $0x2;
	v4 =	vld [tilespmem:s18+$0xFFFFFFE0]  }
0x32: {  	v5 =	vld [tilespmem:s18+$0xFFFFFFF0];
	s16 =	sor.u32 $0x8000, s15  }
0x33: {  	s31 =	sand.u32 $0x1, s12;
	v1 =	vld [tilespmem:s18+$0x0];
	s17 =	sadd.s32 $0x0, s16  }
0x34: {  	v2 =	vld [tilespmem:s18+$0x10];
	s15 =	smul.u32 $0x10200, s31;
	[tilespmem:s17+$0x3870 ss:$0x81] =	vst.msk $0xffff, v0  }
0x35: {  	[tilespmem:s17+$0x810 ss:$0x81] =	vst.msk $0xffff, v3;
	v3 =	vld [tilespmem:s18+$0x20]  }
0x36: {  	s15 =	sshrl.u32 s15, $0x2;
	v0 =	vld [tilespmem:s18+$0xFFFFFFC0];
	[tilespmem:s17+$0x1020 ss:$0x81] =	vst.msk $0xffff, v4;
	s18 =	sadd.s32 $0x80, s18  }
0x37: {  	s19 =	simm.s32 $0x4;
	s20 =	simm.s32 $0x8;
	s15 =	sor.u32 $0x8000, s15;
	[tilespmem:s17+$0x1830 ss:$0x81] =	vst.msk $0xffff, v5;
	v4 =	vld [tilespmem:s18+$0x30]  }
.LBB1_3:
0x38: {  	p1 =	sne.s32 s20, $0x1FC;
	v5 =	vld [tilespmem:s18+$0xFFFFFFD0];
	[tilespmem:s17+$0x2040 ss:$0x81] =	vst.msk $0xffff, v1  }
0x39: {  	v6 =	vld [tilespmem:s18+$0xFFFFFFE0];
	[tilespmem:s17+$0x2850 ss:$0x81] =	vst.msk $0xffff, v2  }
0x3a: {  	s21 =	sshra.s32 s19, $0x2;
	s19 =	smov.u32 s20;
	v7 =	vld [tilespmem:s18+$0xFFFFFFF0];
	[tilespmem:s17+$0x3060 ss:$0x81] =	vst.msk $0xffff, v3  }
.Ltmp3:
0x3b: {  	v1 =	vld [tilespmem:s18+$0x0];
	[tilespmem:s17+$0x0 ss:$0x81] =	vst.msk $0xffff, v0;
	s17 =	sadd.s32 s21, s16;
	(pc) =	sbr.rel @p1 .LBB1_3-.Ltmp3, $4  }
0x3c: {  	v2 =	vld [tilespmem:s18+$0x10];
	[tilespmem:s17+$0x3870 ss:$0x81] =	vst.msk $0xffff, v4  }
0x3d: {  	[tilespmem:s17+$0x810 ss:$0x81] =	vst.msk $0xffff, v5;
	v3 =	vld [tilespmem:s18+$0x20]  }
0x3e: {  	v0 =	vld [tilespmem:s18+$0xFFFFFFC0];
	[tilespmem:s17+$0x1020 ss:$0x81] =	vst.msk $0xffff, v6;
	s18 =	sadd.s32 $0x80, s18  }
0x3f: {  	s20 =	sadd.s32 $0x4, s20;
	v4 =	vld [tilespmem:s18+$0x30];
	[tilespmem:s17+$0x1830 ss:$0x81] =	vst.msk $0xffff, v7  }
.Ltmp4:
0x40: {  	_ = 	snop;
	(pc) =	sbr.rel .LBB1_4-.Ltmp4, $1  }
0x41: {  	_ =	sdelay $0x3  }
.LBB1_6:
0x42: {  	_ =	sfence.sel $0x180000  }
0x43: {  	s2 =	simm.s32 $0x1;
	[bflag:$0x0] =	sbarrier.arrive $0xFFFF  }
0x44: {  	s31 =	simm.s32 $0x2;
	[sflag:s2] =	ssyncpa.u1 $0x1  }
0x45: {  	[sflag:s31] =	ssyncpa.u1 $0x1  }
0x46: {  	p0 =	sne.s32 s0, $0x0;
	_ =	strace $0x90000050  }
0x47: {  	s0 =	sadd.s32 @!p0 $0x100000, s1;
	[bflag:$0x2] =	sbarrier.arrive $0xFFFF  }
0x48: {  	[sflag:s0] =	ssyncadd.tile.s32 @!p0 $0x1;
	_ =	shalt  }
.Lfunc_end1:
_tile_overlayer_lowered:
.L_overlay_start_2:
0x49: {  	(tag) =	ssettag $0x2  }
0x4a: {  	s0 =	rddreg [dreg:$0x0];
	s2 =	stileid.u32  }
0x4b: {  	s1 =	rddreg [dreg:$0x1];
	p0 =	sne.s32 s2, $0x0  }
0x4c: {  	s3 =	rddreg [dreg:$0x2];
	[bflag:$0x3] =	sbarrier.arrive $0xFFFF;
	s2 =	simm.s32 @!p0 $0x1C01  }
0x4d: {  	[timem:s3], [sflag:s2] =	dma.local @!p0 [hbm:s0], s1  }
0x4e: {  	s0 =	simm.s32 @!p0 $0x1  }
0x4f: {  	_ =	swait.ge @!p0 [sflag:s0], s1  }
0x50: {  	s1 =	ssub.s32 @!p0 $0x0, s1;
	[sflag:s0] =	ssyncset.done @!p0 $0x0  }
0x51: {  	[sflag:s0] =	ssyncadd.s32 @!p0 s1  }
0x52: {  	[bflag:$0x3] =	sbarrier.arrive $0xFFFF  }
0x53: {  	_ =	shalt  }

// kernel: sparse-core-data-format-call.cloned.1.call-start
scs
called_computation.1_lowered:
.L_overlay_start_0:
0x0: {  	s2 =	sld [smem:$0x3FD9]  }
0x1: {  	s3 =	sld [smem:$0x3FFE];
	_ =	sdelay $0x1  }
0x2: {  	s1 =	srdreg.scid  }
0x3: {  	s0 =	sand.u32 $0x1, s1  }
0x4: {  	s18 =	sshll.u32 s0, $0xA;
	s2 =	sadd.s32 s3, s2  }
0x5: {  	s2 =	sadd.s32 s2, s18  }
0x6: {  	[smem:$0x3FBC] =	sst s2  }
0x7: {  	_ = 	snop  }
0x8: {  	(tm) =	ssettm $0x1  }
0x9: {  	s19 =	sld [smem:$0x3FFB];
	_ =	sdelay $0x3  }
0xa: {  	_ =	strace s19  }
0xb: {  	s2 =	sld [smem:$0x3FFC];
	_ =	sdelay $0x3  }
0xc: {  	_ =	strace s2  }
0xd: {  	s2 =	sld [smem:$0x3FFD];
	_ =	sdelay $0x3  }
0xe: {  	_ =	strace s2  }
0xf: {  	_ =	strace $0x8FFFFFFF  }
0x10: {  	s20 =	sld [smem:$0x3FDB];
	_ =	sdelay $0x1  }
0x11: {  	s21 =	simm.s32 $_scs_section_size  }
0x12: {  	s4 =	simm.s32 $_size__tile_overlayer_lowered;
	s5 =	simm.s32 $_tile_overlayer_lowered  }
0x13: {  	s6 =	simm.s32 $0x1BFF;
	s22 =	sshll.u32 s5, $0x1;
	s3 =	sadd.s32 s21, s20  }
0x14: {  	s23 =	simm.s32 $0x0;
	s4 =	sshll.u32 s4, $0x1;
	s5 =	sadd.s32 s22, s3  }
0x15: {  	[timem:s23], [sflag:s6] =	dma.local [hbm:s5], s4  }
0x16: {  	_ =	swait.ge [sflag:s6], s4  }
0x17: {  	s4 =	ssub.s32 $0x0, s4;
	[sflag:s6] =	ssyncset.done $0x0  }
0x18: {  	[sflag:s6] =	ssyncadd.s32 s4;
	_ =	sdelay $0x1  }
0x19: {  	s24 =	simm.s32 $0x1B8B  }
0x1a: {  	_ =	swait.ge [sflag:s24], $0x1  }
0x1b: {  	[sflag:s24] =	ssyncset.done $0x0  }
0x1c: {  	[sflag:s24] =	ssyncadd.s32 $0xFFFFFFFF  }
0x1d: {  	s4 =	sld [smem:$0x0]  }
0x1e: {  	s5 =	sand.u32 $0xFFFFFFFE, s1  }
0x1f: {  	p0 =	sne.s32 s1, s5  }
0x20: {  	s5 =	sshll.u32 @p0 s5, $0xE  }
0x21: {  	s5 =	sadd.s32 @p0 $0x11B8D, s5;
	s6 =	sshll.u32 @p0 s4, $0x11  }
0x22: {  	s5 =	sor.u32 @p0 s6, s5  }
0x23: {  	[sflag:s5] =	ssyncadd.remote.s32 @p0 $0x1;
	_ =	sdelay $0x1  }
0x24: {  	s5 =	simm.s32 @p0 $0x1B8D  }
0x25: {  	_ =	swait.eq @p0 [sflag:s5], $0x1  }
0x26: {  	[sflag:s5] =	ssyncadd.s32 @p0 $0xFFFFFFFF  }
0x27: {  	s6 =	sshll.u32 @!p0 s1, $0xE  }
0x28: {  	s6 =	sor.u32 @!p0 $0x4000, s6;
	s5 =	simm.s32 @!p0 $0x1B8D  }
0x29: {  	s4 =	sshll.u32 @!p0 s4, $0x11;
	s6 =	sadd.s32 @!p0 $0x11B8D, s6;
	_ =	swait.eq @!p0 [sflag:s5], $0x1  }
0x2a: {  	s4 =	sor.u32 @!p0 s4, s6;
	[sflag:s5] =	ssyncadd.s32 @!p0 $0xFFFFFFFF  }
0x2b: {  	s26 =	simm.s32 $0x1B8E;
	s25 =	sld [smem:$0x3FFE];
	[sflag:s4] =	ssyncadd.remote.s32 @!p0 $0x1  }
0x2c: {  	s27 =	simm.s32 $execute0_lowered;
	[smem:$0x3FD2] =	sst s26  }
0x2d: {  	s5 =	sshll.u32 s27, $0x1;
	_ =	strace $0x80000052;
	[dreg:$0x1] =	wrdreg $0xFFFFFFFF  }
0x2e: {  	s28 =	simm.s32 $_size_execute0_lowered;
	s3 =	sadd.s32 s3, s5;
	[dreg:$0x0] =	wrdreg $0x0  }
0x2f: {  	s5 =	sshll.u32 s28, $0x1;
	[dreg:$0x2] =	wrdreg s3  }
0x30: {  	[dreg:$0x3] =	wrdreg s5  }
0x31: {  	[dreg:$0x4] =	wrdreg $0xC0  }
0x32: {  	_ =	task [dreg:s23], $0x5FFFF  }
0x33: {  	[dreg:$0x1] =	wrdreg $0xFFFFFFFF  }
0x34: {  	[dreg:$0x0] =	wrdreg $0x60  }
0x35: {  	[dreg:$0x2] =	wrdreg s25  }
0x36: {  	[dreg:$0x3] =	wrdreg $0x9  }
0x37: {  	_ =	task.clear_ibuf [dreg:s23], $0x4FFFF;
	_ =	strace $0x90000052  }
0x38: {  	s29 =	simm.s32 $0x9;
	_ =	strace $0x80000054  }
0x39: {  	_ =	swait.ge [sflag:s29], $0x1  }
0x3a: {  	[sflag:s29] =	ssyncadd.s32 $0xFFFFFFFF  }
0x3b: {  	_ =	strace $0x90000054  }
0x3c: {  	_ =	sfence  }
0x3d: {  	s30 =	sld [smem:$0x0];
	_ =	sdelay $0x2  }
0x3e: {  	s31 =	sshll.u32 s1, $0xD;
	s1 =	sshrl.u32 s1, $0x2  }
0x3f: {  	s4 =	sand.u32 $0x4000, s31;
	s1 =	sadd.s32 s1, s30  }
0x40: {  	s0 =	sor.u32 s4, s0;
	s1 =	sshll.u32 s1, $0x11  }
0x41: {  	s0 =	sor.u32 s1, s0  }
0x42: {  	s0 =	sadd.s32 $0x8F2B, s0  }
0x43: {  	[sflag:s0] =	ssyncadd.remote.s32 $0x1  }
0x44: {  	_ =	sfence.sel $0xFFFF  }
0x45: {  	[dreg:$0x0] =	wrdreg $0xFFFFFFFF;
	(pc) =	sbr.abs _section_cstart, $3  }
0x46: {  	[dreg:$0x1] =	wrdreg $0xFFFFFFFF  }
0x47: {  	_ =	task.clear_ibuf [dreg:s23], $0x2FFFF;
	_ =	strace $0x9FFFFFFF  }
0x48: {  	(tm) =	ssettm $0x7FFFFFFF  }
0x49: {  	_ =	shalt  }
tec
execute0_lowered:
.L_overlay_start_1:
0x0: {  	(tag) =	ssettag $0x1  }
0x1: {  	s0 =	stileid.u32;
	s1 =	srdreg.scid  }
0x2: {  	s6 =	rddreg [dreg:$0x0];
	s31 =	simm.s32 $0x2;
	s13 =	simm.s32 $0x0  }
0x3: {  	s9 =	simm.s32 $0x80;
	s2 =	sshll.u32 s0, $0x6;
	s1 =	sshll.u32 s1, $0xA  }
0x4: {  	s10 =	simm.s32 $0x3400;
	s14 =	simm.s32 $0x0;
	s1 =	sor.u32 s2, s1  }
0x5: {  	s12 =	simm.s32 $0x0;
	s3 =	sand.u32 $0x1, s0;
	s2 =	sand.u32 $0x780, s1  }
0x6: {  	s5 =	ssub.s32 $0x64, s3;
	s11 =	smov.u32 s3;
	s4 =	ssub.s32 $0x800, s2  }
0x7: {  	s1 =	rddreg [dreg:$0x1];
	s8 =	sshrl.u32 s5, $0x1;
	s7 =	sand.u32 $0x780, s4  }
0x8: {  	s5 =	sand.u32 $0x1, s5;
	p0 =	sne.s32 s7, $0x0;
	s7 =	simm.s32 $0x1  }
.Ltmp0:
0x9: {  	s4 =	sshrl.u32 s4, $0xB;
	s7 =	simm.s32 @!p0 $0x0;
	(pc) =	sbr.rel .LBB1_1-.Ltmp0, $4  }
0xa: {  	_ =	strace $0x80000053;
	s5 =	sadd.s32 s5, s8;
	s7 =	sadd.s32 s7, s4  }
0xb: {  	s30 =	sadd.s32 s2, s6;
	s4 =	simm.s32 $0x1;
	s5 =	smul.u32 s5, s7  }
0xc: {  	s6 =	sadd.s32 $0xA42000, s6;
	p0 =	por $0x0, $0x0;
	[sflag:s4] =	ssyncpa.u1 $0x0  }
0xd: {  	s7 =	sadd.s32 $0x722000, s30;
	[sflag:s31] =	ssyncpa.u1 $0x0;
	s8 =	sadd.s32 $0x1, s5  }
.LBB1_4:
0xe: {  	v5 =	vld [tilespmem:s18+$0xFFFFFFD0];
	[tilespmem:s17+$0x2040 ss:$0x81] =	vst.msk $0xffff, v1  }
0xf: {  	v58 =	vld [tilespmem:s18+$0xFFFFFFE0];
	[tilespmem:s17+$0x2850 ss:$0x81] =	vst.msk $0xffff, v2  }
0x10: {  	s19 =	sshra.s32 s19, $0x2;
	v59 =	vld [tilespmem:s18+$0xFFFFFFF0];
	[tilespmem:s17+$0x3060 ss:$0x81] =	vst.msk $0xffff, v3  }
0x11: {  	v60 =	vld [tilespmem:s18+$0x0];
	[tilespmem:s17+$0x0 ss:$0x81] =	vst.msk $0xffff, v0;
	s16 =	sadd.s32 s19, s16  }
0x12: {  	v61 =	vld [tilespmem:s18+$0x10];
	s14 =	sand.u32 $0x1FFFFFF, s14;
	[tilespmem:s16+$0x3870 ss:$0x81] =	vst.msk $0xffff, v4  }
0x13: {  	v62 =	vld [tilespmem:s18+$0x20];
	s31 =	smulhi.u32 $0x2762763, s14;
	[tilespmem:s16+$0x810 ss:$0x81] =	vst.msk $0xffff, v5  }
0x14: {  	v63 =	vld [tilespmem:s18+$0xFFFFFFC0];
	[tilespmem:s16+$0x1020 ss:$0x81] =	vst.msk $0xffff, v58  }
0x15: {  	s17 =	smul.u32 $0x68, s31;
	[tilespmem:s16+$0x1830 ss:$0x81] =	vst.msk $0xffff, v59  }
0x16: {  	s13 =	smul.u32 $0x680, s13;
	[tilespmem:s16+$0x2040 ss:$0x81] =	vst.msk $0xffff, v60  }
0x17: {  	[tilespmem:s16+$0x2850 ss:$0x81] =	vst.msk $0xffff, v61;
	s14 =	ssub.s32 s14, s17  }
0x18: {  	s13 =	sadd.s32 s6, s13;
	[tilespmem:s16+$0x3060 ss:$0x81] =	vst.msk $0xffff, v62;
	s14 =	sshll.u32 s14, $0x4  }
0x19: {  	[tilespmem:s16+$0x0 ss:$0x81] =	vst.msk $0xffff, v63;
	s13 =	sadd.s32 s14, s13  }
0x1a: {  	[hbm4b:s13+s9] =	stream.strided.scatter [tilespmem:s15], [sflag:$0x2], $0x4000, s10, s9, $0x20;
	[tilespmem:$0x10100] =	vst v63  }
.LBB1_5:
0x1b: {  	s15 =	sadd.s32 $0x2, s11  }
0x1c: {  	p2 =	sgt.s32 s15, $0x63  }
0x1d: {  	s15 =	smov.u32 @p2 s3;
	p2 =	sne.s32 s12, s8  }
.Ltmp1:
0x1e: {  	p1 =	slt.u32 s12, $0x2;
	(pc) =	sbr.rel @!p2 .LBB1_6-.Ltmp1, $4  }
0x1f: {  	s13 =	simm.s32 @!p1 $0x2  }
0x20: {  	s16 =	sadd.s32 $0x1, s12;
	s14 =	smov.u32 s11;
	_ =	swait.ge @!p1 [sflag:s13], $0x4000  }
0x21: {  	p0 =	por !p0, !p0;
	s12 =	smov.u32 s16;
	[sflag:s13] =	ssyncset.done @!p1 $0x0  }
0x22: {  	s11 =	smov.u32 s15;
	[sflag:s13] =	ssyncadd.s32 @!p1 $0xFFFFC000;
	s13 =	smov.u32 s2  }
.LBB1_1:
0x23: {  	p1 =	sge.u32 s12, s5  }
0x24: {  	s31 =	sadd.s32 $0xFFFFFFFF, s12;
	s15 =	sxor.u32 @!p1 $0xFFFFFFFF, s12  }
0x25: {  	s16 =	sshll.u32 @!p1 s11, $0xF;
	s17 =	simm.s32 @!p1 $0x400;
	s15 =	sshll.u32 @!p1 s15, $0xE  }
0x26: {  	s18 =	simm.s32 @!p1 $0x4000;
	s16 =	sadd.s32 @!p1 s16, s7;
	s15 =	sand.u32 @!p1 $0x4000, s15  }
0x27: {  	[tilespmem:s15], [sflag:$0x1] =	stream.strided.gather @!p1 [hbm4b:s16+s17], $0x4000, s18, s17, $0x38;
	[tilespmem:$0x10100] =	vst v63  }
0x28: {  	p1 =	sge.u32 s31, s5  }
.Ltmp2:
0x29: {  	_ = 	snop;
	(pc) =	sbr.rel @p1 .LBB1_5-.Ltmp2, $1  }
0x2a: {  	_ =	sdelay $0x3  }
0x2b: {  	s15 =	simm.s32 $0x1  }
0x2c: {  	_ =	swait.ge [sflag:s4], $0x4000;
	s15 =	simm.s32 @!p0 $0x0  }
0x2d: {  	[sflag:s4] =	ssyncset.done $0x0;
	s16 =	sshll.u32 s15, $0xE  }
0x2e: {  	[sflag:s4] =	ssyncadd.s32 $0xFFFFC000;
	s18 =	sor.u32 $0x40, s16  }
0x2f: {  	s15 =	smul.u32 $0x10200, s15;
	v0 =	vld [tilespmem:s18+$0x30]  }
0x30: {  	v3 =	vld [tilespmem:s18+$0xFFFFFFD0]  }
0x31: {  	s15 =	sshrl.u32 s15, $0x2;
	v4 =	vld [tilespmem:s18+$0xFFFFFFE0]  }
0x32: {  	v5 =	vld [tilespmem:s18+$0xFFFFFFF0];
	s16 =	sor.u32 $0x8000, s15  }
0x33: {  	s31 =	sand.u32 $0x1, s12;
	v1 =	vld [tilespmem:s18+$0x0];
	s17 =	sadd.s32 $0x0, s16  }
0x34: {  	v2 =	vld [tilespmem:s18+$0x10];
	s15 =	smul.u32 $0x10200, s31;
	[tilespmem:s17+$0x3870 ss:$0x81] =	vst.msk $0xffff, v0  }
0x35: {  	[tilespmem:s17+$0x810 ss:$0x81] =	vst.msk $0xffff, v3;
	v3 =	vld [tilespmem:s18+$0x20]  }
0x36: {  	s15 =	sshrl.u32 s15, $0x2;
	v0 =	vld [tilespmem:s18+$0xFFFFFFC0];
	[tilespmem:s17+$0x1020 ss:$0x81] =	vst.msk $0xffff, v4;
	s18 =	sadd.s32 $0x80, s18  }
0x37: {  	s19 =	simm.s32 $0x4;
	s20 =	simm.s32 $0x8;
	s15 =	sor.u32 $0x8000, s15;
	[tilespmem:s17+$0x1830 ss:$0x81] =	vst.msk $0xffff, v5;
	v4 =	vld [tilespmem:s18+$0x30]  }
.LBB1_3:
0x38: {  	p1 =	sne.s32 s20, $0x1FC;
	v5 =	vld [tilespmem:s18+$0xFFFFFFD0];
	[tilespmem:s17+$0x2040 ss:$0x81] =	vst.msk $0xffff, v1  }
0x39: {  	v6 =	vld [tilespmem:s18+$0xFFFFFFE0];
	[tilespmem:s17+$0x2850 ss:$0x81] =	vst.msk $0xffff, v2  }
0x3a: {  	s21 =	sshra.s32 s19, $0x2;
	s19 =	smov.u32 s20;
	v7 =	vld [tilespmem:s18+$0xFFFFFFF0];
	[tilespmem:s17+$0x3060 ss:$0x81] =	vst.msk $0xffff, v3  }
.Ltmp3:
0x3b: {  	v1 =	vld [tilespmem:s18+$0x0];
	[tilespmem:s17+$0x0 ss:$0x81] =	vst.msk $0xffff, v0;
	s17 =	sadd.s32 s21, s16;
	(pc) =	sbr.rel @p1 .LBB1_3-.Ltmp3, $4  }
0x3c: {  	v2 =	vld [tilespmem:s18+$0x10];
	[tilespmem:s17+$0x3870 ss:$0x81] =	vst.msk $0xffff, v4  }
0x3d: {  	[tilespmem:s17+$0x810 ss:$0x81] =	vst.msk $0xffff, v5;
	v3 =	vld [tilespmem:s18+$0x20]  }
0x3e: {  	v0 =	vld [tilespmem:s18+$0xFFFFFFC0];
	[tilespmem:s17+$0x1020 ss:$0x81] =	vst.msk $0xffff, v6;
	s18 =	sadd.s32 $0x80, s18  }
0x3f: {  	s20 =	sadd.s32 $0x4, s20;
	v4 =	vld [tilespmem:s18+$0x30];
	[tilespmem:s17+$0x1830 ss:$0x81] =	vst.msk $0xffff, v7  }
.Ltmp4:
0x40: {  	_ = 	snop;
	(pc) =	sbr.rel .LBB1_4-.Ltmp4, $1  }
0x41: {  	_ =	sdelay $0x3  }
.LBB1_6:
0x42: {  	_ =	sfence.sel $0x180000  }
0x43: {  	s2 =	simm.s32 $0x1;
	[bflag:$0x0] =	sbarrier.arrive $0xFFFF  }
0x44: {  	s31 =	simm.s32 $0x2;
	[sflag:s2] =	ssyncpa.u1 $0x1  }
0x45: {  	[sflag:s31] =	ssyncpa.u1 $0x1  }
0x46: {  	p0 =	sne.s32 s0, $0x0;
	_ =	strace $0x90000053  }
0x47: {  	s0 =	sadd.s32 @!p0 $0x100000, s1;
	[bflag:$0x2] =	sbarrier.arrive $0xFFFF  }
0x48: {  	[sflag:s0] =	ssyncadd.tile.s32 @!p0 $0x1;
	_ =	shalt  }
.Lfunc_end1:
_tile_overlayer_lowered:
.L_overlay_start_2:
0x49: {  	(tag) =	ssettag $0x2  }
0x4a: {  	s0 =	rddreg [dreg:$0x0];
	s2 =	stileid.u32  }
0x4b: {  	s1 =	rddreg [dreg:$0x1];
	p0 =	sne.s32 s2, $0x0  }
0x4c: {  	s3 =	rddreg [dreg:$0x2];
	[bflag:$0x3] =	sbarrier.arrive $0xFFFF;
	s2 =	simm.s32 @!p0 $0x1C01  }
0x4d: {  	[timem:s3], [sflag:s2] =	dma.local @!p0 [hbm:s0], s1  }
0x4e: {  	s0 =	simm.s32 @!p0 $0x1  }
0x4f: {  	_ =	swait.ge @!p0 [sflag:s0], s1  }
0x50: {  	s1 =	ssub.s32 @!p0 $0x0, s1;
	[sflag:s0] =	ssyncset.done @!p0 $0x0  }
0x51: {  	[sflag:s0] =	ssyncadd.s32 @!p0 s1  }
0x52: {  	[bflag:$0x3] =	sbarrier.arrive $0xFFFF  }
0x53: {  	_ =	shalt  }

</sc_bundles>
